<compile_context>
chip_gen: v7x
topology: tpu7x:2x2x1
jax: 0.10.2.dev20260603
libtpu: 0.0.44.dev20260713+nightly
codegen_flags: <defaults>
</compile_context>

<pallas_src>
import functools

import jax
import jax.numpy as jnp
from jax import lax
from jax.experimental import pallas as pl
from jax.experimental.pallas import tpu as pltpu
from jax.experimental.pallas import tpu_sc as plsc

H = 64
W = 64
HW = H * W
B = 8
NPIX = B * HW
NW = 32
PIX_PER_W = NPIX // NW
K = 4
GATH_PER_W = K * PIX_PER_W
CHUNK = 128
NCHUNK = GATH_PER_W // CHUNK
NVEC = PIX_PER_W // 16
TOTAL = B * K * HW


def _sc_body(corr_hbm, gx_hbm, gy_hbm, vis_hbm, out_hbm,
             gx_v, gy_v, vis_v, idx_v, w_v, vals_v, acc_v, sem):
    wid = lax.axis_index("s") * 2 + lax.axis_index("c")
    base = wid * PIX_PER_W

    pltpu.sync_copy(gx_hbm.at[pl.ds(base, PIX_PER_W)], gx_v)
    pltpu.sync_copy(gy_hbm.at[pl.ds(base, PIX_PER_W)], gy_v)
    pltpu.sync_copy(vis_hbm.at[pl.ds(base, PIX_PER_W)], vis_v)

    lane = lax.iota(jnp.int32, 16)

    def block(blk, _):
        blkoff = blk * CHUNK
        for ii in range(CHUNK // 16):
            off = blkoff + ii * 16
            gx = gx_v[pl.ds(off, 16)]
            gy = gy_v[pl.ds(off, 16)]
            vis = vis_v[pl.ds(off, 16)]
            gxg = (gx + 1.0) * ((W - 1.0) / 2.0)
            gyg = (gy + 1.0) * ((H - 1.0) / 2.0)
            fxi = gxg.astype(jnp.int32)
            fyi = gyg.astype(jnp.int32)
            fx = fxi.astype(jnp.float32)
            fy = fyi.astype(jnp.float32)
            wx0 = fx + 1.0 - gxg
            wx1 = gxg - fx
            wy0 = fy + 1.0 - gyg
            wy1 = gyg - fy
            m = base + off + lane
            bb = m >> 12
            r = m & (HW - 1)
            rowpart = (bb << 24) + ((r >> 3) << 15) + ((r & 7) << 7)
            for k, (ox, oy, wgt) in enumerate((
                    (0, 0, wy0 * wx0),
                    (0, 1, wy0 * wx1),
                    (1, 0, wy1 * wx0),
                    (1, 1, wy1 * wx1))):
                xi = jnp.minimum(jnp.maximum(fyi + ox, 0), H - 1)
                yi = jnp.minimum(jnp.maximum(fxi + oy, 0), W - 1)
                c = xi * W + yi
                pos = k * PIX_PER_W + off
                idx_v[pl.ds(pos, 16)] = rowpart + ((c >> 7) << 10) + (c & 127)
                w_v[pl.ds(pos, 16)] = wgt * vis
        for k in range(K):
            s = k * PIX_PER_W + blkoff
            pltpu.async_copy(corr_hbm.at[idx_v.at[pl.ds(s, CHUNK)]],
                             vals_v.at[pl.ds(s, CHUNK)], sem)
        return 0

    lax.fori_loop(0, PIX_PER_W // CHUNK, block, 0)
    pltpu.make_async_copy(corr_hbm.at[pl.ds(0, GATH_PER_W)], vals_v, sem).wait()

    def reduce(j, acc):
        off = j * 16
        vis = vis_v[pl.ds(off, 16)]
        for k in range(K):
            pos = k * PIX_PER_W + off
            acc = acc + jnp.abs(vals_v[pl.ds(pos, 16)] * vis
                                - w_v[pl.ds(pos, 16)])
        return acc

    acc = lax.fori_loop(0, NVEC, reduce,
                        jnp.zeros((16,), jnp.float32), unroll=2)
    acc_v[...] = acc * (1.0 / TOTAL)
    pltpu.sync_copy(acc_v, out_hbm.at[wid])


@jax.jit
def kernel(corr_m, gt_flow, vis_mask):
    corr_flat = (
        corr_m.reshape(B, HW // 8, 8, HW // 128, 128)
        .transpose(0, 1, 3, 2, 4)
        .reshape(-1)
    )
    gx = gt_flow[:, 0].reshape(-1)
    gy = gt_flow[:, 1].reshape(-1)
    vis = vis_mask.reshape(-1)

    mesh = plsc.VectorSubcoreMesh(core_axis_name="c", subcore_axis_name="s")
    out = pl.kernel(
        _sc_body,
        out_type=jax.ShapeDtypeStruct((NW, 16), jnp.float32),
        mesh=mesh,
        scratch_types=[
            pltpu.VMEM((PIX_PER_W,), jnp.float32),
            pltpu.VMEM((PIX_PER_W,), jnp.float32),
            pltpu.VMEM((PIX_PER_W,), jnp.float32),
            pltpu.VMEM((GATH_PER_W,), jnp.int32),
            pltpu.VMEM((GATH_PER_W,), jnp.float32),
            pltpu.VMEM((GATH_PER_W,), jnp.float32),
            pltpu.VMEM((16,), jnp.float32),
            pltpu.SemaphoreType.DMA,
        ],
    )(corr_flat, gx, gy, vis)
    return jnp.sum(out)

# --- scband reference (transcript-rebuilt; emitter-appended) ---
"""Pipeline reference for scband-smplloss-64072322121836 (READ-ONLY COPY).

The authoritative reference and input builder live on the scoring server;
editing this copy changes nothing except your own understanding.
"""

import jax, jax.numpy as jnp
import numpy as np

SCALE = 64

def setup_inputs(seed: int = 0) -> dict:
    key = jax.random.key(seed)
    k1, k2, k3 = jax.random.split(key, 3)
    corr_m = jax.random.uniform(k1, (8, SCALE * SCALE, SCALE * SCALE), dtype=jnp.float32)
    gt_flow = jax.random.uniform(k2, (8, 2, SCALE, SCALE), dtype=jnp.float32)
    vis_mask = jax.random.uniform(k3, (8, 1, SCALE, SCALE), dtype=jnp.float32)
    return {"corr_m": corr_m, "gt_flow": gt_flow, "vis_mask": vis_mask}


def reference(corr_m, gt_flow, vis_mask):
    batch_size, c, h, w = gt_flow.shape
    # gt_grid: channel 0 scaled by w, channel 1 scaled by h
    gt_grid = jnp.concatenate(
        [(gt_flow[:, i:i + 1, :, :] + 1.0) * (size - 1.0) / 2 for i, size in enumerate([w, h])],
        axis=1,
    )
    floor_grid = jnp.floor(gt_grid)
    offset_x = [0, 0, 1, 1]
    offset_y = [0, 1, 0, 1]
    fg0 = (floor_grid[:, 1:2] + 1 - gt_grid[:, 1:2]) * (floor_grid[:, 0:1] + 1 - gt_grid[:, 0:1])
    fg1 = (floor_grid[:, 1:2] + 1 - gt_grid[:, 1:2]) * (gt_grid[:, 0:1] - floor_grid[:, 0:1])
    fg2 = (gt_grid[:, 1:2] - floor_grid[:, 1:2]) * (floor_grid[:, 0:1] + 1 - gt_grid[:, 0:1])
    fg3 = (gt_grid[:, 1:2] - floor_grid[:, 1:2]) * (gt_grid[:, 0:1] - floor_grid[:, 0:1])
    filtered_gts = jnp.concatenate([fg0, fg1, fg2, fg3], axis=1)
    scale = 64
    corr_view = jnp.transpose(corr_m, (0, 2, 1)).reshape(batch_size, scale * scale, scale, scale)
    filtered_corrs = []
    for i in range(4):
        x = jnp.clip(floor_grid[:, 1:2, :, :] + offset_x[i], 0, h - 1)
        y = jnp.clip(floor_grid[:, 0:1, :, :] + offset_y[i], 0, w - 1)
        idx = jax.lax.stop_gradient((x * w + y)).astype(jnp.int32)
        filtered_corr = jnp.take_along_axis(corr_view, idx, axis=1)
        filtered_corrs.append(filtered_corr)
    filtered_corr_out = jnp.concatenate(filtered_corrs, axis=1)
    return jnp.mean(jnp.abs(filtered_corr_out * vis_mask - filtered_gts * vis_mask))

if __name__ == "__main__":
    import jax
    _d = setup_inputs()
    print(jax.jit(kernel)(*tuple(_d.values())))

</pallas_src>

<mosaic_0001>
#map = affine_map<(d0, d1) -> (0)>
#map1 = affine_map<(d0, d1) -> (0, 0)>
module attributes {stable_mosaic.version = 14 : i64} {
  func.func @_sc_body(%arg0: i32, %arg1: i32, %arg2: memref<134217728xf32, #tpu.memory_space<hbm>>, %arg3: memref<32768xf32, #tpu.memory_space<hbm>>, %arg4: memref<32768xf32, #tpu.memory_space<hbm>>, %arg5: memref<32768xf32, #tpu.memory_space<hbm>>, %arg6: memref<32x16xf32, #tpu.memory_space<hbm>>, %arg7: memref<1024xf32, #tpu.memory_space<vmem>>, %arg8: memref<1024xf32, #tpu.memory_space<vmem>>, %arg9: memref<1024xf32, #tpu.memory_space<vmem>>, %arg10: memref<4096xi32, #tpu.memory_space<vmem>>, %arg11: memref<4096xf32, #tpu.memory_space<vmem>>, %arg12: memref<4096xf32, #tpu.memory_space<vmem>>, %arg13: memref<16xf32, #tpu.memory_space<vmem>>, %arg14: memref<!tpu.dma_semaphore, #tpu.memory_space<semaphore_mem>>) attributes {dimension_semantics = [#tpu.dimension_semantics<core_parallel>, #tpu.dimension_semantics<subcore_parallel>], iteration_bounds = array<i64: 2, 16>, scalar_prefetch = 0 : i64, scratch_operands = 8 : i64, tpu.core_type = #tpu.core_type<sc_vector_subcore>, window_params = [{transform_indices = #map}, {transform_indices = #map}, {transform_indices = #map}, {transform_indices = #map}, {transform_indices = #map1}]} {
    %mul3A = arith.constant 2 : i32
    %mul3A_0 = arith.muli %arg1, %mul3A : i32
    %add3A = arith.addi %mul3A_0, %arg0 : i32
    %mul3A_1 = arith.constant 1024 : i32
    %mul3A_2 = arith.muli %add3A, %mul3A_1 : i32
    "tpu.region"() ({
      %run_scoped3A = tpu.sem_alloc : memref<!tpu.dma_semaphore, #tpu.memory_space<semaphore_mem>>
      %dma_start3A = tpu.memref_slice %arg3[%mul3A_2] : memref<32768xf32, #tpu.memory_space<hbm>> -> memref<1024xf32, #tpu.memory_space<hbm>>
      %dma_start3A_25 = tpu.memref_slice %arg3[%mul3A_2] : memref<32768xf32, #tpu.memory_space<hbm>> -> memref<1024xf32, #tpu.memory_space<hbm>>
      tpu.enqueue_dma source(%dma_start3A_25 : memref<1024xf32, #tpu.memory_space<hbm>>) target(%arg7 : memref<1024xf32, #tpu.memory_space<vmem>>) target_semaphore(%run_scoped3A : memref<!tpu.dma_semaphore, #tpu.memory_space<semaphore_mem>>)
      %dma_wait3A_26 = tpu.memref_slice %arg3[%mul3A_2] : memref<32768xf32, #tpu.memory_space<hbm>> -> memref<1024xf32, #tpu.memory_space<hbm>>
      %dma_wait3A_27 = tpu.memref_slice %arg3[%mul3A_2] : memref<32768xf32, #tpu.memory_space<hbm>> -> memref<1024xf32, #tpu.memory_space<hbm>>
      tpu.wait_dma2 semaphore(%run_scoped3A : memref<!tpu.dma_semaphore, #tpu.memory_space<semaphore_mem>>) src(%dma_wait3A_27 : memref<1024xf32, #tpu.memory_space<hbm>>) dst(%arg7 : memref<1024xf32, #tpu.memory_space<vmem>>)
      tpu.yield
    }) : () -> ()
    "tpu.region"() ({
      %run_scoped3A = tpu.sem_alloc : memref<!tpu.dma_semaphore, #tpu.memory_space<semaphore_mem>>
      %dma_start3A = tpu.memref_slice %arg4[%mul3A_2] : memref<32768xf32, #tpu.memory_space<hbm>> -> memref<1024xf32, #tpu.memory_space<hbm>>
      %dma_start3A_25 = tpu.memref_slice %arg4[%mul3A_2] : memref<32768xf32, #tpu.memory_space<hbm>> -> memref<1024xf32, #tpu.memory_space<hbm>>
      tpu.enqueue_dma source(%dma_start3A_25 : memref<1024xf32, #tpu.memory_space<hbm>>) target(%arg8 : memref<1024xf32, #tpu.memory_space<vmem>>) target_semaphore(%run_scoped3A : memref<!tpu.dma_semaphore, #tpu.memory_space<semaphore_mem>>)
      %dma_wait3A_26 = tpu.memref_slice %arg4[%mul3A_2] : memref<32768xf32, #tpu.memory_space<hbm>> -> memref<1024xf32, #tpu.memory_space<hbm>>
      %dma_wait3A_27 = tpu.memref_slice %arg4[%mul3A_2] : memref<32768xf32, #tpu.memory_space<hbm>> -> memref<1024xf32, #tpu.memory_space<hbm>>
      tpu.wait_dma2 semaphore(%run_scoped3A : memref<!tpu.dma_semaphore, #tpu.memory_space<semaphore_mem>>) src(%dma_wait3A_27 : memref<1024xf32, #tpu.memory_space<hbm>>) dst(%arg8 : memref<1024xf32, #tpu.memory_space<vmem>>)
      tpu.yield
    }) : () -> ()
    "tpu.region"() ({
      %run_scoped3A = tpu.sem_alloc : memref<!tpu.dma_semaphore, #tpu.memory_space<semaphore_mem>>
      %dma_start3A = tpu.memref_slice %arg5[%mul3A_2] : memref<32768xf32, #tpu.memory_space<hbm>> -> memref<1024xf32, #tpu.memory_space<hbm>>
      %dma_start3A_25 = tpu.memref_slice %arg5[%mul3A_2] : memref<32768xf32, #tpu.memory_space<hbm>> -> memref<1024xf32, #tpu.memory_space<hbm>>
      tpu.enqueue_dma source(%dma_start3A_25 : memref<1024xf32, #tpu.memory_space<hbm>>) target(%arg9 : memref<1024xf32, #tpu.memory_space<vmem>>) target_semaphore(%run_scoped3A : memref<!tpu.dma_semaphore, #tpu.memory_space<semaphore_mem>>)
      %dma_wait3A_26 = tpu.memref_slice %arg5[%mul3A_2] : memref<32768xf32, #tpu.memory_space<hbm>> -> memref<1024xf32, #tpu.memory_space<hbm>>
      %dma_wait3A_27 = tpu.memref_slice %arg5[%mul3A_2] : memref<32768xf32, #tpu.memory_space<hbm>> -> memref<1024xf32, #tpu.memory_space<hbm>>
      tpu.wait_dma2 semaphore(%run_scoped3A : memref<!tpu.dma_semaphore, #tpu.memory_space<semaphore_mem>>) src(%dma_wait3A_27 : memref<1024xf32, #tpu.memory_space<hbm>>) dst(%arg9 : memref<1024xf32, #tpu.memory_space<vmem>>)
      tpu.yield
    }) : () -> ()
    %iota3A = tpu.iota {dimensions = array<i32: 0>} : vector<16xi32>
    %scan3A = arith.constant 0 : i32
    %scan3A_3 = arith.constant 0 : i32
    %scan3A_4 = arith.constant 8 : i32
    %scan3A_5 = arith.addi %scan3A_3, %scan3A_4 : i32
    %scan3A_6 = arith.constant 1 : i32
    %scan3A_7 = scf.for %scan3A_25 = %scan3A_3 to %scan3A_5 step %scan3A_6 iter_args(%scan3A_26 = %scan3A) -> (i32)  : i32 {
      %mul3A_27 = arith.constant 128 : i32
      %mul3A_28 = arith.muli %scan3A_25, %mul3A_27 : i32
      %add3A_29 = arith.constant 0 : i32
      %add3A_30 = arith.addi %mul3A_28, %add3A_29 : i32
      %get3A = arith.index_cast %add3A_30 : i32 to index
      %get3A_31 = tpu.vector_load %arg7[%get3A] {strides = array<i32>} : memref<1024xf32, #tpu.memory_space<vmem>>, vector<16xf32>,
      %get3A_32 = vector.shape_cast %get3A_31 : vector<16xf32> to vector<16xf32>
      %get3A_33 = arith.index_cast %add3A_30 : i32 to index
      %get3A_34 = tpu.vector_load %arg8[%get3A_33] {strides = array<i32>} : memref<1024xf32, #tpu.memory_space<vmem>>, vector<16xf32>,
      %get3A_35 = vector.shape_cast %get3A_34 : vector<16xf32> to vector<16xf32>
      %get3A_36 = arith.index_cast %add3A_30 : i32 to index
      %get3A_37 = tpu.vector_load %arg9[%get3A_36] {strides = array<i32>} : memref<1024xf32, #tpu.memory_space<vmem>>, vector<16xf32>,
      %get3A_38 = vector.shape_cast %get3A_37 : vector<16xf32> to vector<16xf32>
      %add3A_39 = arith.constant 1.000000e+00 : f32
      %add3A_40 = vector.broadcast %add3A_39 : f32 to vector<16xf32>
      %add3A_41 = arith.addf %get3A_32, %add3A_40 : vector<16xf32>
      %mul3A_42 = arith.constant 3.150000e+01 : f32
      %mul3A_43 = vector.broadcast %mul3A_42 : f32 to vector<16xf32>
      %mul3A_44 = arith.mulf %add3A_41, %mul3A_43 : vector<16xf32>
      %add3A_45 = arith.constant 1.000000e+00 : f32
      %add3A_46 = vector.broadcast %add3A_45 : f32 to vector<16xf32>
      %add3A_47 = arith.addf %get3A_35, %add3A_46 : vector<16xf32>
      %mul3A_48 = arith.constant 3.150000e+01 : f32
      %mul3A_49 = vector.broadcast %mul3A_48 : f32 to vector<16xf32>
      %mul3A_50 = arith.mulf %add3A_47, %mul3A_49 : vector<16xf32>
      %convert_element_type3A = arith.fptosi %mul3A_44 : vector<16xf32> to vector<16xi32>
      %convert_element_type3A_51 = arith.fptosi %mul3A_50 : vector<16xf32> to vector<16xi32>
      %convert_element_type3A_52 = arith.sitofp %convert_element_type3A : vector<16xi32> to vector<16xf32>
      %convert_element_type3A_53 = arith.sitofp %convert_element_type3A_51 : vector<16xi32> to vector<16xf32>
      %add3A_54 = arith.constant 1.000000e+00 : f32
      %add3A_55 = vector.broadcast %add3A_54 : f32 to vector<16xf32>
      %add3A_56 = arith.addf %convert_element_type3A_52, %add3A_55 : vector<16xf32>
      %sub3A = arith.subf %add3A_56, %mul3A_44 : vector<16xf32>
      %sub3A_57 = arith.subf %mul3A_44, %convert_element_type3A_52 : vector<16xf32>
      %add3A_58 = arith.constant 1.000000e+00 : f32
      %add3A_59 = vector.broadcast %add3A_58 : f32 to vector<16xf32>
      %add3A_60 = arith.addf %convert_element_type3A_53, %add3A_59 : vector<16xf32>
      %sub3A_61 = arith.subf %add3A_60, %mul3A_50 : vector<16xf32>
      %sub3A_62 = arith.subf %mul3A_50, %convert_element_type3A_53 : vector<16xf32>
      %add3A_63 = arith.addi %mul3A_2, %add3A_30 : i32
      %add3A_64 = vector.broadcast %add3A_63 : i32 to vector<16xi32>
      %add3A_65 = arith.addi %add3A_64, %iota3A : vector<16xi32>
      %shift_right_arithmetic3A = arith.constant 12 : i32
      %shift_right_arithmetic3A_66 = vector.broadcast %shift_right_arithmetic3A : i32 to vector<16xi32>
      %shift_right_arithmetic3A_67 = arith.shrsi %add3A_65, %shift_right_arithmetic3A_66 : vector<16xi32>
      %and3A = arith.constant 4095 : i32
      %and3A_68 = vector.broadcast %and3A : i32 to vector<16xi32>
      %and3A_69 = arith.andi %add3A_65, %and3A_68 : vector<16xi32>
      %shift_left3A = arith.constant 24 : i32
      %shift_left3A_70 = vector.broadcast %shift_left3A : i32 to vector<16xi32>
      %shift_left3A_71 = arith.shli %shift_right_arithmetic3A_67, %shift_left3A_70 : vector<16xi32>
      %shift_right_arithmetic3A_72 = arith.constant 3 : i32
      %shift_right_arithmetic3A_73 = vector.broadcast %shift_right_arithmetic3A_72 : i32 to vector<16xi32>
      %shift_right_arithmetic3A_74 = arith.shrsi %and3A_69, %shift_right_arithmetic3A_73 : vector<16xi32>
      %shift_left3A_75 = arith.constant 15 : i32
      %shift_left3A_76 = vector.broadcast %shift_left3A_75 : i32 to vector<16xi32>
      %shift_left3A_77 = arith.shli %shift_right_arithmetic3A_74, %shift_left3A_76 : vector<16xi32>
      %add3A_78 = arith.addi %shift_left3A_71, %shift_left3A_77 : vector<16xi32>
      %and3A_79 = arith.constant 7 : i32
      %and3A_80 = vector.broadcast %and3A_79 : i32 to vector<16xi32>
      %and3A_81 = arith.andi %and3A_69, %and3A_80 : vector<16xi32>
      %shift_left3A_82 = arith.constant 7 : i32
      %shift_left3A_83 = vector.broadcast %shift_left3A_82 : i32 to vector<16xi32>
      %shift_left3A_84 = arith.shli %and3A_81, %shift_left3A_83 : vector<16xi32>
      %add3A_85 = arith.addi %add3A_78, %shift_left3A_84 : vector<16xi32>
      %mul3A_86 = arith.mulf %sub3A_61, %sub3A : vector<16xf32>
      %mul3A_87 = arith.mulf %sub3A_61, %sub3A_57 : vector<16xf32>
      %mul3A_88 = arith.mulf %sub3A_62, %sub3A : vector<16xf32>
      %mul3A_89 = arith.mulf %sub3A_62, %sub3A_57 : vector<16xf32>
      %add3A_90 = arith.constant 0 : i32
      %add3A_91 = vector.broadcast %add3A_90 : i32 to vector<16xi32>
      %add3A_92 = arith.addi %convert_element_type3A_51, %add3A_91 : vector<16xi32>
      %max3A = arith.constant 0 : i32
      %max3A_93 = vector.broadcast %max3A : i32 to vector<16xi32>
      %max3A_94 = arith.maxsi %add3A_92, %max3A_93 : vector<16xi32>
      %min3A = arith.constant 63 : i32
      %min3A_95 = vector.broadcast %min3A : i32 to vector<16xi32>
      %min3A_96 = arith.minsi %max3A_94, %min3A_95 : vector<16xi32>
      %add3A_97 = arith.constant 0 : i32
      %add3A_98 = vector.broadcast %add3A_97 : i32 to vector<16xi32>
      %add3A_99 = arith.addi %convert_element_type3A, %add3A_98 : vector<16xi32>
      %max3A_100 = arith.constant 0 : i32
      %max3A_101 = vector.broadcast %max3A_100 : i32 to vector<16xi32>
      %max3A_102 = arith.maxsi %add3A_99, %max3A_101 : vector<16xi32>
      %min3A_103 = arith.constant 63 : i32
      %min3A_104 = vector.broadcast %min3A_103 : i32 to vector<16xi32>
      %min3A_105 = arith.minsi %max3A_102, %min3A_104 : vector<16xi32>
      %mul3A_106 = arith.constant 64 : i32
      %mul3A_107 = vector.broadcast %mul3A_106 : i32 to vector<16xi32>
      %mul3A_108 = arith.muli %min3A_96, %mul3A_107 : vector<16xi32>
      %add3A_109 = arith.addi %mul3A_108, %min3A_105 : vector<16xi32>
      %add3A_110 = arith.constant 0 : i32
      %add3A_111 = arith.addi %add3A_110, %add3A_30 : i32
      %shift_right_arithmetic3A_112 = arith.constant 7 : i32
      %shift_right_arithmetic3A_113 = vector.broadcast %shift_right_arithmetic3A_112 : i32 to vector<16xi32>
      %shift_right_arithmetic3A_114 = arith.shrsi %add3A_109, %shift_right_arithmetic3A_113 : vector<16xi32>
      %shift_left3A_115 = arith.constant 10 : i32
      %shift_left3A_116 = vector.broadcast %shift_left3A_115 : i32 to vector<16xi32>
      %shift_left3A_117 = arith.shli %shift_right_arithmetic3A_114, %shift_left3A_116 : vector<16xi32>
      %add3A_118 = arith.addi %add3A_85, %shift_left3A_117 : vector<16xi32>
      %and3A_119 = arith.constant 127 : i32
      %and3A_120 = vector.broadcast %and3A_119 : i32 to vector<16xi32>
      %and3A_121 = arith.andi %add3A_109, %and3A_120 : vector<16xi32>
      %add3A_122 = arith.addi %add3A_118, %and3A_121 : vector<16xi32>
      %swap3A_123 = arith.index_cast %add3A_111 : i32 to index
      %swap3A_124 = tpu.vector_load %arg10[%swap3A_123] {strides = array<i32>} : memref<4096xi32, #tpu.memory_space<vmem>>, vector<16xi32>,
      %swap3A_125 = vector.shape_cast %swap3A_124 : vector<16xi32> to vector<16xi32>
      %swap3A_126 = vector.shape_cast %add3A_122 : vector<16xi32> to vector<16xi32>
      tpu.vector_store %arg10[%swap3A_123], %swap3A_126 {strides = array<i32>} : memref<4096xi32, #tpu.memory_space<vmem>>, vector<16xi32>,
      %mul3A_127 = arith.mulf %mul3A_86, %get3A_38 : vector<16xf32>
      %swap3A_128 = arith.index_cast %add3A_111 : i32 to index
      %swap3A_129 = tpu.vector_load %arg11[%swap3A_128] {strides = array<i32>} : memref<4096xf32, #tpu.memory_space<vmem>>, vector<16xf32>,
      %swap3A_130 = vector.shape_cast %swap3A_129 : vector<16xf32> to vector<16xf32>
      %swap3A_131 = vector.shape_cast %mul3A_127 : vector<16xf32> to vector<16xf32>
      tpu.vector_store %arg11[%swap3A_128], %swap3A_131 {strides = array<i32>} : memref<4096xf32, #tpu.memory_space<vmem>>, vector<16xf32>,
      %add3A_132 = arith.constant 0 : i32
      %add3A_133 = vector.broadcast %add3A_132 : i32 to vector<16xi32>
      %add3A_134 = arith.addi %convert_element_type3A_51, %add3A_133 : vector<16xi32>
      %max3A_135 = arith.constant 0 : i32
      %max3A_136 = vector.broadcast %max3A_135 : i32 to vector<16xi32>
      %max3A_137 = arith.maxsi %add3A_134, %max3A_136 : vector<16xi32>
      %min3A_138 = arith.constant 63 : i32
      %min3A_139 = vector.broadcast %min3A_138 : i32 to vector<16xi32>
      %min3A_140 = arith.minsi %max3A_137, %min3A_139 : vector<16xi32>
      %add3A_141 = arith.constant 1 : i32
      %add3A_142 = vector.broadcast %add3A_141 : i32 to vector<16xi32>
      %add3A_143 = arith.addi %convert_element_type3A, %add3A_142 : vector<16xi32>
      %max3A_144 = arith.constant 0 : i32
      %max3A_145 = vector.broadcast %max3A_144 : i32 to vector<16xi32>
      %max3A_146 = arith.maxsi %add3A_143, %max3A_145 : vector<16xi32>
      %min3A_147 = arith.constant 63 : i32
      %min3A_148 = vector.broadcast %min3A_147 : i32 to vector<16xi32>
      %min3A_149 = arith.minsi %max3A_146, %min3A_148 : vector<16xi32>
      %mul3A_150 = arith.constant 64 : i32
      %mul3A_151 = vector.broadcast %mul3A_150 : i32 to vector<16xi32>
      %mul3A_152 = arith.muli %min3A_140, %mul3A_151 : vector<16xi32>
      %add3A_153 = arith.addi %mul3A_152, %min3A_149 : vector<16xi32>
      %add3A_154 = arith.constant 1024 : i32
      %add3A_155 = arith.addi %add3A_154, %add3A_30 : i32
      %shift_right_arithmetic3A_156 = arith.constant 7 : i32
      %shift_right_arithmetic3A_157 = vector.broadcast %shift_right_arithmetic3A_156 : i32 to vector<16xi32>
      %shift_right_arithmetic3A_158 = arith.shrsi %add3A_153, %shift_right_arithmetic3A_157 : vector<16xi32>
      %shift_left3A_159 = arith.constant 10 : i32
      %shift_left3A_160 = vector.broadcast %shift_left3A_159 : i32 to vector<16xi32>
      %shift_left3A_161 = arith.shli %shift_right_arithmetic3A_158, %shift_left3A_160 : vector<16xi32>
      %add3A_162 = arith.addi %add3A_85, %shift_left3A_161 : vector<16xi32>
      %and3A_163 = arith.constant 127 : i32
      %and3A_164 = vector.broadcast %and3A_163 : i32 to vector<16xi32>
      %and3A_165 = arith.andi %add3A_153, %and3A_164 : vector<16xi32>
      %add3A_166 = arith.addi %add3A_162, %and3A_165 : vector<16xi32>
      %swap3A_167 = arith.index_cast %add3A_155 : i32 to index
      %swap3A_168 = tpu.vector_load %arg10[%swap3A_167] {strides = array<i32>} : memref<4096xi32, #tpu.memory_space<vmem>>, vector<16xi32>,
      %swap3A_169 = vector.shape_cast %swap3A_168 : vector<16xi32> to vector<16xi32>
      %swap3A_170 = vector.shape_cast %add3A_166 : vector<16xi32> to vector<16xi32>
      tpu.vector_store %arg10[%swap3A_167], %swap3A_170 {strides = array<i32>} : memref<4096xi32, #tpu.memory_space<vmem>>, vector<16xi32>,
      %mul3A_171 = arith.mulf %mul3A_87, %get3A_38 : vector<16xf32>
      %swap3A_172 = arith.index_cast %add3A_155 : i32 to index
      %swap3A_173 = tpu.vector_load %arg11[%swap3A_172] {strides = array<i32>} : memref<4096xf32, #tpu.memory_space<vmem>>, vector<16xf32>,
      %swap3A_174 = vector.shape_cast %swap3A_173 : vector<16xf32> to vector<16xf32>
      %swap3A_175 = vector.shape_cast %mul3A_171 : vector<16xf32> to vector<16xf32>
      tpu.vector_store %arg11[%swap3A_172], %swap3A_175 {strides = array<i32>} : memref<4096xf32, #tpu.memory_space<vmem>>, vector<16xf32>,
      %add3A_176 = arith.constant 1 : i32
      %add3A_177 = vector.broadcast %add3A_176 : i32 to vector<16xi32>
      %add3A_178 = arith.addi %convert_element_type3A_51, %add3A_177 : vector<16xi32>
      %max3A_179 = arith.constant 0 : i32
      %max3A_180 = vector.broadcast %max3A_179 : i32 to vector<16xi32>
      %max3A_181 = arith.maxsi %add3A_178, %max3A_180 : vector<16xi32>
      %min3A_182 = arith.constant 63 : i32
      %min3A_183 = vector.broadcast %min3A_182 : i32 to vector<16xi32>
      %min3A_184 = arith.minsi %max3A_181, %min3A_183 : vector<16xi32>
      %add3A_185 = arith.constant 0 : i32
      %add3A_186 = vector.broadcast %add3A_185 : i32 to vector<16xi32>
      %add3A_187 = arith.addi %convert_element_type3A, %add3A_186 : vector<16xi32>
      %max3A_188 = arith.constant 0 : i32
      %max3A_189 = vector.broadcast %max3A_188 : i32 to vector<16xi32>
      %max3A_190 = arith.maxsi %add3A_187, %max3A_189 : vector<16xi32>
      %min3A_191 = arith.constant 63 : i32
      %min3A_192 = vector.broadcast %min3A_191 : i32 to vector<16xi32>
      %min3A_193 = arith.minsi %max3A_190, %min3A_192 : vector<16xi32>
      %mul3A_194 = arith.constant 64 : i32
      %mul3A_195 = vector.broadcast %mul3A_194 : i32 to vector<16xi32>
      %mul3A_196 = arith.muli %min3A_184, %mul3A_195 : vector<16xi32>
      %add3A_197 = arith.addi %mul3A_196, %min3A_193 : vector<16xi32>
      %add3A_198 = arith.constant 2048 : i32
      %add3A_199 = arith.addi %add3A_198, %add3A_30 : i32
      %shift_right_arithmetic3A_200 = arith.constant 7 : i32
      %shift_right_arithmetic3A_201 = vector.broadcast %shift_right_arithmetic3A_200 : i32 to vector<16xi32>
      %shift_right_arithmetic3A_202 = arith.shrsi %add3A_197, %shift_right_arithmetic3A_201 : vector<16xi32>
      %shift_left3A_203 = arith.constant 10 : i32
      %shift_left3A_204 = vector.broadcast %shift_left3A_203 : i32 to vector<16xi32>
      %shift_left3A_205 = arith.shli %shift_right_arithmetic3A_202, %shift_left3A_204 : vector<16xi32>
      %add3A_206 = arith.addi %add3A_85, %shift_left3A_205 : vector<16xi32>
      %and3A_207 = arith.constant 127 : i32
      %and3A_208 = vector.broadcast %and3A_207 : i32 to vector<16xi32>
      %and3A_209 = arith.andi %add3A_197, %and3A_208 : vector<16xi32>
      %add3A_210 = arith.addi %add3A_206, %and3A_209 : vector<16xi32>
      %swap3A_211 = arith.index_cast %add3A_199 : i32 to index
      %swap3A_212 = tpu.vector_load %arg10[%swap3A_211] {strides = array<i32>} : memref<4096xi32, #tpu.memory_space<vmem>>, vector<16xi32>,
      %swap3A_213 = vector.shape_cast %swap3A_212 : vector<16xi32> to vector<16xi32>
      %swap3A_214 = vector.shape_cast %add3A_210 : vector<16xi32> to vector<16xi32>
      tpu.vector_store %arg10[%swap3A_211], %swap3A_214 {strides = array<i32>} : memref<4096xi32, #tpu.memory_space<vmem>>, vector<16xi32>,
      %mul3A_215 = arith.mulf %mul3A_88, %get3A_38 : vector<16xf32>
      %swap3A_216 = arith.index_cast %add3A_199 : i32 to index
      %swap3A_217 = tpu.vector_load %arg11[%swap3A_216] {strides = array<i32>} : memref<4096xf32, #tpu.memory_space<vmem>>, vector<16xf32>,
      %swap3A_218 = vector.shape_cast %swap3A_217 : vector<16xf32> to vector<16xf32>
      %swap3A_219 = vector.shape_cast %mul3A_215 : vector<16xf32> to vector<16xf32>
      tpu.vector_store %arg11[%swap3A_216], %swap3A_219 {strides = array<i32>} : memref<4096xf32, #tpu.memory_space<vmem>>, vector<16xf32>,
      %add3A_220 = arith.constant 1 : i32
      %add3A_221 = vector.broadcast %add3A_220 : i32 to vector<16xi32>
      %add3A_222 = arith.addi %convert_element_type3A_51, %add3A_221 : vector<16xi32>
      %max3A_223 = arith.constant 0 : i32
      %max3A_224 = vector.broadcast %max3A_223 : i32 to vector<16xi32>
      %max3A_225 = arith.maxsi %add3A_222, %max3A_224 : vector<16xi32>
      %min3A_226 = arith.constant 63 : i32
      %min3A_227 = vector.broadcast %min3A_226 : i32 to vector<16xi32>
      %min3A_228 = arith.minsi %max3A_225, %min3A_227 : vector<16xi32>
      %add3A_229 = arith.constant 1 : i32
      %add3A_230 = vector.broadcast %add3A_229 : i32 to vector<16xi32>
      %add3A_231 = arith.addi %convert_element_type3A, %add3A_230 : vector<16xi32>
      %max3A_232 = arith.constant 0 : i32
      %max3A_233 = vector.broadcast %max3A_232 : i32 to vector<16xi32>
      %max3A_234 = arith.maxsi %add3A_231, %max3A_233 : vector<16xi32>
      %min3A_235 = arith.constant 63 : i32
      %min3A_236 = vector.broadcast %min3A_235 : i32 to vector<16xi32>
      %min3A_237 = arith.minsi %max3A_234, %min3A_236 : vector<16xi32>
      %mul3A_238 = arith.constant 64 : i32
      %mul3A_239 = vector.broadcast %mul3A_238 : i32 to vector<16xi32>
      %mul3A_240 = arith.muli %min3A_228, %mul3A_239 : vector<16xi32>
      %add3A_241 = arith.addi %mul3A_240, %min3A_237 : vector<16xi32>
      %add3A_242 = arith.constant 3072 : i32
      %add3A_243 = arith.addi %add3A_242, %add3A_30 : i32
      %shift_right_arithmetic3A_244 = arith.constant 7 : i32
      %shift_right_arithmetic3A_245 = vector.broadcast %shift_right_arithmetic3A_244 : i32 to vector<16xi32>
      %shift_right_arithmetic3A_246 = arith.shrsi %add3A_241, %shift_right_arithmetic3A_245 : vector<16xi32>
      %shift_left3A_247 = arith.constant 10 : i32
      %shift_left3A_248 = vector.broadcast %shift_left3A_247 : i32 to vector<16xi32>
      %shift_left3A_249 = arith.shli %shift_right_arithmetic3A_246, %shift_left3A_248 : vector<16xi32>
      %add3A_250 = arith.addi %add3A_85, %shift_left3A_249 : vector<16xi32>
      %and3A_251 = arith.constant 127 : i32
      %and3A_252 = vector.broadcast %and3A_251 : i32 to vector<16xi32>
      %and3A_253 = arith.andi %add3A_241, %and3A_252 : vector<16xi32>
      %add3A_254 = arith.addi %add3A_250, %and3A_253 : vector<16xi32>
      %swap3A_255 = arith.index_cast %add3A_243 : i32 to index
      %swap3A_256 = tpu.vector_load %arg10[%swap3A_255] {strides = array<i32>} : memref<4096xi32, #tpu.memory_space<vmem>>, vector<16xi32>,
      %swap3A_257 = vector.shape_cast %swap3A_256 : vector<16xi32> to vector<16xi32>
      %swap3A_258 = vector.shape_cast %add3A_254 : vector<16xi32> to vector<16xi32>
      tpu.vector_store %arg10[%swap3A_255], %swap3A_258 {strides = array<i32>} : memref<4096xi32, #tpu.memory_space<vmem>>, vector<16xi32>,
      %mul3A_259 = arith.mulf %mul3A_89, %get3A_38 : vector<16xf32>
      %swap3A_260 = arith.index_cast %add3A_243 : i32 to index
      %swap3A_261 = tpu.vector_load %arg11[%swap3A_260] {strides = array<i32>} : memref<4096xf32, #tpu.memory_space<vmem>>, vector<16xf32>,
      %swap3A_262 = vector.shape_cast %swap3A_261 : vector<16xf32> to vector<16xf32>
      %swap3A_263 = vector.shape_cast %mul3A_259 : vector<16xf32> to vector<16xf32>
      tpu.vector_store %arg11[%swap3A_260], %swap3A_263 {strides = array<i32>} : memref<4096xf32, #tpu.memory_space<vmem>>, vector<16xf32>,
      %add3A_264 = arith.constant 16 : i32
      %add3A_265 = arith.addi %mul3A_28, %add3A_264 : i32
      %get3A_266 = arith.index_cast %add3A_265 : i32 to index
      %get3A_267 = tpu.vector_load %arg7[%get3A_266] {strides = array<i32>} : memref<1024xf32, #tpu.memory_space<vmem>>, vector<16xf32>,
      %get3A_268 = vector.shape_cast %get3A_267 : vector<16xf32> to vector<16xf32>
      %get3A_269 = arith.index_cast %add3A_265 : i32 to index
      %get3A_270 = tpu.vector_load %arg8[%get3A_269] {strides = array<i32>} : memref<1024xf32, #tpu.memory_space<vmem>>, vector<16xf32>,
      %get3A_271 = vector.shape_cast %get3A_270 : vector<16xf32> to vector<16xf32>
      %get3A_272 = arith.index_cast %add3A_265 : i32 to index
      %get3A_273 = tpu.vector_load %arg9[%get3A_272] {strides = array<i32>} : memref<1024xf32, #tpu.memory_space<vmem>>, vector<16xf32>,
      %get3A_274 = vector.shape_cast %get3A_273 : vector<16xf32> to vector<16xf32>
      %add3A_275 = arith.constant 1.000000e+00 : f32
      %add3A_276 = vector.broadcast %add3A_275 : f32 to vector<16xf32>
      %add3A_277 = arith.addf %get3A_268, %add3A_276 : vector<16xf32>
      %mul3A_278 = arith.constant 3.150000e+01 : f32
      %mul3A_279 = vector.broadcast %mul3A_278 : f32 to vector<16xf32>
      %mul3A_280 = arith.mulf %add3A_277, %mul3A_279 : vector<16xf32>
      %add3A_281 = arith.constant 1.000000e+00 : f32
      %add3A_282 = vector.broadcast %add3A_281 : f32 to vector<16xf32>
      %add3A_283 = arith.addf %get3A_271, %add3A_282 : vector<16xf32>
      %mul3A_284 = arith.constant 3.150000e+01 : f32
      %mul3A_285 = vector.broadcast %mul3A_284 : f32 to vector<16xf32>
      %mul3A_286 = arith.mulf %add3A_283, %mul3A_285 : vector<16xf32>
      %convert_element_type3A_287 = arith.fptosi %mul3A_280 : vector<16xf32> to vector<16xi32>
      %convert_element_type3A_288 = arith.fptosi %mul3A_286 : vector<16xf32> to vector<16xi32>
      %convert_element_type3A_289 = arith.sitofp %convert_element_type3A_287 : vector<16xi32> to vector<16xf32>
      %convert_element_type3A_290 = arith.sitofp %convert_element_type3A_288 : vector<16xi32> to vector<16xf32>
      %add3A_291 = arith.constant 1.000000e+00 : f32
      %add3A_292 = vector.broadcast %add3A_291 : f32 to vector<16xf32>
      %add3A_293 = arith.addf %convert_element_type3A_289, %add3A_292 : vector<16xf32>
      %sub3A_294 = arith.subf %add3A_293, %mul3A_280 : vector<16xf32>
      %sub3A_295 = arith.subf %mul3A_280, %convert_element_type3A_289 : vector<16xf32>
      %add3A_296 = arith.constant 1.000000e+00 : f32
      %add3A_297 = vector.broadcast %add3A_296 : f32 to vector<16xf32>
      %add3A_298 = arith.addf %convert_element_type3A_290, %add3A_297 : vector<16xf32>
      %sub3A_299 = arith.subf %add3A_298, %mul3A_286 : vector<16xf32>
      %sub3A_300 = arith.subf %mul3A_286, %convert_element_type3A_290 : vector<16xf32>
      %add3A_301 = arith.addi %mul3A_2, %add3A_265 : i32
      %add3A_302 = vector.broadcast %add3A_301 : i32 to vector<16xi32>
      %add3A_303 = arith.addi %add3A_302, %iota3A : vector<16xi32>
      %shift_right_arithmetic3A_304 = arith.constant 12 : i32
      %shift_right_arithmetic3A_305 = vector.broadcast %shift_right_arithmetic3A_304 : i32 to vector<16xi32>
      %shift_right_arithmetic3A_306 = arith.shrsi %add3A_303, %shift_right_arithmetic3A_305 : vector<16xi32>
      %and3A_307 = arith.constant 4095 : i32
      %and3A_308 = vector.broadcast %and3A_307 : i32 to vector<16xi32>
      %and3A_309 = arith.andi %add3A_303, %and3A_308 : vector<16xi32>
      %shift_left3A_310 = arith.constant 24 : i32
      %shift_left3A_311 = vector.broadcast %shift_left3A_310 : i32 to vector<16xi32>
      %shift_left3A_312 = arith.shli %shift_right_arithmetic3A_306, %shift_left3A_311 : vector<16xi32>
      %shift_right_arithmetic3A_313 = arith.constant 3 : i32
      %shift_right_arithmetic3A_314 = vector.broadcast %shift_right_arithmetic3A_313 : i32 to vector<16xi32>
      %shift_right_arithmetic3A_315 = arith.shrsi %and3A_309, %shift_right_arithmetic3A_314 : vector<16xi32>
      %shift_left3A_316 = arith.constant 15 : i32
      %shift_left3A_317 = vector.broadcast %shift_left3A_316 : i32 to vector<16xi32>
      %shift_left3A_318 = arith.shli %shift_right_arithmetic3A_315, %shift_left3A_317 : vector<16xi32>
      %add3A_319 = arith.addi %shift_left3A_312, %shift_left3A_318 : vector<16xi32>
      %and3A_320 = arith.constant 7 : i32
      %and3A_321 = vector.broadcast %and3A_320 : i32 to vector<16xi32>
      %and3A_322 = arith.andi %and3A_309, %and3A_321 : vector<16xi32>
      %shift_left3A_323 = arith.constant 7 : i32
      %shift_left3A_324 = vector.broadcast %shift_left3A_323 : i32 to vector<16xi32>
      %shift_left3A_325 = arith.shli %and3A_322, %shift_left3A_324 : vector<16xi32>
      %add3A_326 = arith.addi %add3A_319, %shift_left3A_325 : vector<16xi32>
      %mul3A_327 = arith.mulf %sub3A_299, %sub3A_294 : vector<16xf32>
      %mul3A_328 = arith.mulf %sub3A_299, %sub3A_295 : vector<16xf32>
      %mul3A_329 = arith.mulf %sub3A_300, %sub3A_294 : vector<16xf32>
      %mul3A_330 = arith.mulf %sub3A_300, %sub3A_295 : vector<16xf32>
      %add3A_331 = arith.constant 0 : i32
      %add3A_332 = vector.broadcast %add3A_331 : i32 to vector<16xi32>
      %add3A_333 = arith.addi %convert_element_type3A_288, %add3A_332 : vector<16xi32>
      %max3A_334 = arith.constant 0 : i32
      %max3A_335 = vector.broadcast %max3A_334 : i32 to vector<16xi32>
      %max3A_336 = arith.maxsi %add3A_333, %max3A_335 : vector<16xi32>
      %min3A_337 = arith.constant 63 : i32
      %min3A_338 = vector.broadcast %min3A_337 : i32 to vector<16xi32>
      %min3A_339 = arith.minsi %max3A_336, %min3A_338 : vector<16xi32>
      %add3A_340 = arith.constant 0 : i32
      %add3A_341 = vector.broadcast %add3A_340 : i32 to vector<16xi32>
      %add3A_342 = arith.addi %convert_element_type3A_287, %add3A_341 : vector<16xi32>
      %max3A_343 = arith.constant 0 : i32
      %max3A_344 = vector.broadcast %max3A_343 : i32 to vector<16xi32>
      %max3A_345 = arith.maxsi %add3A_342, %max3A_344 : vector<16xi32>
      %min3A_346 = arith.constant 63 : i32
      %min3A_347 = vector.broadcast %min3A_346 : i32 to vector<16xi32>
      %min3A_348 = arith.minsi %max3A_345, %min3A_347 : vector<16xi32>
      %mul3A_349 = arith.constant 64 : i32
      %mul3A_350 = vector.broadcast %mul3A_349 : i32 to vector<16xi32>
      %mul3A_351 = arith.muli %min3A_339, %mul3A_350 : vector<16xi32>
      %add3A_352 = arith.addi %mul3A_351, %min3A_348 : vector<16xi32>
      %add3A_353 = arith.constant 0 : i32
      %add3A_354 = arith.addi %add3A_353, %add3A_265 : i32
      %shift_right_arithmetic3A_355 = arith.constant 7 : i32
      %shift_right_arithmetic3A_356 = vector.broadcast %shift_right_arithmetic3A_355 : i32 to vector<16xi32>
      %shift_right_arithmetic3A_357 = arith.shrsi %add3A_352, %shift_right_arithmetic3A_356 : vector<16xi32>
      %shift_left3A_358 = arith.constant 10 : i32
      %shift_left3A_359 = vector.broadcast %shift_left3A_358 : i32 to vector<16xi32>
      %shift_left3A_360 = arith.shli %shift_right_arithmetic3A_357, %shift_left3A_359 : vector<16xi32>
      %add3A_361 = arith.addi %add3A_326, %shift_left3A_360 : vector<16xi32>
      %and3A_362 = arith.constant 127 : i32
      %and3A_363 = vector.broadcast %and3A_362 : i32 to vector<16xi32>
      %and3A_364 = arith.andi %add3A_352, %and3A_363 : vector<16xi32>
      %add3A_365 = arith.addi %add3A_361, %and3A_364 : vector<16xi32>
      %swap3A_366 = arith.index_cast %add3A_354 : i32 to index
      %swap3A_367 = tpu.vector_load %arg10[%swap3A_366] {strides = array<i32>} : memref<4096xi32, #tpu.memory_space<vmem>>, vector<16xi32>,
      %swap3A_368 = vector.shape_cast %swap3A_367 : vector<16xi32> to vector<16xi32>
      %swap3A_369 = vector.shape_cast %add3A_365 : vector<16xi32> to vector<16xi32>
      tpu.vector_store %arg10[%swap3A_366], %swap3A_369 {strides = array<i32>} : memref<4096xi32, #tpu.memory_space<vmem>>, vector<16xi32>,
      %mul3A_370 = arith.mulf %mul3A_327, %get3A_274 : vector<16xf32>
      %swap3A_371 = arith.index_cast %add3A_354 : i32 to index
      %swap3A_372 = tpu.vector_load %arg11[%swap3A_371] {strides = array<i32>} : memref<4096xf32, #tpu.memory_space<vmem>>, vector<16xf32>,
      %swap3A_373 = vector.shape_cast %swap3A_372 : vector<16xf32> to vector<16xf32>
      %swap3A_374 = vector.shape_cast %mul3A_370 : vector<16xf32> to vector<16xf32>
      tpu.vector_store %arg11[%swap3A_371], %swap3A_374 {strides = array<i32>} : memref<4096xf32, #tpu.memory_space<vmem>>, vector<16xf32>,
      %add3A_375 = arith.constant 0 : i32
      %add3A_376 = vector.broadcast %add3A_375 : i32 to vector<16xi32>
      %add3A_377 = arith.addi %convert_element_type3A_288, %add3A_376 : vector<16xi32>
      %max3A_378 = arith.constant 0 : i32
      %max3A_379 = vector.broadcast %max3A_378 : i32 to vector<16xi32>
      %max3A_380 = arith.maxsi %add3A_377, %max3A_379 : vector<16xi32>
      %min3A_381 = arith.constant 63 : i32
      %min3A_382 = vector.broadcast %min3A_381 : i32 to vector<16xi32>
      %min3A_383 = arith.minsi %max3A_380, %min3A_382 : vector<16xi32>
      %add3A_384 = arith.constant 1 : i32
      %add3A_385 = vector.broadcast %add3A_384 : i32 to vector<16xi32>
      %add3A_386 = arith.addi %convert_element_type3A_287, %add3A_385 : vector<16xi32>
      %max3A_387 = arith.constant 0 : i32
      %max3A_388 = vector.broadcast %max3A_387 : i32 to vector<16xi32>
      %max3A_389 = arith.maxsi %add3A_386, %max3A_388 : vector<16xi32>
      %min3A_390 = arith.constant 63 : i32
      %min3A_391 = vector.broadcast %min3A_390 : i32 to vector<16xi32>
      %min3A_392 = arith.minsi %max3A_389, %min3A_391 : vector<16xi32>
      %mul3A_393 = arith.constant 64 : i32
      %mul3A_394 = vector.broadcast %mul3A_393 : i32 to vector<16xi32>
      %mul3A_395 = arith.muli %min3A_383, %mul3A_394 : vector<16xi32>
      %add3A_396 = arith.addi %mul3A_395, %min3A_392 : vector<16xi32>
      %add3A_397 = arith.constant 1024 : i32
      %add3A_398 = arith.addi %add3A_397, %add3A_265 : i32
      %shift_right_arithmetic3A_399 = arith.constant 7 : i32
      %shift_right_arithmetic3A_400 = vector.broadcast %shift_right_arithmetic3A_399 : i32 to vector<16xi32>
      %shift_right_arithmetic3A_401 = arith.shrsi %add3A_396, %shift_right_arithmetic3A_400 : vector<16xi32>
      %shift_left3A_402 = arith.constant 10 : i32
      %shift_left3A_403 = vector.broadcast %shift_left3A_402 : i32 to vector<16xi32>
      %shift_left3A_404 = arith.shli %shift_right_arithmetic3A_401, %shift_left3A_403 : vector<16xi32>
      %add3A_405 = arith.addi %add3A_326, %shift_left3A_404 : vector<16xi32>
      %and3A_406 = arith.constant 127 : i32
      %and3A_407 = vector.broadcast %and3A_406 : i32 to vector<16xi32>
      %and3A_408 = arith.andi %add3A_396, %and3A_407 : vector<16xi32>
      %add3A_409 = arith.addi %add3A_405, %and3A_408 : vector<16xi32>
      %swap3A_410 = arith.index_cast %add3A_398 : i32 to index
      %swap3A_411 = tpu.vector_load %arg10[%swap3A_410] {strides = array<i32>} : memref<4096xi32, #tpu.memory_space<vmem>>, vector<16xi32>,
      %swap3A_412 = vector.shape_cast %swap3A_411 : vector<16xi32> to vector<16xi32>
      %swap3A_413 = vector.shape_cast %add3A_409 : vector<16xi32> to vector<16xi32>
      tpu.vector_store %arg10[%swap3A_410], %swap3A_413 {strides = array<i32>} : memref<4096xi32, #tpu.memory_space<vmem>>, vector<16xi32>,
      %mul3A_414 = arith.mulf %mul3A_328, %get3A_274 : vector<16xf32>
      %swap3A_415 = arith.index_cast %add3A_398 : i32 to index
      %swap3A_416 = tpu.vector_load %arg11[%swap3A_415] {strides = array<i32>} : memref<4096xf32, #tpu.memory_space<vmem>>, vector<16xf32>,
      %swap3A_417 = vector.shape_cast %swap3A_416 : vector<16xf32> to vector<16xf32>
      %swap3A_418 = vector.shape_cast %mul3A_414 : vector<16xf32> to vector<16xf32>
      tpu.vector_store %arg11[%swap3A_415], %swap3A_418 {strides = array<i32>} : memref<4096xf32, #tpu.memory_space<vmem>>, vector<16xf32>,
      %add3A_419 = arith.constant 1 : i32
      %add3A_420 = vector.broadcast %add3A_419 : i32 to vector<16xi32>
      %add3A_421 = arith.addi %convert_element_type3A_288, %add3A_420 : vector<16xi32>
      %max3A_422 = arith.constant 0 : i32
      %max3A_423 = vector.broadcast %max3A_422 : i32 to vector<16xi32>
      %max3A_424 = arith.maxsi %add3A_421, %max3A_423 : vector<16xi32>
      %min3A_425 = arith.constant 63 : i32
      %min3A_426 = vector.broadcast %min3A_425 : i32 to vector<16xi32>
      %min3A_427 = arith.minsi %max3A_424, %min3A_426 : vector<16xi32>
      %add3A_428 = arith.constant 0 : i32
      %add3A_429 = vector.broadcast %add3A_428 : i32 to vector<16xi32>
      %add3A_430 = arith.addi %convert_element_type3A_287, %add3A_429 : vector<16xi32>
      %max3A_431 = arith.constant 0 : i32
      %max3A_432 = vector.broadcast %max3A_431 : i32 to vector<16xi32>
      %max3A_433 = arith.maxsi %add3A_430, %max3A_432 : vector<16xi32>
      %min3A_434 = arith.constant 63 : i32
      %min3A_435 = vector.broadcast %min3A_434 : i32 to vector<16xi32>
      %min3A_436 = arith.minsi %max3A_433, %min3A_435 : vector<16xi32>
      %mul3A_437 = arith.constant 64 : i32
      %mul3A_438 = vector.broadcast %mul3A_437 : i32 to vector<16xi32>
      %mul3A_439 = arith.muli %min3A_427, %mul3A_438 : vector<16xi32>
      %add3A_440 = arith.addi %mul3A_439, %min3A_436 : vector<16xi32>
      %add3A_441 = arith.constant 2048 : i32
      %add3A_442 = arith.addi %add3A_441, %add3A_265 : i32
      %shift_right_arithmetic3A_443 = arith.constant 7 : i32
      %shift_right_arithmetic3A_444 = vector.broadcast %shift_right_arithmetic3A_443 : i32 to vector<16xi32>
      %shift_right_arithmetic3A_445 = arith.shrsi %add3A_440, %shift_right_arithmetic3A_444 : vector<16xi32>
      %shift_left3A_446 = arith.constant 10 : i32
      %shift_left3A_447 = vector.broadcast %shift_left3A_446 : i32 to vector<16xi32>
      %shift_left3A_448 = arith.shli %shift_right_arithmetic3A_445, %shift_left3A_447 : vector<16xi32>
      %add3A_449 = arith.addi %add3A_326, %shift_left3A_448 : vector<16xi32>
      %and3A_450 = arith.constant 127 : i32
      %and3A_451 = vector.broadcast %and3A_450 : i32 to vector<16xi32>
      %and3A_452 = arith.andi %add3A_440, %and3A_451 : vector<16xi32>
      %add3A_453 = arith.addi %add3A_449, %and3A_452 : vector<16xi32>
      %swap3A_454 = arith.index_cast %add3A_442 : i32 to index
      %swap3A_455 = tpu.vector_load %arg10[%swap3A_454] {strides = array<i32>} : memref<4096xi32, #tpu.memory_space<vmem>>, vector<16xi32>,
      %swap3A_456 = vector.shape_cast %swap3A_455 : vector<16xi32> to vector<16xi32>
      %swap3A_457 = vector.shape_cast %add3A_453 : vector<16xi32> to vector<16xi32>
      tpu.vector_store %arg10[%swap3A_454], %swap3A_457 {strides = array<i32>} : memref<4096xi32, #tpu.memory_space<vmem>>, vector<16xi32>,
      %mul3A_458 = arith.mulf %mul3A_329, %get3A_274 : vector<16xf32>
      %swap3A_459 = arith.index_cast %add3A_442 : i32 to index
      %swap3A_460 = tpu.vector_load %arg11[%swap3A_459] {strides = array<i32>} : memref<4096xf32, #tpu.memory_space<vmem>>, vector<16xf32>,
      %swap3A_461 = vector.shape_cast %swap3A_460 : vector<16xf32> to vector<16xf32>
      %swap3A_462 = vector.shape_cast %mul3A_458 : vector<16xf32> to vector<16xf32>
      tpu.vector_store %arg11[%swap3A_459], %swap3A_462 {strides = array<i32>} : memref<4096xf32, #tpu.memory_space<vmem>>, vector<16xf32>,
      %add3A_463 = arith.constant 1 : i32
      %add3A_464 = vector.broadcast %add3A_463 : i32 to vector<16xi32>
      %add3A_465 = arith.addi %convert_element_type3A_288, %add3A_464 : vector<16xi32>
      %max3A_466 = arith.constant 0 : i32
      %max3A_467 = vector.broadcast %max3A_466 : i32 to vector<16xi32>
      %max3A_468 = arith.maxsi %add3A_465, %max3A_467 : vector<16xi32>
      %min3A_469 = arith.constant 63 : i32
      %min3A_470 = vector.broadcast %min3A_469 : i32 to vector<16xi32>
      %min3A_471 = arith.minsi %max3A_468, %min3A_470 : vector<16xi32>
      %add3A_472 = arith.constant 1 : i32
      %add3A_473 = vector.broadcast %add3A_472 : i32 to vector<16xi32>
      %add3A_474 = arith.addi %convert_element_type3A_287, %add3A_473 : vector<16xi32>
      %max3A_475 = arith.constant 0 : i32
      %max3A_476 = vector.broadcast %max3A_475 : i32 to vector<16xi32>
      %max3A_477 = arith.maxsi %add3A_474, %max3A_476 : vector<16xi32>
      %min3A_478 = arith.constant 63 : i32
      %min3A_479 = vector.broadcast %min3A_478 : i32 to vector<16xi32>
      %min3A_480 = arith.minsi %max3A_477, %min3A_479 : vector<16xi32>
      %mul3A_481 = arith.constant 64 : i32
      %mul3A_482 = vector.broadcast %mul3A_481 : i32 to vector<16xi32>
      %mul3A_483 = arith.muli %min3A_471, %mul3A_482 : vector<16xi32>
      %add3A_484 = arith.addi %mul3A_483, %min3A_480 : vector<16xi32>
      %add3A_485 = arith.constant 3072 : i32
      %add3A_486 = arith.addi %add3A_485, %add3A_265 : i32
      %shift_right_arithmetic3A_487 = arith.constant 7 : i32
      %shift_right_arithmetic3A_488 = vector.broadcast %shift_right_arithmetic3A_487 : i32 to vector<16xi32>
      %shift_right_arithmetic3A_489 = arith.shrsi %add3A_484, %shift_right_arithmetic3A_488 : vector<16xi32>
      %shift_left3A_490 = arith.constant 10 : i32
      %shift_left3A_491 = vector.broadcast %shift_left3A_490 : i32 to vector<16xi32>
      %shift_left3A_492 = arith.shli %shift_right_arithmetic3A_489, %shift_left3A_491 : vector<16xi32>
      %add3A_493 = arith.addi %add3A_326, %shift_left3A_492 : vector<16xi32>
      %and3A_494 = arith.constant 127 : i32
      %and3A_495 = vector.broadcast %and3A_494 : i32 to vector<16xi32>
      %and3A_496 = arith.andi %add3A_484, %and3A_495 : vector<16xi32>
      %add3A_497 = arith.addi %add3A_493, %and3A_496 : vector<16xi32>
      %swap3A_498 = arith.index_cast %add3A_486 : i32 to index
      %swap3A_499 = tpu.vector_load %arg10[%swap3A_498] {strides = array<i32>} : memref<4096xi32, #tpu.memory_space<vmem>>, vector<16xi32>,
      %swap3A_500 = vector.shape_cast %swap3A_499 : vector<16xi32> to vector<16xi32>
      %swap3A_501 = vector.shape_cast %add3A_497 : vector<16xi32> to vector<16xi32>
      tpu.vector_store %arg10[%swap3A_498], %swap3A_501 {strides = array<i32>} : memref<4096xi32, #tpu.memory_space<vmem>>, vector<16xi32>,
      %mul3A_502 = arith.mulf %mul3A_330, %get3A_274 : vector<16xf32>
      %swap3A_503 = arith.index_cast %add3A_486 : i32 to index
      %swap3A_504 = tpu.vector_load %arg11[%swap3A_503] {strides = array<i32>} : memref<4096xf32, #tpu.memory_space<vmem>>, vector<16xf32>,
      %swap3A_505 = vector.shape_cast %swap3A_504 : vector<16xf32> to vector<16xf32>
      %swap3A_506 = vector.shape_cast %mul3A_502 : vector<16xf32> to vector<16xf32>
      tpu.vector_store %arg11[%swap3A_503], %swap3A_506 {strides = array<i32>} : memref<4096xf32, #tpu.memory_space<vmem>>, vector<16xf32>,
      %add3A_507 = arith.constant 32 : i32
      %add3A_508 = arith.addi %mul3A_28, %add3A_507 : i32
      %get3A_509 = arith.index_cast %add3A_508 : i32 to index
      %get3A_510 = tpu.vector_load %arg7[%get3A_509] {strides = array<i32>} : memref<1024xf32, #tpu.memory_space<vmem>>, vector<16xf32>,
      %get3A_511 = vector.shape_cast %get3A_510 : vector<16xf32> to vector<16xf32>
      %get3A_512 = arith.index_cast %add3A_508 : i32 to index
      %get3A_513 = tpu.vector_load %arg8[%get3A_512] {strides = array<i32>} : memref<1024xf32, #tpu.memory_space<vmem>>, vector<16xf32>,
      %get3A_514 = vector.shape_cast %get3A_513 : vector<16xf32> to vector<16xf32>
      %get3A_515 = arith.index_cast %add3A_508 : i32 to index
      %get3A_516 = tpu.vector_load %arg9[%get3A_515] {strides = array<i32>} : memref<1024xf32, #tpu.memory_space<vmem>>, vector<16xf32>,
      %get3A_517 = vector.shape_cast %get3A_516 : vector<16xf32> to vector<16xf32>
      %add3A_518 = arith.constant 1.000000e+00 : f32
      %add3A_519 = vector.broadcast %add3A_518 : f32 to vector<16xf32>
      %add3A_520 = arith.addf %get3A_511, %add3A_519 : vector<16xf32>
      %mul3A_521 = arith.constant 3.150000e+01 : f32
      %mul3A_522 = vector.broadcast %mul3A_521 : f32 to vector<16xf32>
      %mul3A_523 = arith.mulf %add3A_520, %mul3A_522 : vector<16xf32>
      %add3A_524 = arith.constant 1.000000e+00 : f32
      %add3A_525 = vector.broadcast %add3A_524 : f32 to vector<16xf32>
      %add3A_526 = arith.addf %get3A_514, %add3A_525 : vector<16xf32>
      %mul3A_527 = arith.constant 3.150000e+01 : f32
      %mul3A_528 = vector.broadcast %mul3A_527 : f32 to vector<16xf32>
      %mul3A_529 = arith.mulf %add3A_526, %mul3A_528 : vector<16xf32>
      %convert_element_type3A_530 = arith.fptosi %mul3A_523 : vector<16xf32> to vector<16xi32>
      %convert_element_type3A_531 = arith.fptosi %mul3A_529 : vector<16xf32> to vector<16xi32>
      %convert_element_type3A_532 = arith.sitofp %convert_element_type3A_530 : vector<16xi32> to vector<16xf32>
      %convert_element_type3A_533 = arith.sitofp %convert_element_type3A_531 : vector<16xi32> to vector<16xf32>
      %add3A_534 = arith.constant 1.000000e+00 : f32
      %add3A_535 = vector.broadcast %add3A_534 : f32 to vector<16xf32>
      %add3A_536 = arith.addf %convert_element_type3A_532, %add3A_535 : vector<16xf32>
      %sub3A_537 = arith.subf %add3A_536, %mul3A_523 : vector<16xf32>
      %sub3A_538 = arith.subf %mul3A_523, %convert_element_type3A_532 : vector<16xf32>
      %add3A_539 = arith.constant 1.000000e+00 : f32
      %add3A_540 = vector.broadcast %add3A_539 : f32 to vector<16xf32>
      %add3A_541 = arith.addf %convert_element_type3A_533, %add3A_540 : vector<16xf32>
      %sub3A_542 = arith.subf %add3A_541, %mul3A_529 : vector<16xf32>
      %sub3A_543 = arith.subf %mul3A_529, %convert_element_type3A_533 : vector<16xf32>
      %add3A_544 = arith.addi %mul3A_2, %add3A_508 : i32
      %add3A_545 = vector.broadcast %add3A_544 : i32 to vector<16xi32>
      %add3A_546 = arith.addi %add3A_545, %iota3A : vector<16xi32>
      %shift_right_arithmetic3A_547 = arith.constant 12 : i32
      %shift_right_arithmetic3A_548 = vector.broadcast %shift_right_arithmetic3A_547 : i32 to vector<16xi32>
      %shift_right_arithmetic3A_549 = arith.shrsi %add3A_546, %shift_right_arithmetic3A_548 : vector<16xi32>
      %and3A_550 = arith.constant 4095 : i32
      %and3A_551 = vector.broadcast %and3A_550 : i32 to vector<16xi32>
      %and3A_552 = arith.andi %add3A_546, %and3A_551 : vector<16xi32>
      %shift_left3A_553 = arith.constant 24 : i32
      %shift_left3A_554 = vector.broadcast %shift_left3A_553 : i32 to vector<16xi32>
      %shift_left3A_555 = arith.shli %shift_right_arithmetic3A_549, %shift_left3A_554 : vector<16xi32>
      %shift_right_arithmetic3A_556 = arith.constant 3 : i32
      %shift_right_arithmetic3A_557 = vector.broadcast %shift_right_arithmetic3A_556 : i32 to vector<16xi32>
      %shift_right_arithmetic3A_558 = arith.shrsi %and3A_552, %shift_right_arithmetic3A_557 : vector<16xi32>
      %shift_left3A_559 = arith.constant 15 : i32
      %shift_left3A_560 = vector.broadcast %shift_left3A_559 : i32 to vector<16xi32>
      %shift_left3A_561 = arith.shli %shift_right_arithmetic3A_558, %shift_left3A_560 : vector<16xi32>
      %add3A_562 = arith.addi %shift_left3A_555, %shift_left3A_561 : vector<16xi32>
      %and3A_563 = arith.constant 7 : i32
      %and3A_564 = vector.broadcast %and3A_563 : i32 to vector<16xi32>
      %and3A_565 = arith.andi %and3A_552, %and3A_564 : vector<16xi32>
      %shift_left3A_566 = arith.constant 7 : i32
      %shift_left3A_567 = vector.broadcast %shift_left3A_566 : i32 to vector<16xi32>
      %shift_left3A_568 = arith.shli %and3A_565, %shift_left3A_567 : vector<16xi32>
      %add3A_569 = arith.addi %add3A_562, %shift_left3A_568 : vector<16xi32>
      %mul3A_570 = arith.mulf %sub3A_542, %sub3A_537 : vector<16xf32>
      %mul3A_571 = arith.mulf %sub3A_542, %sub3A_538 : vector<16xf32>
      %mul3A_572 = arith.mulf %sub3A_543, %sub3A_537 : vector<16xf32>
      %mul3A_573 = arith.mulf %sub3A_543, %sub3A_538 : vector<16xf32>
      %add3A_574 = arith.constant 0 : i32
      %add3A_575 = vector.broadcast %add3A_574 : i32 to vector<16xi32>
      %add3A_576 = arith.addi %convert_element_type3A_531, %add3A_575 : vector<16xi32>
      %max3A_577 = arith.constant 0 : i32
      %max3A_578 = vector.broadcast %max3A_577 : i32 to vector<16xi32>
      %max3A_579 = arith.maxsi %add3A_576, %max3A_578 : vector<16xi32>
      %min3A_580 = arith.constant 63 : i32
      %min3A_581 = vector.broadcast %min3A_580 : i32 to vector<16xi32>
      %min3A_582 = arith.minsi %max3A_579, %min3A_581 : vector<16xi32>
      %add3A_583 = arith.constant 0 : i32
      %add3A_584 = vector.broadcast %add3A_583 : i32 to vector<16xi32>
      %add3A_585 = arith.addi %convert_element_type3A_530, %add3A_584 : vector<16xi32>
      %max3A_586 = arith.constant 0 : i32
      %max3A_587 = vector.broadcast %max3A_586 : i32 to vector<16xi32>
      %max3A_588 = arith.maxsi %add3A_585, %max3A_587 : vector<16xi32>
      %min3A_589 = arith.constant 63 : i32
      %min3A_590 = vector.broadcast %min3A_589 : i32 to vector<16xi32>
      %min3A_591 = arith.minsi %max3A_588, %min3A_590 : vector<16xi32>
      %mul3A_592 = arith.constant 64 : i32
      %mul3A_593 = vector.broadcast %mul3A_592 : i32 to vector<16xi32>
      %mul3A_594 = arith.muli %min3A_582, %mul3A_593 : vector<16xi32>
      %add3A_595 = arith.addi %mul3A_594, %min3A_591 : vector<16xi32>
      %add3A_596 = arith.constant 0 : i32
      %add3A_597 = arith.addi %add3A_596, %add3A_508 : i32
      %shift_right_arithmetic3A_598 = arith.constant 7 : i32
      %shift_right_arithmetic3A_599 = vector.broadcast %shift_right_arithmetic3A_598 : i32 to vector<16xi32>
      %shift_right_arithmetic3A_600 = arith.shrsi %add3A_595, %shift_right_arithmetic3A_599 : vector<16xi32>
      %shift_left3A_601 = arith.constant 10 : i32
      %shift_left3A_602 = vector.broadcast %shift_left3A_601 : i32 to vector<16xi32>
      %shift_left3A_603 = arith.shli %shift_right_arithmetic3A_600, %shift_left3A_602 : vector<16xi32>
      %add3A_604 = arith.addi %add3A_569, %shift_left3A_603 : vector<16xi32>
      %and3A_605 = arith.constant 127 : i32
      %and3A_606 = vector.broadcast %and3A_605 : i32 to vector<16xi32>
      %and3A_607 = arith.andi %add3A_595, %and3A_606 : vector<16xi32>
      %add3A_608 = arith.addi %add3A_604, %and3A_607 : vector<16xi32>
      %swap3A_609 = arith.index_cast %add3A_597 : i32 to index
      %swap3A_610 = tpu.vector_load %arg10[%swap3A_609] {strides = array<i32>} : memref<4096xi32, #tpu.memory_space<vmem>>, vector<16xi32>,
      %swap3A_611 = vector.shape_cast %swap3A_610 : vector<16xi32> to vector<16xi32>
      %swap3A_612 = vector.shape_cast %add3A_608 : vector<16xi32> to vector<16xi32>
      tpu.vector_store %arg10[%swap3A_609], %swap3A_612 {strides = array<i32>} : memref<4096xi32, #tpu.memory_space<vmem>>, vector<16xi32>,
      %mul3A_613 = arith.mulf %mul3A_570, %get3A_517 : vector<16xf32>
      %swap3A_614 = arith.index_cast %add3A_597 : i32 to index
      %swap3A_615 = tpu.vector_load %arg11[%swap3A_614] {strides = array<i32>} : memref<4096xf32, #tpu.memory_space<vmem>>, vector<16xf32>,
      %swap3A_616 = vector.shape_cast %swap3A_615 : vector<16xf32> to vector<16xf32>
      %swap3A_617 = vector.shape_cast %mul3A_613 : vector<16xf32> to vector<16xf32>
      tpu.vector_store %arg11[%swap3A_614], %swap3A_617 {strides = array<i32>} : memref<4096xf32, #tpu.memory_space<vmem>>, vector<16xf32>,
      %add3A_618 = arith.constant 0 : i32
      %add3A_619 = vector.broadcast %add3A_618 : i32 to vector<16xi32>
      %add3A_620 = arith.addi %convert_element_type3A_531, %add3A_619 : vector<16xi32>
      %max3A_621 = arith.constant 0 : i32
      %max3A_622 = vector.broadcast %max3A_621 : i32 to vector<16xi32>
      %max3A_623 = arith.maxsi %add3A_620, %max3A_622 : vector<16xi32>
      %min3A_624 = arith.constant 63 : i32
      %min3A_625 = vector.broadcast %min3A_624 : i32 to vector<16xi32>
      %min3A_626 = arith.minsi %max3A_623, %min3A_625 : vector<16xi32>
      %add3A_627 = arith.constant 1 : i32
      %add3A_628 = vector.broadcast %add3A_627 : i32 to vector<16xi32>
      %add3A_629 = arith.addi %convert_element_type3A_530, %add3A_628 : vector<16xi32>
      %max3A_630 = arith.constant 0 : i32
      %max3A_631 = vector.broadcast %max3A_630 : i32 to vector<16xi32>
      %max3A_632 = arith.maxsi %add3A_629, %max3A_631 : vector<16xi32>
      %min3A_633 = arith.constant 63 : i32
      %min3A_634 = vector.broadcast %min3A_633 : i32 to vector<16xi32>
      %min3A_635 = arith.minsi %max3A_632, %min3A_634 : vector<16xi32>
      %mul3A_636 = arith.constant 64 : i32
      %mul3A_637 = vector.broadcast %mul3A_636 : i32 to vector<16xi32>
      %mul3A_638 = arith.muli %min3A_626, %mul3A_637 : vector<16xi32>
      %add3A_639 = arith.addi %mul3A_638, %min3A_635 : vector<16xi32>
      %add3A_640 = arith.constant 1024 : i32
      %add3A_641 = arith.addi %add3A_640, %add3A_508 : i32
      %shift_right_arithmetic3A_642 = arith.constant 7 : i32
      %shift_right_arithmetic3A_643 = vector.broadcast %shift_right_arithmetic3A_642 : i32 to vector<16xi32>
      %shift_right_arithmetic3A_644 = arith.shrsi %add3A_639, %shift_right_arithmetic3A_643 : vector<16xi32>
      %shift_left3A_645 = arith.constant 10 : i32
      %shift_left3A_646 = vector.broadcast %shift_left3A_645 : i32 to vector<16xi32>
      %shift_left3A_647 = arith.shli %shift_right_arithmetic3A_644, %shift_left3A_646 : vector<16xi32>
      %add3A_648 = arith.addi %add3A_569, %shift_left3A_647 : vector<16xi32>
      %and3A_649 = arith.constant 127 : i32
      %and3A_650 = vector.broadcast %and3A_649 : i32 to vector<16xi32>
      %and3A_651 = arith.andi %add3A_639, %and3A_650 : vector<16xi32>
      %add3A_652 = arith.addi %add3A_648, %and3A_651 : vector<16xi32>
      %swap3A_653 = arith.index_cast %add3A_641 : i32 to index
      %swap3A_654 = tpu.vector_load %arg10[%swap3A_653] {strides = array<i32>} : memref<4096xi32, #tpu.memory_space<vmem>>, vector<16xi32>,
      %swap3A_655 = vector.shape_cast %swap3A_654 : vector<16xi32> to vector<16xi32>
      %swap3A_656 = vector.shape_cast %add3A_652 : vector<16xi32> to vector<16xi32>
      tpu.vector_store %arg10[%swap3A_653], %swap3A_656 {strides = array<i32>} : memref<4096xi32, #tpu.memory_space<vmem>>, vector<16xi32>,
      %mul3A_657 = arith.mulf %mul3A_571, %get3A_517 : vector<16xf32>
      %swap3A_658 = arith.index_cast %add3A_641 : i32 to index
      %swap3A_659 = tpu.vector_load %arg11[%swap3A_658] {strides = array<i32>} : memref<4096xf32, #tpu.memory_space<vmem>>, vector<16xf32>,
      %swap3A_660 = vector.shape_cast %swap3A_659 : vector<16xf32> to vector<16xf32>
      %swap3A_661 = vector.shape_cast %mul3A_657 : vector<16xf32> to vector<16xf32>
      tpu.vector_store %arg11[%swap3A_658], %swap3A_661 {strides = array<i32>} : memref<4096xf32, #tpu.memory_space<vmem>>, vector<16xf32>,
      %add3A_662 = arith.constant 1 : i32
      %add3A_663 = vector.broadcast %add3A_662 : i32 to vector<16xi32>
      %add3A_664 = arith.addi %convert_element_type3A_531, %add3A_663 : vector<16xi32>
      %max3A_665 = arith.constant 0 : i32
      %max3A_666 = vector.broadcast %max3A_665 : i32 to vector<16xi32>
      %max3A_667 = arith.maxsi %add3A_664, %max3A_666 : vector<16xi32>
      %min3A_668 = arith.constant 63 : i32
      %min3A_669 = vector.broadcast %min3A_668 : i32 to vector<16xi32>
      %min3A_670 = arith.minsi %max3A_667, %min3A_669 : vector<16xi32>
      %add3A_671 = arith.constant 0 : i32
      %add3A_672 = vector.broadcast %add3A_671 : i32 to vector<16xi32>
      %add3A_673 = arith.addi %convert_element_type3A_530, %add3A_672 : vector<16xi32>
      %max3A_674 = arith.constant 0 : i32
      %max3A_675 = vector.broadcast %max3A_674 : i32 to vector<16xi32>
      %max3A_676 = arith.maxsi %add3A_673, %max3A_675 : vector<16xi32>
      %min3A_677 = arith.constant 63 : i32
      %min3A_678 = vector.broadcast %min3A_677 : i32 to vector<16xi32>
      %min3A_679 = arith.minsi %max3A_676, %min3A_678 : vector<16xi32>
      %mul3A_680 = arith.constant 64 : i32
      %mul3A_681 = vector.broadcast %mul3A_680 : i32 to vector<16xi32>
      %mul3A_682 = arith.muli %min3A_670, %mul3A_681 : vector<16xi32>
      %add3A_683 = arith.addi %mul3A_682, %min3A_679 : vector<16xi32>
      %add3A_684 = arith.constant 2048 : i32
      %add3A_685 = arith.addi %add3A_684, %add3A_508 : i32
      %shift_right_arithmetic3A_686 = arith.constant 7 : i32
      %shift_right_arithmetic3A_687 = vector.broadcast %shift_right_arithmetic3A_686 : i32 to vector<16xi32>
      %shift_right_arithmetic3A_688 = arith.shrsi %add3A_683, %shift_right_arithmetic3A_687 : vector<16xi32>
      %shift_left3A_689 = arith.constant 10 : i32
      %shift_left3A_690 = vector.broadcast %shift_left3A_689 : i32 to vector<16xi32>
      %shift_left3A_691 = arith.shli %shift_right_arithmetic3A_688, %shift_left3A_690 : vector<16xi32>
      %add3A_692 = arith.addi %add3A_569, %shift_left3A_691 : vector<16xi32>
      %and3A_693 = arith.constant 127 : i32
      %and3A_694 = vector.broadcast %and3A_693 : i32 to vector<16xi32>
      %and3A_695 = arith.andi %add3A_683, %and3A_694 : vector<16xi32>
      %add3A_696 = arith.addi %add3A_692, %and3A_695 : vector<16xi32>
      %swap3A_697 = arith.index_cast %add3A_685 : i32 to index
      %swap3A_698 = tpu.vector_load %arg10[%swap3A_697] {strides = array<i32>} : memref<4096xi32, #tpu.memory_space<vmem>>, vector<16xi32>,
      %swap3A_699 = vector.shape_cast %swap3A_698 : vector<16xi32> to vector<16xi32>
      %swap3A_700 = vector.shape_cast %add3A_696 : vector<16xi32> to vector<16xi32>
      tpu.vector_store %arg10[%swap3A_697], %swap3A_700 {strides = array<i32>} : memref<4096xi32, #tpu.memory_space<vmem>>, vector<16xi32>,
      %mul3A_701 = arith.mulf %mul3A_572, %get3A_517 : vector<16xf32>
      %swap3A_702 = arith.index_cast %add3A_685 : i32 to index
      %swap3A_703 = tpu.vector_load %arg11[%swap3A_702] {strides = array<i32>} : memref<4096xf32, #tpu.memory_space<vmem>>, vector<16xf32>,
      %swap3A_704 = vector.shape_cast %swap3A_703 : vector<16xf32> to vector<16xf32>
      %swap3A_705 = vector.shape_cast %mul3A_701 : vector<16xf32> to vector<16xf32>
      tpu.vector_store %arg11[%swap3A_702], %swap3A_705 {strides = array<i32>} : memref<4096xf32, #tpu.memory_space<vmem>>, vector<16xf32>,
      %add3A_706 = arith.constant 1 : i32
      %add3A_707 = vector.broadcast %add3A_706 : i32 to vector<16xi32>
      %add3A_708 = arith.addi %convert_element_type3A_531, %add3A_707 : vector<16xi32>
      %max3A_709 = arith.constant 0 : i32
      %max3A_710 = vector.broadcast %max3A_709 : i32 to vector<16xi32>
      %max3A_711 = arith.maxsi %add3A_708, %max3A_710 : vector<16xi32>
      %min3A_712 = arith.constant 63 : i32
      %min3A_713 = vector.broadcast %min3A_712 : i32 to vector<16xi32>
      %min3A_714 = arith.minsi %max3A_711, %min3A_713 : vector<16xi32>
      %add3A_715 = arith.constant 1 : i32
      %add3A_716 = vector.broadcast %add3A_715 : i32 to vector<16xi32>
      %add3A_717 = arith.addi %convert_element_type3A_530, %add3A_716 : vector<16xi32>
      %max3A_718 = arith.constant 0 : i32
      %max3A_719 = vector.broadcast %max3A_718 : i32 to vector<16xi32>
      %max3A_720 = arith.maxsi %add3A_717, %max3A_719 : vector<16xi32>
      %min3A_721 = arith.constant 63 : i32
      %min3A_722 = vector.broadcast %min3A_721 : i32 to vector<16xi32>
      %min3A_723 = arith.minsi %max3A_720, %min3A_722 : vector<16xi32>
      %mul3A_724 = arith.constant 64 : i32
      %mul3A_725 = vector.broadcast %mul3A_724 : i32 to vector<16xi32>
      %mul3A_726 = arith.muli %min3A_714, %mul3A_725 : vector<16xi32>
      %add3A_727 = arith.addi %mul3A_726, %min3A_723 : vector<16xi32>
      %add3A_728 = arith.constant 3072 : i32
      %add3A_729 = arith.addi %add3A_728, %add3A_508 : i32
      %shift_right_arithmetic3A_730 = arith.constant 7 : i32
      %shift_right_arithmetic3A_731 = vector.broadcast %shift_right_arithmetic3A_730 : i32 to vector<16xi32>
      %shift_right_arithmetic3A_732 = arith.shrsi %add3A_727, %shift_right_arithmetic3A_731 : vector<16xi32>
      %shift_left3A_733 = arith.constant 10 : i32
      %shift_left3A_734 = vector.broadcast %shift_left3A_733 : i32 to vector<16xi32>
      %shift_left3A_735 = arith.shli %shift_right_arithmetic3A_732, %shift_left3A_734 : vector<16xi32>
      %add3A_736 = arith.addi %add3A_569, %shift_left3A_735 : vector<16xi32>
      %and3A_737 = arith.constant 127 : i32
      %and3A_738 = vector.broadcast %and3A_737 : i32 to vector<16xi32>
      %and3A_739 = arith.andi %add3A_727, %and3A_738 : vector<16xi32>
      %add3A_740 = arith.addi %add3A_736, %and3A_739 : vector<16xi32>
      %swap3A_741 = arith.index_cast %add3A_729 : i32 to index
      %swap3A_742 = tpu.vector_load %arg10[%swap3A_741] {strides = array<i32>} : memref<4096xi32, #tpu.memory_space<vmem>>, vector<16xi32>,
      %swap3A_743 = vector.shape_cast %swap3A_742 : vector<16xi32> to vector<16xi32>
      %swap3A_744 = vector.shape_cast %add3A_740 : vector<16xi32> to vector<16xi32>
      tpu.vector_store %arg10[%swap3A_741], %swap3A_744 {strides = array<i32>} : memref<4096xi32, #tpu.memory_space<vmem>>, vector<16xi32>,
      %mul3A_745 = arith.mulf %mul3A_573, %get3A_517 : vector<16xf32>
      %swap3A_746 = arith.index_cast %add3A_729 : i32 to index
      %swap3A_747 = tpu.vector_load %arg11[%swap3A_746] {strides = array<i32>} : memref<4096xf32, #tpu.memory_space<vmem>>, vector<16xf32>,
      %swap3A_748 = vector.shape_cast %swap3A_747 : vector<16xf32> to vector<16xf32>
      %swap3A_749 = vector.shape_cast %mul3A_745 : vector<16xf32> to vector<16xf32>
      tpu.vector_store %arg11[%swap3A_746], %swap3A_749 {strides = array<i32>} : memref<4096xf32, #tpu.memory_space<vmem>>, vector<16xf32>,
      %add3A_750 = arith.constant 48 : i32
      %add3A_751 = arith.addi %mul3A_28, %add3A_750 : i32
      %get3A_752 = arith.index_cast %add3A_751 : i32 to index
      %get3A_753 = tpu.vector_load %arg7[%get3A_752] {strides = array<i32>} : memref<1024xf32, #tpu.memory_space<vmem>>, vector<16xf32>,
      %get3A_754 = vector.shape_cast %get3A_753 : vector<16xf32> to vector<16xf32>
      %get3A_755 = arith.index_cast %add3A_751 : i32 to index
      %get3A_756 = tpu.vector_load %arg8[%get3A_755] {strides = array<i32>} : memref<1024xf32, #tpu.memory_space<vmem>>, vector<16xf32>,
      %get3A_757 = vector.shape_cast %get3A_756 : vector<16xf32> to vector<16xf32>
      %get3A_758 = arith.index_cast %add3A_751 : i32 to index
      %get3A_759 = tpu.vector_load %arg9[%get3A_758] {strides = array<i32>} : memref<1024xf32, #tpu.memory_space<vmem>>, vector<16xf32>,
      %get3A_760 = vector.shape_cast %get3A_759 : vector<16xf32> to vector<16xf32>
      %add3A_761 = arith.constant 1.000000e+00 : f32
      %add3A_762 = vector.broadcast %add3A_761 : f32 to vector<16xf32>
      %add3A_763 = arith.addf %get3A_754, %add3A_762 : vector<16xf32>
      %mul3A_764 = arith.constant 3.150000e+01 : f32
      %mul3A_765 = vector.broadcast %mul3A_764 : f32 to vector<16xf32>
      %mul3A_766 = arith.mulf %add3A_763, %mul3A_765 : vector<16xf32>
      %add3A_767 = arith.constant 1.000000e+00 : f32
      %add3A_768 = vector.broadcast %add3A_767 : f32 to vector<16xf32>
      %add3A_769 = arith.addf %get3A_757, %add3A_768 : vector<16xf32>
      %mul3A_770 = arith.constant 3.150000e+01 : f32
      %mul3A_771 = vector.broadcast %mul3A_770 : f32 to vector<16xf32>
      %mul3A_772 = arith.mulf %add3A_769, %mul3A_771 : vector<16xf32>
      %convert_element_type3A_773 = arith.fptosi %mul3A_766 : vector<16xf32> to vector<16xi32>
      %convert_element_type3A_774 = arith.fptosi %mul3A_772 : vector<16xf32> to vector<16xi32>
      %convert_element_type3A_775 = arith.sitofp %convert_element_type3A_773 : vector<16xi32> to vector<16xf32>
      %convert_element_type3A_776 = arith.sitofp %convert_element_type3A_774 : vector<16xi32> to vector<16xf32>
      %add3A_777 = arith.constant 1.000000e+00 : f32
      %add3A_778 = vector.broadcast %add3A_777 : f32 to vector<16xf32>
      %add3A_779 = arith.addf %convert_element_type3A_775, %add3A_778 : vector<16xf32>
      %sub3A_780 = arith.subf %add3A_779, %mul3A_766 : vector<16xf32>
      %sub3A_781 = arith.subf %mul3A_766, %convert_element_type3A_775 : vector<16xf32>
      %add3A_782 = arith.constant 1.000000e+00 : f32
      %add3A_783 = vector.broadcast %add3A_782 : f32 to vector<16xf32>
      %add3A_784 = arith.addf %convert_element_type3A_776, %add3A_783 : vector<16xf32>
      %sub3A_785 = arith.subf %add3A_784, %mul3A_772 : vector<16xf32>
      %sub3A_786 = arith.subf %mul3A_772, %convert_element_type3A_776 : vector<16xf32>
      %add3A_787 = arith.addi %mul3A_2, %add3A_751 : i32
      %add3A_788 = vector.broadcast %add3A_787 : i32 to vector<16xi32>
      %add3A_789 = arith.addi %add3A_788, %iota3A : vector<16xi32>
      %shift_right_arithmetic3A_790 = arith.constant 12 : i32
      %shift_right_arithmetic3A_791 = vector.broadcast %shift_right_arithmetic3A_790 : i32 to vector<16xi32>
      %shift_right_arithmetic3A_792 = arith.shrsi %add3A_789, %shift_right_arithmetic3A_791 : vector<16xi32>
      %and3A_793 = arith.constant 4095 : i32
      %and3A_794 = vector.broadcast %and3A_793 : i32 to vector<16xi32>
      %and3A_795 = arith.andi %add3A_789, %and3A_794 : vector<16xi32>
      %shift_left3A_796 = arith.constant 24 : i32
      %shift_left3A_797 = vector.broadcast %shift_left3A_796 : i32 to vector<16xi32>
      %shift_left3A_798 = arith.shli %shift_right_arithmetic3A_792, %shift_left3A_797 : vector<16xi32>
      %shift_right_arithmetic3A_799 = arith.constant 3 : i32
      %shift_right_arithmetic3A_800 = vector.broadcast %shift_right_arithmetic3A_799 : i32 to vector<16xi32>
      %shift_right_arithmetic3A_801 = arith.shrsi %and3A_795, %shift_right_arithmetic3A_800 : vector<16xi32>
      %shift_left3A_802 = arith.constant 15 : i32
      %shift_left3A_803 = vector.broadcast %shift_left3A_802 : i32 to vector<16xi32>
      %shift_left3A_804 = arith.shli %shift_right_arithmetic3A_801, %shift_left3A_803 : vector<16xi32>
      %add3A_805 = arith.addi %shift_left3A_798, %shift_left3A_804 : vector<16xi32>
      %and3A_806 = arith.constant 7 : i32
      %and3A_807 = vector.broadcast %and3A_806 : i32 to vector<16xi32>
      %and3A_808 = arith.andi %and3A_795, %and3A_807 : vector<16xi32>
      %shift_left3A_809 = arith.constant 7 : i32
      %shift_left3A_810 = vector.broadcast %shift_left3A_809 : i32 to vector<16xi32>
      %shift_left3A_811 = arith.shli %and3A_808, %shift_left3A_810 : vector<16xi32>
      %add3A_812 = arith.addi %add3A_805, %shift_left3A_811 : vector<16xi32>
      %mul3A_813 = arith.mulf %sub3A_785, %sub3A_780 : vector<16xf32>
      %mul3A_814 = arith.mulf %sub3A_785, %sub3A_781 : vector<16xf32>
      %mul3A_815 = arith.mulf %sub3A_786, %sub3A_780 : vector<16xf32>
      %mul3A_816 = arith.mulf %sub3A_786, %sub3A_781 : vector<16xf32>
      %add3A_817 = arith.constant 0 : i32
      %add3A_818 = vector.broadcast %add3A_817 : i32 to vector<16xi32>
      %add3A_819 = arith.addi %convert_element_type3A_774, %add3A_818 : vector<16xi32>
      %max3A_820 = arith.constant 0 : i32
      %max3A_821 = vector.broadcast %max3A_820 : i32 to vector<16xi32>
      %max3A_822 = arith.maxsi %add3A_819, %max3A_821 : vector<16xi32>
      %min3A_823 = arith.constant 63 : i32
      %min3A_824 = vector.broadcast %min3A_823 : i32 to vector<16xi32>
      %min3A_825 = arith.minsi %max3A_822, %min3A_824 : vector<16xi32>
      %add3A_826 = arith.constant 0 : i32
      %add3A_827 = vector.broadcast %add3A_826 : i32 to vector<16xi32>
      %add3A_828 = arith.addi %convert_element_type3A_773, %add3A_827 : vector<16xi32>
      %max3A_829 = arith.constant 0 : i32
      %max3A_830 = vector.broadcast %max3A_829 : i32 to vector<16xi32>
      %max3A_831 = arith.maxsi %add3A_828, %max3A_830 : vector<16xi32>
      %min3A_832 = arith.constant 63 : i32
      %min3A_833 = vector.broadcast %min3A_832 : i32 to vector<16xi32>
      %min3A_834 = arith.minsi %max3A_831, %min3A_833 : vector<16xi32>
      %mul3A_835 = arith.constant 64 : i32
      %mul3A_836 = vector.broadcast %mul3A_835 : i32 to vector<16xi32>
      %mul3A_837 = arith.muli %min3A_825, %mul3A_836 : vector<16xi32>
      %add3A_838 = arith.addi %mul3A_837, %min3A_834 : vector<16xi32>
      %add3A_839 = arith.constant 0 : i32
      %add3A_840 = arith.addi %add3A_839, %add3A_751 : i32
      %shift_right_arithmetic3A_841 = arith.constant 7 : i32
      %shift_right_arithmetic3A_842 = vector.broadcast %shift_right_arithmetic3A_841 : i32 to vector<16xi32>
      %shift_right_arithmetic3A_843 = arith.shrsi %add3A_838, %shift_right_arithmetic3A_842 : vector<16xi32>
      %shift_left3A_844 = arith.constant 10 : i32
      %shift_left3A_845 = vector.broadcast %shift_left3A_844 : i32 to vector<16xi32>
      %shift_left3A_846 = arith.shli %shift_right_arithmetic3A_843, %shift_left3A_845 : vector<16xi32>
      %add3A_847 = arith.addi %add3A_812, %shift_left3A_846 : vector<16xi32>
      %and3A_848 = arith.constant 127 : i32
      %and3A_849 = vector.broadcast %and3A_848 : i32 to vector<16xi32>
      %and3A_850 = arith.andi %add3A_838, %and3A_849 : vector<16xi32>
      %add3A_851 = arith.addi %add3A_847, %and3A_850 : vector<16xi32>
      %swap3A_852 = arith.index_cast %add3A_840 : i32 to index
      %swap3A_853 = tpu.vector_load %arg10[%swap3A_852] {strides = array<i32>} : memref<4096xi32, #tpu.memory_space<vmem>>, vector<16xi32>,
      %swap3A_854 = vector.shape_cast %swap3A_853 : vector<16xi32> to vector<16xi32>
      %swap3A_855 = vector.shape_cast %add3A_851 : vector<16xi32> to vector<16xi32>
      tpu.vector_store %arg10[%swap3A_852], %swap3A_855 {strides = array<i32>} : memref<4096xi32, #tpu.memory_space<vmem>>, vector<16xi32>,
      %mul3A_856 = arith.mulf %mul3A_813, %get3A_760 : vector<16xf32>
      %swap3A_857 = arith.index_cast %add3A_840 : i32 to index
      %swap3A_858 = tpu.vector_load %arg11[%swap3A_857] {strides = array<i32>} : memref<4096xf32, #tpu.memory_space<vmem>>, vector<16xf32>,
      %swap3A_859 = vector.shape_cast %swap3A_858 : vector<16xf32> to vector<16xf32>
      %swap3A_860 = vector.shape_cast %mul3A_856 : vector<16xf32> to vector<16xf32>
      tpu.vector_store %arg11[%swap3A_857], %swap3A_860 {strides = array<i32>} : memref<4096xf32, #tpu.memory_space<vmem>>, vector<16xf32>,
      %add3A_861 = arith.constant 0 : i32
      %add3A_862 = vector.broadcast %add3A_861 : i32 to vector<16xi32>
      %add3A_863 = arith.addi %convert_element_type3A_774, %add3A_862 : vector<16xi32>
      %max3A_864 = arith.constant 0 : i32
      %max3A_865 = vector.broadcast %max3A_864 : i32 to vector<16xi32>
      %max3A_866 = arith.maxsi %add3A_863, %max3A_865 : vector<16xi32>
      %min3A_867 = arith.constant 63 : i32
      %min3A_868 = vector.broadcast %min3A_867 : i32 to vector<16xi32>
      %min3A_869 = arith.minsi %max3A_866, %min3A_868 : vector<16xi32>
      %add3A_870 = arith.constant 1 : i32
      %add3A_871 = vector.broadcast %add3A_870 : i32 to vector<16xi32>
      %add3A_872 = arith.addi %convert_element_type3A_773, %add3A_871 : vector<16xi32>
      %max3A_873 = arith.constant 0 : i32
      %max3A_874 = vector.broadcast %max3A_873 : i32 to vector<16xi32>
      %max3A_875 = arith.maxsi %add3A_872, %max3A_874 : vector<16xi32>
      %min3A_876 = arith.constant 63 : i32
      %min3A_877 = vector.broadcast %min3A_876 : i32 to vector<16xi32>
      %min3A_878 = arith.minsi %max3A_875, %min3A_877 : vector<16xi32>
      %mul3A_879 = arith.constant 64 : i32
      %mul3A_880 = vector.broadcast %mul3A_879 : i32 to vector<16xi32>
      %mul3A_881 = arith.muli %min3A_869, %mul3A_880 : vector<16xi32>
      %add3A_882 = arith.addi %mul3A_881, %min3A_878 : vector<16xi32>
      %add3A_883 = arith.constant 1024 : i32
      %add3A_884 = arith.addi %add3A_883, %add3A_751 : i32
      %shift_right_arithmetic3A_885 = arith.constant 7 : i32
      %shift_right_arithmetic3A_886 = vector.broadcast %shift_right_arithmetic3A_885 : i32 to vector<16xi32>
      %shift_right_arithmetic3A_887 = arith.shrsi %add3A_882, %shift_right_arithmetic3A_886 : vector<16xi32>
      %shift_left3A_888 = arith.constant 10 : i32
      %shift_left3A_889 = vector.broadcast %shift_left3A_888 : i32 to vector<16xi32>
      %shift_left3A_890 = arith.shli %shift_right_arithmetic3A_887, %shift_left3A_889 : vector<16xi32>
      %add3A_891 = arith.addi %add3A_812, %shift_left3A_890 : vector<16xi32>
      %and3A_892 = arith.constant 127 : i32
      %and3A_893 = vector.broadcast %and3A_892 : i32 to vector<16xi32>
      %and3A_894 = arith.andi %add3A_882, %and3A_893 : vector<16xi32>
      %add3A_895 = arith.addi %add3A_891, %and3A_894 : vector<16xi32>
      %swap3A_896 = arith.index_cast %add3A_884 : i32 to index
      %swap3A_897 = tpu.vector_load %arg10[%swap3A_896] {strides = array<i32>} : memref<4096xi32, #tpu.memory_space<vmem>>, vector<16xi32>,
      %swap3A_898 = vector.shape_cast %swap3A_897 : vector<16xi32> to vector<16xi32>
      %swap3A_899 = vector.shape_cast %add3A_895 : vector<16xi32> to vector<16xi32>
      tpu.vector_store %arg10[%swap3A_896], %swap3A_899 {strides = array<i32>} : memref<4096xi32, #tpu.memory_space<vmem>>, vector<16xi32>,
      %mul3A_900 = arith.mulf %mul3A_814, %get3A_760 : vector<16xf32>
      %swap3A_901 = arith.index_cast %add3A_884 : i32 to index
      %swap3A_902 = tpu.vector_load %arg11[%swap3A_901] {strides = array<i32>} : memref<4096xf32, #tpu.memory_space<vmem>>, vector<16xf32>,
      %swap3A_903 = vector.shape_cast %swap3A_902 : vector<16xf32> to vector<16xf32>
      %swap3A_904 = vector.shape_cast %mul3A_900 : vector<16xf32> to vector<16xf32>
      tpu.vector_store %arg11[%swap3A_901], %swap3A_904 {strides = array<i32>} : memref<4096xf32, #tpu.memory_space<vmem>>, vector<16xf32>,
      %add3A_905 = arith.constant 1 : i32
      %add3A_906 = vector.broadcast %add3A_905 : i32 to vector<16xi32>
      %add3A_907 = arith.addi %convert_element_type3A_774, %add3A_906 : vector<16xi32>
      %max3A_908 = arith.constant 0 : i32
      %max3A_909 = vector.broadcast %max3A_908 : i32 to vector<16xi32>
      %max3A_910 = arith.maxsi %add3A_907, %max3A_909 : vector<16xi32>
      %min3A_911 = arith.constant 63 : i32
      %min3A_912 = vector.broadcast %min3A_911 : i32 to vector<16xi32>
      %min3A_913 = arith.minsi %max3A_910, %min3A_912 : vector<16xi32>
      %add3A_914 = arith.constant 0 : i32
      %add3A_915 = vector.broadcast %add3A_914 : i32 to vector<16xi32>
      %add3A_916 = arith.addi %convert_element_type3A_773, %add3A_915 : vector<16xi32>
      %max3A_917 = arith.constant 0 : i32
      %max3A_918 = vector.broadcast %max3A_917 : i32 to vector<16xi32>
      %max3A_919 = arith.maxsi %add3A_916, %max3A_918 : vector<16xi32>
      %min3A_920 = arith.constant 63 : i32
      %min3A_921 = vector.broadcast %min3A_920 : i32 to vector<16xi32>
      %min3A_922 = arith.minsi %max3A_919, %min3A_921 : vector<16xi32>
      %mul3A_923 = arith.constant 64 : i32
      %mul3A_924 = vector.broadcast %mul3A_923 : i32 to vector<16xi32>
      %mul3A_925 = arith.muli %min3A_913, %mul3A_924 : vector<16xi32>
      %add3A_926 = arith.addi %mul3A_925, %min3A_922 : vector<16xi32>
      %add3A_927 = arith.constant 2048 : i32
      %add3A_928 = arith.addi %add3A_927, %add3A_751 : i32
      %shift_right_arithmetic3A_929 = arith.constant 7 : i32
      %shift_right_arithmetic3A_930 = vector.broadcast %shift_right_arithmetic3A_929 : i32 to vector<16xi32>
      %shift_right_arithmetic3A_931 = arith.shrsi %add3A_926, %shift_right_arithmetic3A_930 : vector<16xi32>
      %shift_left3A_932 = arith.constant 10 : i32
      %shift_left3A_933 = vector.broadcast %shift_left3A_932 : i32 to vector<16xi32>
      %shift_left3A_934 = arith.shli %shift_right_arithmetic3A_931, %shift_left3A_933 : vector<16xi32>
      %add3A_935 = arith.addi %add3A_812, %shift_left3A_934 : vector<16xi32>
      %and3A_936 = arith.constant 127 : i32
      %and3A_937 = vector.broadcast %and3A_936 : i32 to vector<16xi32>
      %and3A_938 = arith.andi %add3A_926, %and3A_937 : vector<16xi32>
      %add3A_939 = arith.addi %add3A_935, %and3A_938 : vector<16xi32>
      %swap3A_940 = arith.index_cast %add3A_928 : i32 to index
      %swap3A_941 = tpu.vector_load %arg10[%swap3A_940] {strides = array<i32>} : memref<4096xi32, #tpu.memory_space<vmem>>, vector<16xi32>,
      %swap3A_942 = vector.shape_cast %swap3A_941 : vector<16xi32> to vector<16xi32>
      %swap3A_943 = vector.shape_cast %add3A_939 : vector<16xi32> to vector<16xi32>
      tpu.vector_store %arg10[%swap3A_940], %swap3A_943 {strides = array<i32>} : memref<4096xi32, #tpu.memory_space<vmem>>, vector<16xi32>,
      %mul3A_944 = arith.mulf %mul3A_815, %get3A_760 : vector<16xf32>
      %swap3A_945 = arith.index_cast %add3A_928 : i32 to index
      %swap3A_946 = tpu.vector_load %arg11[%swap3A_945] {strides = array<i32>} : memref<4096xf32, #tpu.memory_space<vmem>>, vector<16xf32>,
      %swap3A_947 = vector.shape_cast %swap3A_946 : vector<16xf32> to vector<16xf32>
      %swap3A_948 = vector.shape_cast %mul3A_944 : vector<16xf32> to vector<16xf32>
      tpu.vector_store %arg11[%swap3A_945], %swap3A_948 {strides = array<i32>} : memref<4096xf32, #tpu.memory_space<vmem>>, vector<16xf32>,
      %add3A_949 = arith.constant 1 : i32
      %add3A_950 = vector.broadcast %add3A_949 : i32 to vector<16xi32>
      %add3A_951 = arith.addi %convert_element_type3A_774, %add3A_950 : vector<16xi32>
      %max3A_952 = arith.constant 0 : i32
      %max3A_953 = vector.broadcast %max3A_952 : i32 to vector<16xi32>
      %max3A_954 = arith.maxsi %add3A_951, %max3A_953 : vector<16xi32>
      %min3A_955 = arith.constant 63 : i32
      %min3A_956 = vector.broadcast %min3A_955 : i32 to vector<16xi32>
      %min3A_957 = arith.minsi %max3A_954, %min3A_956 : vector<16xi32>
      %add3A_958 = arith.constant 1 : i32
      %add3A_959 = vector.broadcast %add3A_958 : i32 to vector<16xi32>
      %add3A_960 = arith.addi %convert_element_type3A_773, %add3A_959 : vector<16xi32>
      %max3A_961 = arith.constant 0 : i32
      %max3A_962 = vector.broadcast %max3A_961 : i32 to vector<16xi32>
      %max3A_963 = arith.maxsi %add3A_960, %max3A_962 : vector<16xi32>
      %min3A_964 = arith.constant 63 : i32
      %min3A_965 = vector.broadcast %min3A_964 : i32 to vector<16xi32>
      %min3A_966 = arith.minsi %max3A_963, %min3A_965 : vector<16xi32>
      %mul3A_967 = arith.constant 64 : i32
      %mul3A_968 = vector.broadcast %mul3A_967 : i32 to vector<16xi32>
      %mul3A_969 = arith.muli %min3A_957, %mul3A_968 : vector<16xi32>
      %add3A_970 = arith.addi %mul3A_969, %min3A_966 : vector<16xi32>
      %add3A_971 = arith.constant 3072 : i32
      %add3A_972 = arith.addi %add3A_971, %add3A_751 : i32
      %shift_right_arithmetic3A_973 = arith.constant 7 : i32
      %shift_right_arithmetic3A_974 = vector.broadcast %shift_right_arithmetic3A_973 : i32 to vector<16xi32>
      %shift_right_arithmetic3A_975 = arith.shrsi %add3A_970, %shift_right_arithmetic3A_974 : vector<16xi32>
      %shift_left3A_976 = arith.constant 10 : i32
      %shift_left3A_977 = vector.broadcast %shift_left3A_976 : i32 to vector<16xi32>
      %shift_left3A_978 = arith.shli %shift_right_arithmetic3A_975, %shift_left3A_977 : vector<16xi32>
      %add3A_979 = arith.addi %add3A_812, %shift_left3A_978 : vector<16xi32>
      %and3A_980 = arith.constant 127 : i32
      %and3A_981 = vector.broadcast %and3A_980 : i32 to vector<16xi32>
      %and3A_982 = arith.andi %add3A_970, %and3A_981 : vector<16xi32>
      %add3A_983 = arith.addi %add3A_979, %and3A_982 : vector<16xi32>
      %swap3A_984 = arith.index_cast %add3A_972 : i32 to index
      %swap3A_985 = tpu.vector_load %arg10[%swap3A_984] {strides = array<i32>} : memref<4096xi32, #tpu.memory_space<vmem>>, vector<16xi32>,
      %swap3A_986 = vector.shape_cast %swap3A_985 : vector<16xi32> to vector<16xi32>
      %swap3A_987 = vector.shape_cast %add3A_983 : vector<16xi32> to vector<16xi32>
      tpu.vector_store %arg10[%swap3A_984], %swap3A_987 {strides = array<i32>} : memref<4096xi32, #tpu.memory_space<vmem>>, vector<16xi32>,
      %mul3A_988 = arith.mulf %mul3A_816, %get3A_760 : vector<16xf32>
      %swap3A_989 = arith.index_cast %add3A_972 : i32 to index
      %swap3A_990 = tpu.vector_load %arg11[%swap3A_989] {strides = array<i32>} : memref<4096xf32, #tpu.memory_space<vmem>>, vector<16xf32>,
      %swap3A_991 = vector.shape_cast %swap3A_990 : vector<16xf32> to vector<16xf32>
      %swap3A_992 = vector.shape_cast %mul3A_988 : vector<16xf32> to vector<16xf32>
      tpu.vector_store %arg11[%swap3A_989], %swap3A_992 {strides = array<i32>} : memref<4096xf32, #tpu.memory_space<vmem>>, vector<16xf32>,
      %add3A_993 = arith.constant 64 : i32
      %add3A_994 = arith.addi %mul3A_28, %add3A_993 : i32
      %get3A_995 = arith.index_cast %add3A_994 : i32 to index
      %get3A_996 = tpu.vector_load %arg7[%get3A_995] {strides = array<i32>} : memref<1024xf32, #tpu.memory_space<vmem>>, vector<16xf32>,
      %get3A_997 = vector.shape_cast %get3A_996 : vector<16xf32> to vector<16xf32>
      %get3A_998 = arith.index_cast %add3A_994 : i32 to index
      %get3A_999 = tpu.vector_load %arg8[%get3A_998] {strides = array<i32>} : memref<1024xf32, #tpu.memory_space<vmem>>, vector<16xf32>,
      %get3A_1000 = vector.shape_cast %get3A_999 : vector<16xf32> to vector<16xf32>
      %get3A_1001 = arith.index_cast %add3A_994 : i32 to index
      %get3A_1002 = tpu.vector_load %arg9[%get3A_1001] {strides = array<i32>} : memref<1024xf32, #tpu.memory_space<vmem>>, vector<16xf32>,
      %get3A_1003 = vector.shape_cast %get3A_1002 : vector<16xf32> to vector<16xf32>
      %add3A_1004 = arith.constant 1.000000e+00 : f32
      %add3A_1005 = vector.broadcast %add3A_1004 : f32 to vector<16xf32>
      %add3A_1006 = arith.addf %get3A_997, %add3A_1005 : vector<16xf32>
      %mul3A_1007 = arith.constant 3.150000e+01 : f32
      %mul3A_1008 = vector.broadcast %mul3A_1007 : f32 to vector<16xf32>
      %mul3A_1009 = arith.mulf %add3A_1006, %mul3A_1008 : vector<16xf32>
      %add3A_1010 = arith.constant 1.000000e+00 : f32
      %add3A_1011 = vector.broadcast %add3A_1010 : f32 to vector<16xf32>
      %add3A_1012 = arith.addf %get3A_1000, %add3A_1011 : vector<16xf32>
      %mul3A_1013 = arith.constant 3.150000e+01 : f32
      %mul3A_1014 = vector.broadcast %mul3A_1013 : f32 to vector<16xf32>
      %mul3A_1015 = arith.mulf %add3A_1012, %mul3A_1014 : vector<16xf32>
      %convert_element_type3A_1016 = arith.fptosi %mul3A_1009 : vector<16xf32> to vector<16xi32>
      %convert_element_type3A_1017 = arith.fptosi %mul3A_1015 : vector<16xf32> to vector<16xi32>
      %convert_element_type3A_1018 = arith.sitofp %convert_element_type3A_1016 : vector<16xi32> to vector<16xf32>
      %convert_element_type3A_1019 = arith.sitofp %convert_element_type3A_1017 : vector<16xi32> to vector<16xf32>
      %add3A_1020 = arith.constant 1.000000e+00 : f32
      %add3A_1021 = vector.broadcast %add3A_1020 : f32 to vector<16xf32>
      %add3A_1022 = arith.addf %convert_element_type3A_1018, %add3A_1021 : vector<16xf32>
      %sub3A_1023 = arith.subf %add3A_1022, %mul3A_1009 : vector<16xf32>
      %sub3A_1024 = arith.subf %mul3A_1009, %convert_element_type3A_1018 : vector<16xf32>
      %add3A_1025 = arith.constant 1.000000e+00 : f32
      %add3A_1026 = vector.broadcast %add3A_1025 : f32 to vector<16xf32>
      %add3A_1027 = arith.addf %convert_element_type3A_1019, %add3A_1026 : vector<16xf32>
      %sub3A_1028 = arith.subf %add3A_1027, %mul3A_1015 : vector<16xf32>
      %sub3A_1029 = arith.subf %mul3A_1015, %convert_element_type3A_1019 : vector<16xf32>
      %add3A_1030 = arith.addi %mul3A_2, %add3A_994 : i32
      %add3A_1031 = vector.broadcast %add3A_1030 : i32 to vector<16xi32>
      %add3A_1032 = arith.addi %add3A_1031, %iota3A : vector<16xi32>
      %shift_right_arithmetic3A_1033 = arith.constant 12 : i32
      %shift_right_arithmetic3A_1034 = vector.broadcast %shift_right_arithmetic3A_1033 : i32 to vector<16xi32>
      %shift_right_arithmetic3A_1035 = arith.shrsi %add3A_1032, %shift_right_arithmetic3A_1034 : vector<16xi32>
      %and3A_1036 = arith.constant 4095 : i32
      %and3A_1037 = vector.broadcast %and3A_1036 : i32 to vector<16xi32>
      %and3A_1038 = arith.andi %add3A_1032, %and3A_1037 : vector<16xi32>
      %shift_left3A_1039 = arith.constant 24 : i32
      %shift_left3A_1040 = vector.broadcast %shift_left3A_1039 : i32 to vector<16xi32>
      %shift_left3A_1041 = arith.shli %shift_right_arithmetic3A_1035, %shift_left3A_1040 : vector<16xi32>
      %shift_right_arithmetic3A_1042 = arith.constant 3 : i32
      %shift_right_arithmetic3A_1043 = vector.broadcast %shift_right_arithmetic3A_1042 : i32 to vector<16xi32>
      %shift_right_arithmetic3A_1044 = arith.shrsi %and3A_1038, %shift_right_arithmetic3A_1043 : vector<16xi32>
      %shift_left3A_1045 = arith.constant 15 : i32
      %shift_left3A_1046 = vector.broadcast %shift_left3A_1045 : i32 to vector<16xi32>
      %shift_left3A_1047 = arith.shli %shift_right_arithmetic3A_1044, %shift_left3A_1046 : vector<16xi32>
      %add3A_1048 = arith.addi %shift_left3A_1041, %shift_left3A_1047 : vector<16xi32>
      %and3A_1049 = arith.constant 7 : i32
      %and3A_1050 = vector.broadcast %and3A_1049 : i32 to vector<16xi32>
      %and3A_1051 = arith.andi %and3A_1038, %and3A_1050 : vector<16xi32>
      %shift_left3A_1052 = arith.constant 7 : i32
      %shift_left3A_1053 = vector.broadcast %shift_left3A_1052 : i32 to vector<16xi32>
      %shift_left3A_1054 = arith.shli %and3A_1051, %shift_left3A_1053 : vector<16xi32>
      %add3A_1055 = arith.addi %add3A_1048, %shift_left3A_1054 : vector<16xi32>
      %mul3A_1056 = arith.mulf %sub3A_1028, %sub3A_1023 : vector<16xf32>
      %mul3A_1057 = arith.mulf %sub3A_1028, %sub3A_1024 : vector<16xf32>
      %mul3A_1058 = arith.mulf %sub3A_1029, %sub3A_1023 : vector<16xf32>
      %mul3A_1059 = arith.mulf %sub3A_1029, %sub3A_1024 : vector<16xf32>
      %add3A_1060 = arith.constant 0 : i32
      %add3A_1061 = vector.broadcast %add3A_1060 : i32 to vector<16xi32>
      %add3A_1062 = arith.addi %convert_element_type3A_1017, %add3A_1061 : vector<16xi32>
      %max3A_1063 = arith.constant 0 : i32
      %max3A_1064 = vector.broadcast %max3A_1063 : i32 to vector<16xi32>
      %max3A_1065 = arith.maxsi %add3A_1062, %max3A_1064 : vector<16xi32>
      %min3A_1066 = arith.constant 63 : i32
      %min3A_1067 = vector.broadcast %min3A_1066 : i32 to vector<16xi32>
      %min3A_1068 = arith.minsi %max3A_1065, %min3A_1067 : vector<16xi32>
      %add3A_1069 = arith.constant 0 : i32
      %add3A_1070 = vector.broadcast %add3A_1069 : i32 to vector<16xi32>
      %add3A_1071 = arith.addi %convert_element_type3A_1016, %add3A_1070 : vector<16xi32>
      %max3A_1072 = arith.constant 0 : i32
      %max3A_1073 = vector.broadcast %max3A_1072 : i32 to vector<16xi32>
      %max3A_1074 = arith.maxsi %add3A_1071, %max3A_1073 : vector<16xi32>
      %min3A_1075 = arith.constant 63 : i32
      %min3A_1076 = vector.broadcast %min3A_1075 : i32 to vector<16xi32>
      %min3A_1077 = arith.minsi %max3A_1074, %min3A_1076 : vector<16xi32>
      %mul3A_1078 = arith.constant 64 : i32
      %mul3A_1079 = vector.broadcast %mul3A_1078 : i32 to vector<16xi32>
      %mul3A_1080 = arith.muli %min3A_1068, %mul3A_1079 : vector<16xi32>
      %add3A_1081 = arith.addi %mul3A_1080, %min3A_1077 : vector<16xi32>
      %add3A_1082 = arith.constant 0 : i32
      %add3A_1083 = arith.addi %add3A_1082, %add3A_994 : i32
      %shift_right_arithmetic3A_1084 = arith.constant 7 : i32
      %shift_right_arithmetic3A_1085 = vector.broadcast %shift_right_arithmetic3A_1084 : i32 to vector<16xi32>
      %shift_right_arithmetic3A_1086 = arith.shrsi %add3A_1081, %shift_right_arithmetic3A_1085 : vector<16xi32>
      %shift_left3A_1087 = arith.constant 10 : i32
      %shift_left3A_1088 = vector.broadcast %shift_left3A_1087 : i32 to vector<16xi32>
      %shift_left3A_1089 = arith.shli %shift_right_arithmetic3A_1086, %shift_left3A_1088 : vector<16xi32>
      %add3A_1090 = arith.addi %add3A_1055, %shift_left3A_1089 : vector<16xi32>
      %and3A_1091 = arith.constant 127 : i32
      %and3A_1092 = vector.broadcast %and3A_1091 : i32 to vector<16xi32>
      %and3A_1093 = arith.andi %add3A_1081, %and3A_1092 : vector<16xi32>
      %add3A_1094 = arith.addi %add3A_1090, %and3A_1093 : vector<16xi32>
      %swap3A_1095 = arith.index_cast %add3A_1083 : i32 to index
      %swap3A_1096 = tpu.vector_load %arg10[%swap3A_1095] {strides = array<i32>} : memref<4096xi32, #tpu.memory_space<vmem>>, vector<16xi32>,
      %swap3A_1097 = vector.shape_cast %swap3A_1096 : vector<16xi32> to vector<16xi32>
      %swap3A_1098 = vector.shape_cast %add3A_1094 : vector<16xi32> to vector<16xi32>
      tpu.vector_store %arg10[%swap3A_1095], %swap3A_1098 {strides = array<i32>} : memref<4096xi32, #tpu.memory_space<vmem>>, vector<16xi32>,
      %mul3A_1099 = arith.mulf %mul3A_1056, %get3A_1003 : vector<16xf32>
      %swap3A_1100 = arith.index_cast %add3A_1083 : i32 to index
      %swap3A_1101 = tpu.vector_load %arg11[%swap3A_1100] {strides = array<i32>} : memref<4096xf32, #tpu.memory_space<vmem>>, vector<16xf32>,
      %swap3A_1102 = vector.shape_cast %swap3A_1101 : vector<16xf32> to vector<16xf32>
      %swap3A_1103 = vector.shape_cast %mul3A_1099 : vector<16xf32> to vector<16xf32>
      tpu.vector_store %arg11[%swap3A_1100], %swap3A_1103 {strides = array<i32>} : memref<4096xf32, #tpu.memory_space<vmem>>, vector<16xf32>,
      %add3A_1104 = arith.constant 0 : i32
      %add3A_1105 = vector.broadcast %add3A_1104 : i32 to vector<16xi32>
      %add3A_1106 = arith.addi %convert_element_type3A_1017, %add3A_1105 : vector<16xi32>
      %max3A_1107 = arith.constant 0 : i32
      %max3A_1108 = vector.broadcast %max3A_1107 : i32 to vector<16xi32>
      %max3A_1109 = arith.maxsi %add3A_1106, %max3A_1108 : vector<16xi32>
      %min3A_1110 = arith.constant 63 : i32
      %min3A_1111 = vector.broadcast %min3A_1110 : i32 to vector<16xi32>
      %min3A_1112 = arith.minsi %max3A_1109, %min3A_1111 : vector<16xi32>
      %add3A_1113 = arith.constant 1 : i32
      %add3A_1114 = vector.broadcast %add3A_1113 : i32 to vector<16xi32>
      %add3A_1115 = arith.addi %convert_element_type3A_1016, %add3A_1114 : vector<16xi32>
      %max3A_1116 = arith.constant 0 : i32
      %max3A_1117 = vector.broadcast %max3A_1116 : i32 to vector<16xi32>
      %max3A_1118 = arith.maxsi %add3A_1115, %max3A_1117 : vector<16xi32>
      %min3A_1119 = arith.constant 63 : i32
      %min3A_1120 = vector.broadcast %min3A_1119 : i32 to vector<16xi32>
      %min3A_1121 = arith.minsi %max3A_1118, %min3A_1120 : vector<16xi32>
      %mul3A_1122 = arith.constant 64 : i32
      %mul3A_1123 = vector.broadcast %mul3A_1122 : i32 to vector<16xi32>
      %mul3A_1124 = arith.muli %min3A_1112, %mul3A_1123 : vector<16xi32>
      %add3A_1125 = arith.addi %mul3A_1124, %min3A_1121 : vector<16xi32>
      %add3A_1126 = arith.constant 1024 : i32
      %add3A_1127 = arith.addi %add3A_1126, %add3A_994 : i32
      %shift_right_arithmetic3A_1128 = arith.constant 7 : i32
      %shift_right_arithmetic3A_1129 = vector.broadcast %shift_right_arithmetic3A_1128 : i32 to vector<16xi32>
      %shift_right_arithmetic3A_1130 = arith.shrsi %add3A_1125, %shift_right_arithmetic3A_1129 : vector<16xi32>
      %shift_left3A_1131 = arith.constant 10 : i32
      %shift_left3A_1132 = vector.broadcast %shift_left3A_1131 : i32 to vector<16xi32>
      %shift_left3A_1133 = arith.shli %shift_right_arithmetic3A_1130, %shift_left3A_1132 : vector<16xi32>
      %add3A_1134 = arith.addi %add3A_1055, %shift_left3A_1133 : vector<16xi32>
      %and3A_1135 = arith.constant 127 : i32
      %and3A_1136 = vector.broadcast %and3A_1135 : i32 to vector<16xi32>
      %and3A_1137 = arith.andi %add3A_1125, %and3A_1136 : vector<16xi32>
      %add3A_1138 = arith.addi %add3A_1134, %and3A_1137 : vector<16xi32>
      %swap3A_1139 = arith.index_cast %add3A_1127 : i32 to index
      %swap3A_1140 = tpu.vector_load %arg10[%swap3A_1139] {strides = array<i32>} : memref<4096xi32, #tpu.memory_space<vmem>>, vector<16xi32>,
      %swap3A_1141 = vector.shape_cast %swap3A_1140 : vector<16xi32> to vector<16xi32>
      %swap3A_1142 = vector.shape_cast %add3A_1138 : vector<16xi32> to vector<16xi32>
      tpu.vector_store %arg10[%swap3A_1139], %swap3A_1142 {strides = array<i32>} : memref<4096xi32, #tpu.memory_space<vmem>>, vector<16xi32>,
      %mul3A_1143 = arith.mulf %mul3A_1057, %get3A_1003 : vector<16xf32>
      %swap3A_1144 = arith.index_cast %add3A_1127 : i32 to index
      %swap3A_1145 = tpu.vector_load %arg11[%swap3A_1144] {strides = array<i32>} : memref<4096xf32, #tpu.memory_space<vmem>>, vector<16xf32>,
      %swap3A_1146 = vector.shape_cast %swap3A_1145 : vector<16xf32> to vector<16xf32>
      %swap3A_1147 = vector.shape_cast %mul3A_1143 : vector<16xf32> to vector<16xf32>
      tpu.vector_store %arg11[%swap3A_1144], %swap3A_1147 {strides = array<i32>} : memref<4096xf32, #tpu.memory_space<vmem>>, vector<16xf32>,
      %add3A_1148 = arith.constant 1 : i32
      %add3A_1149 = vector.broadcast %add3A_1148 : i32 to vector<16xi32>
      %add3A_1150 = arith.addi %convert_element_type3A_1017, %add3A_1149 : vector<16xi32>
      %max3A_1151 = arith.constant 0 : i32
      %max3A_1152 = vector.broadcast %max3A_1151 : i32 to vector<16xi32>
      %max3A_1153 = arith.maxsi %add3A_1150, %max3A_1152 : vector<16xi32>
      %min3A_1154 = arith.constant 63 : i32
      %min3A_1155 = vector.broadcast %min3A_1154 : i32 to vector<16xi32>
      %min3A_1156 = arith.minsi %max3A_1153, %min3A_1155 : vector<16xi32>
      %add3A_1157 = arith.constant 0 : i32
      %add3A_1158 = vector.broadcast %add3A_1157 : i32 to vector<16xi32>
      %add3A_1159 = arith.addi %convert_element_type3A_1016, %add3A_1158 : vector<16xi32>
      %max3A_1160 = arith.constant 0 : i32
      %max3A_1161 = vector.broadcast %max3A_1160 : i32 to vector<16xi32>
      %max3A_1162 = arith.maxsi %add3A_1159, %max3A_1161 : vector<16xi32>
      %min3A_1163 = arith.constant 63 : i32
      %min3A_1164 = vector.broadcast %min3A_1163 : i32 to vector<16xi32>
      %min3A_1165 = arith.minsi %max3A_1162, %min3A_1164 : vector<16xi32>
      %mul3A_1166 = arith.constant 64 : i32
      %mul3A_1167 = vector.broadcast %mul3A_1166 : i32 to vector<16xi32>
      %mul3A_1168 = arith.muli %min3A_1156, %mul3A_1167 : vector<16xi32>
      %add3A_1169 = arith.addi %mul3A_1168, %min3A_1165 : vector<16xi32>
      %add3A_1170 = arith.constant 2048 : i32
      %add3A_1171 = arith.addi %add3A_1170, %add3A_994 : i32
      %shift_right_arithmetic3A_1172 = arith.constant 7 : i32
      %shift_right_arithmetic3A_1173 = vector.broadcast %shift_right_arithmetic3A_1172 : i32 to vector<16xi32>
      %shift_right_arithmetic3A_1174 = arith.shrsi %add3A_1169, %shift_right_arithmetic3A_1173 : vector<16xi32>
      %shift_left3A_1175 = arith.constant 10 : i32
      %shift_left3A_1176 = vector.broadcast %shift_left3A_1175 : i32 to vector<16xi32>
      %shift_left3A_1177 = arith.shli %shift_right_arithmetic3A_1174, %shift_left3A_1176 : vector<16xi32>
      %add3A_1178 = arith.addi %add3A_1055, %shift_left3A_1177 : vector<16xi32>
      %and3A_1179 = arith.constant 127 : i32
      %and3A_1180 = vector.broadcast %and3A_1179 : i32 to vector<16xi32>
      %and3A_1181 = arith.andi %add3A_1169, %and3A_1180 : vector<16xi32>
      %add3A_1182 = arith.addi %add3A_1178, %and3A_1181 : vector<16xi32>
      %swap3A_1183 = arith.index_cast %add3A_1171 : i32 to index
      %swap3A_1184 = tpu.vector_load %arg10[%swap3A_1183] {strides = array<i32>} : memref<4096xi32, #tpu.memory_space<vmem>>, vector<16xi32>,
      %swap3A_1185 = vector.shape_cast %swap3A_1184 : vector<16xi32> to vector<16xi32>
      %swap3A_1186 = vector.shape_cast %add3A_1182 : vector<16xi32> to vector<16xi32>
      tpu.vector_store %arg10[%swap3A_1183], %swap3A_1186 {strides = array<i32>} : memref<4096xi32, #tpu.memory_space<vmem>>, vector<16xi32>,
      %mul3A_1187 = arith.mulf %mul3A_1058, %get3A_1003 : vector<16xf32>
      %swap3A_1188 = arith.index_cast %add3A_1171 : i32 to index
      %swap3A_1189 = tpu.vector_load %arg11[%swap3A_1188] {strides = array<i32>} : memref<4096xf32, #tpu.memory_space<vmem>>, vector<16xf32>,
      %swap3A_1190 = vector.shape_cast %swap3A_1189 : vector<16xf32> to vector<16xf32>
      %swap3A_1191 = vector.shape_cast %mul3A_1187 : vector<16xf32> to vector<16xf32>
      tpu.vector_store %arg11[%swap3A_1188], %swap3A_1191 {strides = array<i32>} : memref<4096xf32, #tpu.memory_space<vmem>>, vector<16xf32>,
      %add3A_1192 = arith.constant 1 : i32
      %add3A_1193 = vector.broadcast %add3A_1192 : i32 to vector<16xi32>
      %add3A_1194 = arith.addi %convert_element_type3A_1017, %add3A_1193 : vector<16xi32>
      %max3A_1195 = arith.constant 0 : i32
      %max3A_1196 = vector.broadcast %max3A_1195 : i32 to vector<16xi32>
      %max3A_1197 = arith.maxsi %add3A_1194, %max3A_1196 : vector<16xi32>
      %min3A_1198 = arith.constant 63 : i32
      %min3A_1199 = vector.broadcast %min3A_1198 : i32 to vector<16xi32>
      %min3A_1200 = arith.minsi %max3A_1197, %min3A_1199 : vector<16xi32>
      %add3A_1201 = arith.constant 1 : i32
      %add3A_1202 = vector.broadcast %add3A_1201 : i32 to vector<16xi32>
      %add3A_1203 = arith.addi %convert_element_type3A_1016, %add3A_1202 : vector<16xi32>
      %max3A_1204 = arith.constant 0 : i32
      %max3A_1205 = vector.broadcast %max3A_1204 : i32 to vector<16xi32>
      %max3A_1206 = arith.maxsi %add3A_1203, %max3A_1205 : vector<16xi32>
      %min3A_1207 = arith.constant 63 : i32
      %min3A_1208 = vector.broadcast %min3A_1207 : i32 to vector<16xi32>
      %min3A_1209 = arith.minsi %max3A_1206, %min3A_1208 : vector<16xi32>
      %mul3A_1210 = arith.constant 64 : i32
      %mul3A_1211 = vector.broadcast %mul3A_1210 : i32 to vector<16xi32>
      %mul3A_1212 = arith.muli %min3A_1200, %mul3A_1211 : vector<16xi32>
      %add3A_1213 = arith.addi %mul3A_1212, %min3A_1209 : vector<16xi32>
      %add3A_1214 = arith.constant 3072 : i32
      %add3A_1215 = arith.addi %add3A_1214, %add3A_994 : i32
      %shift_right_arithmetic3A_1216 = arith.constant 7 : i32
      %shift_right_arithmetic3A_1217 = vector.broadcast %shift_right_arithmetic3A_1216 : i32 to vector<16xi32>
      %shift_right_arithmetic3A_1218 = arith.shrsi %add3A_1213, %shift_right_arithmetic3A_1217 : vector<16xi32>
      %shift_left3A_1219 = arith.constant 10 : i32
      %shift_left3A_1220 = vector.broadcast %shift_left3A_1219 : i32 to vector<16xi32>
      %shift_left3A_1221 = arith.shli %shift_right_arithmetic3A_1218, %shift_left3A_1220 : vector<16xi32>
      %add3A_1222 = arith.addi %add3A_1055, %shift_left3A_1221 : vector<16xi32>
      %and3A_1223 = arith.constant 127 : i32
      %and3A_1224 = vector.broadcast %and3A_1223 : i32 to vector<16xi32>
      %and3A_1225 = arith.andi %add3A_1213, %and3A_1224 : vector<16xi32>
      %add3A_1226 = arith.addi %add3A_1222, %and3A_1225 : vector<16xi32>
      %swap3A_1227 = arith.index_cast %add3A_1215 : i32 to index
      %swap3A_1228 = tpu.vector_load %arg10[%swap3A_1227] {strides = array<i32>} : memref<4096xi32, #tpu.memory_space<vmem>>, vector<16xi32>,
      %swap3A_1229 = vector.shape_cast %swap3A_1228 : vector<16xi32> to vector<16xi32>
      %swap3A_1230 = vector.shape_cast %add3A_1226 : vector<16xi32> to vector<16xi32>
      tpu.vector_store %arg10[%swap3A_1227], %swap3A_1230 {strides = array<i32>} : memref<4096xi32, #tpu.memory_space<vmem>>, vector<16xi32>,
      %mul3A_1231 = arith.mulf %mul3A_1059, %get3A_1003 : vector<16xf32>
      %swap3A_1232 = arith.index_cast %add3A_1215 : i32 to index
      %swap3A_1233 = tpu.vector_load %arg11[%swap3A_1232] {strides = array<i32>} : memref<4096xf32, #tpu.memory_space<vmem>>, vector<16xf32>,
      %swap3A_1234 = vector.shape_cast %swap3A_1233 : vector<16xf32> to vector<16xf32>
      %swap3A_1235 = vector.shape_cast %mul3A_1231 : vector<16xf32> to vector<16xf32>
      tpu.vector_store %arg11[%swap3A_1232], %swap3A_1235 {strides = array<i32>} : memref<4096xf32, #tpu.memory_space<vmem>>, vector<16xf32>,
      %add3A_1236 = arith.constant 80 : i32
      %add3A_1237 = arith.addi %mul3A_28, %add3A_1236 : i32
      %get3A_1238 = arith.index_cast %add3A_1237 : i32 to index
      %get3A_1239 = tpu.vector_load %arg7[%get3A_1238] {strides = array<i32>} : memref<1024xf32, #tpu.memory_space<vmem>>, vector<16xf32>,
      %get3A_1240 = vector.shape_cast %get3A_1239 : vector<16xf32> to vector<16xf32>
      %get3A_1241 = arith.index_cast %add3A_1237 : i32 to index
      %get3A_1242 = tpu.vector_load %arg8[%get3A_1241] {strides = array<i32>} : memref<1024xf32, #tpu.memory_space<vmem>>, vector<16xf32>,
      %get3A_1243 = vector.shape_cast %get3A_1242 : vector<16xf32> to vector<16xf32>
      %get3A_1244 = arith.index_cast %add3A_1237 : i32 to index
      %get3A_1245 = tpu.vector_load %arg9[%get3A_1244] {strides = array<i32>} : memref<1024xf32, #tpu.memory_space<vmem>>, vector<16xf32>,
      %get3A_1246 = vector.shape_cast %get3A_1245 : vector<16xf32> to vector<16xf32>
      %add3A_1247 = arith.constant 1.000000e+00 : f32
      %add3A_1248 = vector.broadcast %add3A_1247 : f32 to vector<16xf32>
      %add3A_1249 = arith.addf %get3A_1240, %add3A_1248 : vector<16xf32>
      %mul3A_1250 = arith.constant 3.150000e+01 : f32
      %mul3A_1251 = vector.broadcast %mul3A_1250 : f32 to vector<16xf32>
      %mul3A_1252 = arith.mulf %add3A_1249, %mul3A_1251 : vector<16xf32>
      %add3A_1253 = arith.constant 1.000000e+00 : f32
      %add3A_1254 = vector.broadcast %add3A_1253 : f32 to vector<16xf32>
      %add3A_1255 = arith.addf %get3A_1243, %add3A_1254 : vector<16xf32>
      %mul3A_1256 = arith.constant 3.150000e+01 : f32
      %mul3A_1257 = vector.broadcast %mul3A_1256 : f32 to vector<16xf32>
      %mul3A_1258 = arith.mulf %add3A_1255, %mul3A_1257 : vector<16xf32>
      %convert_element_type3A_1259 = arith.fptosi %mul3A_1252 : vector<16xf32> to vector<16xi32>
      %convert_element_type3A_1260 = arith.fptosi %mul3A_1258 : vector<16xf32> to vector<16xi32>
      %convert_element_type3A_1261 = arith.sitofp %convert_element_type3A_1259 : vector<16xi32> to vector<16xf32>
      %convert_element_type3A_1262 = arith.sitofp %convert_element_type3A_1260 : vector<16xi32> to vector<16xf32>
      %add3A_1263 = arith.constant 1.000000e+00 : f32
      %add3A_1264 = vector.broadcast %add3A_1263 : f32 to vector<16xf32>
      %add3A_1265 = arith.addf %convert_element_type3A_1261, %add3A_1264 : vector<16xf32>
      %sub3A_1266 = arith.subf %add3A_1265, %mul3A_1252 : vector<16xf32>
      %sub3A_1267 = arith.subf %mul3A_1252, %convert_element_type3A_1261 : vector<16xf32>
      %add3A_1268 = arith.constant 1.000000e+00 : f32
      %add3A_1269 = vector.broadcast %add3A_1268 : f32 to vector<16xf32>
      %add3A_1270 = arith.addf %convert_element_type3A_1262, %add3A_1269 : vector<16xf32>
      %sub3A_1271 = arith.subf %add3A_1270, %mul3A_1258 : vector<16xf32>
      %sub3A_1272 = arith.subf %mul3A_1258, %convert_element_type3A_1262 : vector<16xf32>
      %add3A_1273 = arith.addi %mul3A_2, %add3A_1237 : i32
      %add3A_1274 = vector.broadcast %add3A_1273 : i32 to vector<16xi32>
      %add3A_1275 = arith.addi %add3A_1274, %iota3A : vector<16xi32>
      %shift_right_arithmetic3A_1276 = arith.constant 12 : i32
      %shift_right_arithmetic3A_1277 = vector.broadcast %shift_right_arithmetic3A_1276 : i32 to vector<16xi32>
      %shift_right_arithmetic3A_1278 = arith.shrsi %add3A_1275, %shift_right_arithmetic3A_1277 : vector<16xi32>
      %and3A_1279 = arith.constant 4095 : i32
      %and3A_1280 = vector.broadcast %and3A_1279 : i32 to vector<16xi32>
      %and3A_1281 = arith.andi %add3A_1275, %and3A_1280 : vector<16xi32>
      %shift_left3A_1282 = arith.constant 24 : i32
      %shift_left3A_1283 = vector.broadcast %shift_left3A_1282 : i32 to vector<16xi32>
      %shift_left3A_1284 = arith.shli %shift_right_arithmetic3A_1278, %shift_left3A_1283 : vector<16xi32>
      %shift_right_arithmetic3A_1285 = arith.constant 3 : i32
      %shift_right_arithmetic3A_1286 = vector.broadcast %shift_right_arithmetic3A_1285 : i32 to vector<16xi32>
      %shift_right_arithmetic3A_1287 = arith.shrsi %and3A_1281, %shift_right_arithmetic3A_1286 : vector<16xi32>
      %shift_left3A_1288 = arith.constant 15 : i32
      %shift_left3A_1289 = vector.broadcast %shift_left3A_1288 : i32 to vector<16xi32>
      %shift_left3A_1290 = arith.shli %shift_right_arithmetic3A_1287, %shift_left3A_1289 : vector<16xi32>
      %add3A_1291 = arith.addi %shift_left3A_1284, %shift_left3A_1290 : vector<16xi32>
      %and3A_1292 = arith.constant 7 : i32
      %and3A_1293 = vector.broadcast %and3A_1292 : i32 to vector<16xi32>
      %and3A_1294 = arith.andi %and3A_1281, %and3A_1293 : vector<16xi32>
      %shift_left3A_1295 = arith.constant 7 : i32
      %shift_left3A_1296 = vector.broadcast %shift_left3A_1295 : i32 to vector<16xi32>
      %shift_left3A_1297 = arith.shli %and3A_1294, %shift_left3A_1296 : vector<16xi32>
      %add3A_1298 = arith.addi %add3A_1291, %shift_left3A_1297 : vector<16xi32>
      %mul3A_1299 = arith.mulf %sub3A_1271, %sub3A_1266 : vector<16xf32>
      %mul3A_1300 = arith.mulf %sub3A_1271, %sub3A_1267 : vector<16xf32>
      %mul3A_1301 = arith.mulf %sub3A_1272, %sub3A_1266 : vector<16xf32>
      %mul3A_1302 = arith.mulf %sub3A_1272, %sub3A_1267 : vector<16xf32>
      %add3A_1303 = arith.constant 0 : i32
      %add3A_1304 = vector.broadcast %add3A_1303 : i32 to vector<16xi32>
      %add3A_1305 = arith.addi %convert_element_type3A_1260, %add3A_1304 : vector<16xi32>
      %max3A_1306 = arith.constant 0 : i32
      %max3A_1307 = vector.broadcast %max3A_1306 : i32 to vector<16xi32>
      %max3A_1308 = arith.maxsi %add3A_1305, %max3A_1307 : vector<16xi32>
      %min3A_1309 = arith.constant 63 : i32
      %min3A_1310 = vector.broadcast %min3A_1309 : i32 to vector<16xi32>
      %min3A_1311 = arith.minsi %max3A_1308, %min3A_1310 : vector<16xi32>
      %add3A_1312 = arith.constant 0 : i32
      %add3A_1313 = vector.broadcast %add3A_1312 : i32 to vector<16xi32>
      %add3A_1314 = arith.addi %convert_element_type3A_1259, %add3A_1313 : vector<16xi32>
      %max3A_1315 = arith.constant 0 : i32
      %max3A_1316 = vector.broadcast %max3A_1315 : i32 to vector<16xi32>
      %max3A_1317 = arith.maxsi %add3A_1314, %max3A_1316 : vector<16xi32>
      %min3A_1318 = arith.constant 63 : i32
      %min3A_1319 = vector.broadcast %min3A_1318 : i32 to vector<16xi32>
      %min3A_1320 = arith.minsi %max3A_1317, %min3A_1319 : vector<16xi32>
      %mul3A_1321 = arith.constant 64 : i32
      %mul3A_1322 = vector.broadcast %mul3A_1321 : i32 to vector<16xi32>
      %mul3A_1323 = arith.muli %min3A_1311, %mul3A_1322 : vector<16xi32>
      %add3A_1324 = arith.addi %mul3A_1323, %min3A_1320 : vector<16xi32>
      %add3A_1325 = arith.constant 0 : i32
      %add3A_1326 = arith.addi %add3A_1325, %add3A_1237 : i32
      %shift_right_arithmetic3A_1327 = arith.constant 7 : i32
      %shift_right_arithmetic3A_1328 = vector.broadcast %shift_right_arithmetic3A_1327 : i32 to vector<16xi32>
      %shift_right_arithmetic3A_1329 = arith.shrsi %add3A_1324, %shift_right_arithmetic3A_1328 : vector<16xi32>
      %shift_left3A_1330 = arith.constant 10 : i32
      %shift_left3A_1331 = vector.broadcast %shift_left3A_1330 : i32 to vector<16xi32>
      %shift_left3A_1332 = arith.shli %shift_right_arithmetic3A_1329, %shift_left3A_1331 : vector<16xi32>
      %add3A_1333 = arith.addi %add3A_1298, %shift_left3A_1332 : vector<16xi32>
      %and3A_1334 = arith.constant 127 : i32
      %and3A_1335 = vector.broadcast %and3A_1334 : i32 to vector<16xi32>
      %and3A_1336 = arith.andi %add3A_1324, %and3A_1335 : vector<16xi32>
      %add3A_1337 = arith.addi %add3A_1333, %and3A_1336 : vector<16xi32>
      %swap3A_1338 = arith.index_cast %add3A_1326 : i32 to index
      %swap3A_1339 = tpu.vector_load %arg10[%swap3A_1338] {strides = array<i32>} : memref<4096xi32, #tpu.memory_space<vmem>>, vector<16xi32>,
      %swap3A_1340 = vector.shape_cast %swap3A_1339 : vector<16xi32> to vector<16xi32>
      %swap3A_1341 = vector.shape_cast %add3A_1337 : vector<16xi32> to vector<16xi32>
      tpu.vector_store %arg10[%swap3A_1338], %swap3A_1341 {strides = array<i32>} : memref<4096xi32, #tpu.memory_space<vmem>>, vector<16xi32>,
      %mul3A_1342 = arith.mulf %mul3A_1299, %get3A_1246 : vector<16xf32>
      %swap3A_1343 = arith.index_cast %add3A_1326 : i32 to index
      %swap3A_1344 = tpu.vector_load %arg11[%swap3A_1343] {strides = array<i32>} : memref<4096xf32, #tpu.memory_space<vmem>>, vector<16xf32>,
      %swap3A_1345 = vector.shape_cast %swap3A_1344 : vector<16xf32> to vector<16xf32>
      %swap3A_1346 = vector.shape_cast %mul3A_1342 : vector<16xf32> to vector<16xf32>
      tpu.vector_store %arg11[%swap3A_1343], %swap3A_1346 {strides = array<i32>} : memref<4096xf32, #tpu.memory_space<vmem>>, vector<16xf32>,
      %add3A_1347 = arith.constant 0 : i32
      %add3A_1348 = vector.broadcast %add3A_1347 : i32 to vector<16xi32>
      %add3A_1349 = arith.addi %convert_element_type3A_1260, %add3A_1348 : vector<16xi32>
      %max3A_1350 = arith.constant 0 : i32
      %max3A_1351 = vector.broadcast %max3A_1350 : i32 to vector<16xi32>
      %max3A_1352 = arith.maxsi %add3A_1349, %max3A_1351 : vector<16xi32>
      %min3A_1353 = arith.constant 63 : i32
      %min3A_1354 = vector.broadcast %min3A_1353 : i32 to vector<16xi32>
      %min3A_1355 = arith.minsi %max3A_1352, %min3A_1354 : vector<16xi32>
      %add3A_1356 = arith.constant 1 : i32
      %add3A_1357 = vector.broadcast %add3A_1356 : i32 to vector<16xi32>
      %add3A_1358 = arith.addi %convert_element_type3A_1259, %add3A_1357 : vector<16xi32>
      %max3A_1359 = arith.constant 0 : i32
      %max3A_1360 = vector.broadcast %max3A_1359 : i32 to vector<16xi32>
      %max3A_1361 = arith.maxsi %add3A_1358, %max3A_1360 : vector<16xi32>
      %min3A_1362 = arith.constant 63 : i32
      %min3A_1363 = vector.broadcast %min3A_1362 : i32 to vector<16xi32>
      %min3A_1364 = arith.minsi %max3A_1361, %min3A_1363 : vector<16xi32>
      %mul3A_1365 = arith.constant 64 : i32
      %mul3A_1366 = vector.broadcast %mul3A_1365 : i32 to vector<16xi32>
      %mul3A_1367 = arith.muli %min3A_1355, %mul3A_1366 : vector<16xi32>
      %add3A_1368 = arith.addi %mul3A_1367, %min3A_1364 : vector<16xi32>
      %add3A_1369 = arith.constant 1024 : i32
      %add3A_1370 = arith.addi %add3A_1369, %add3A_1237 : i32
      %shift_right_arithmetic3A_1371 = arith.constant 7 : i32
      %shift_right_arithmetic3A_1372 = vector.broadcast %shift_right_arithmetic3A_1371 : i32 to vector<16xi32>
      %shift_right_arithmetic3A_1373 = arith.shrsi %add3A_1368, %shift_right_arithmetic3A_1372 : vector<16xi32>
      %shift_left3A_1374 = arith.constant 10 : i32
      %shift_left3A_1375 = vector.broadcast %shift_left3A_1374 : i32 to vector<16xi32>
      %shift_left3A_1376 = arith.shli %shift_right_arithmetic3A_1373, %shift_left3A_1375 : vector<16xi32>
      %add3A_1377 = arith.addi %add3A_1298, %shift_left3A_1376 : vector<16xi32>
      %and3A_1378 = arith.constant 127 : i32
      %and3A_1379 = vector.broadcast %and3A_1378 : i32 to vector<16xi32>
      %and3A_1380 = arith.andi %add3A_1368, %and3A_1379 : vector<16xi32>
      %add3A_1381 = arith.addi %add3A_1377, %and3A_1380 : vector<16xi32>
      %swap3A_1382 = arith.index_cast %add3A_1370 : i32 to index
      %swap3A_1383 = tpu.vector_load %arg10[%swap3A_1382] {strides = array<i32>} : memref<4096xi32, #tpu.memory_space<vmem>>, vector<16xi32>,
      %swap3A_1384 = vector.shape_cast %swap3A_1383 : vector<16xi32> to vector<16xi32>
      %swap3A_1385 = vector.shape_cast %add3A_1381 : vector<16xi32> to vector<16xi32>
      tpu.vector_store %arg10[%swap3A_1382], %swap3A_1385 {strides = array<i32>} : memref<4096xi32, #tpu.memory_space<vmem>>, vector<16xi32>,
      %mul3A_1386 = arith.mulf %mul3A_1300, %get3A_1246 : vector<16xf32>
      %swap3A_1387 = arith.index_cast %add3A_1370 : i32 to index
      %swap3A_1388 = tpu.vector_load %arg11[%swap3A_1387] {strides = array<i32>} : memref<4096xf32, #tpu.memory_space<vmem>>, vector<16xf32>,
      %swap3A_1389 = vector.shape_cast %swap3A_1388 : vector<16xf32> to vector<16xf32>
      %swap3A_1390 = vector.shape_cast %mul3A_1386 : vector<16xf32> to vector<16xf32>
      tpu.vector_store %arg11[%swap3A_1387], %swap3A_1390 {strides = array<i32>} : memref<4096xf32, #tpu.memory_space<vmem>>, vector<16xf32>,
      %add3A_1391 = arith.constant 1 : i32
      %add3A_1392 = vector.broadcast %add3A_1391 : i32 to vector<16xi32>
      %add3A_1393 = arith.addi %convert_element_type3A_1260, %add3A_1392 : vector<16xi32>
      %max3A_1394 = arith.constant 0 : i32
      %max3A_1395 = vector.broadcast %max3A_1394 : i32 to vector<16xi32>
      %max3A_1396 = arith.maxsi %add3A_1393, %max3A_1395 : vector<16xi32>
      %min3A_1397 = arith.constant 63 : i32
      %min3A_1398 = vector.broadcast %min3A_1397 : i32 to vector<16xi32>
      %min3A_1399 = arith.minsi %max3A_1396, %min3A_1398 : vector<16xi32>
      %add3A_1400 = arith.constant 0 : i32
      %add3A_1401 = vector.broadcast %add3A_1400 : i32 to vector<16xi32>
      %add3A_1402 = arith.addi %convert_element_type3A_1259, %add3A_1401 : vector<16xi32>
      %max3A_1403 = arith.constant 0 : i32
      %max3A_1404 = vector.broadcast %max3A_1403 : i32 to vector<16xi32>
      %max3A_1405 = arith.maxsi %add3A_1402, %max3A_1404 : vector<16xi32>
      %min3A_1406 = arith.constant 63 : i32
      %min3A_1407 = vector.broadcast %min3A_1406 : i32 to vector<16xi32>
      %min3A_1408 = arith.minsi %max3A_1405, %min3A_1407 : vector<16xi32>
      %mul3A_1409 = arith.constant 64 : i32
      %mul3A_1410 = vector.broadcast %mul3A_1409 : i32 to vector<16xi32>
      %mul3A_1411 = arith.muli %min3A_1399, %mul3A_1410 : vector<16xi32>
      %add3A_1412 = arith.addi %mul3A_1411, %min3A_1408 : vector<16xi32>
      %add3A_1413 = arith.constant 2048 : i32
      %add3A_1414 = arith.addi %add3A_1413, %add3A_1237 : i32
      %shift_right_arithmetic3A_1415 = arith.constant 7 : i32
      %shift_right_arithmetic3A_1416 = vector.broadcast %shift_right_arithmetic3A_1415 : i32 to vector<16xi32>
      %shift_right_arithmetic3A_1417 = arith.shrsi %add3A_1412, %shift_right_arithmetic3A_1416 : vector<16xi32>
      %shift_left3A_1418 = arith.constant 10 : i32
      %shift_left3A_1419 = vector.broadcast %shift_left3A_1418 : i32 to vector<16xi32>
      %shift_left3A_1420 = arith.shli %shift_right_arithmetic3A_1417, %shift_left3A_1419 : vector<16xi32>
      %add3A_1421 = arith.addi %add3A_1298, %shift_left3A_1420 : vector<16xi32>
      %and3A_1422 = arith.constant 127 : i32
      %and3A_1423 = vector.broadcast %and3A_1422 : i32 to vector<16xi32>
      %and3A_1424 = arith.andi %add3A_1412, %and3A_1423 : vector<16xi32>
      %add3A_1425 = arith.addi %add3A_1421, %and3A_1424 : vector<16xi32>
      %swap3A_1426 = arith.index_cast %add3A_1414 : i32 to index
      %swap3A_1427 = tpu.vector_load %arg10[%swap3A_1426] {strides = array<i32>} : memref<4096xi32, #tpu.memory_space<vmem>>, vector<16xi32>,
      %swap3A_1428 = vector.shape_cast %swap3A_1427 : vector<16xi32> to vector<16xi32>
      %swap3A_1429 = vector.shape_cast %add3A_1425 : vector<16xi32> to vector<16xi32>
      tpu.vector_store %arg10[%swap3A_1426], %swap3A_1429 {strides = array<i32>} : memref<4096xi32, #tpu.memory_space<vmem>>, vector<16xi32>,
      %mul3A_1430 = arith.mulf %mul3A_1301, %get3A_1246 : vector<16xf32>
      %swap3A_1431 = arith.index_cast %add3A_1414 : i32 to index
      %swap3A_1432 = tpu.vector_load %arg11[%swap3A_1431] {strides = array<i32>} : memref<4096xf32, #tpu.memory_space<vmem>>, vector<16xf32>,
      %swap3A_1433 = vector.shape_cast %swap3A_1432 : vector<16xf32> to vector<16xf32>
      %swap3A_1434 = vector.shape_cast %mul3A_1430 : vector<16xf32> to vector<16xf32>
      tpu.vector_store %arg11[%swap3A_1431], %swap3A_1434 {strides = array<i32>} : memref<4096xf32, #tpu.memory_space<vmem>>, vector<16xf32>,
      %add3A_1435 = arith.constant 1 : i32
      %add3A_1436 = vector.broadcast %add3A_1435 : i32 to vector<16xi32>
      %add3A_1437 = arith.addi %convert_element_type3A_1260, %add3A_1436 : vector<16xi32>
      %max3A_1438 = arith.constant 0 : i32
      %max3A_1439 = vector.broadcast %max3A_1438 : i32 to vector<16xi32>
      %max3A_1440 = arith.maxsi %add3A_1437, %max3A_1439 : vector<16xi32>
      %min3A_1441 = arith.constant 63 : i32
      %min3A_1442 = vector.broadcast %min3A_1441 : i32 to vector<16xi32>
      %min3A_1443 = arith.minsi %max3A_1440, %min3A_1442 : vector<16xi32>
      %add3A_1444 = arith.constant 1 : i32
      %add3A_1445 = vector.broadcast %add3A_1444 : i32 to vector<16xi32>
      %add3A_1446 = arith.addi %convert_element_type3A_1259, %add3A_1445 : vector<16xi32>
      %max3A_1447 = arith.constant 0 : i32
      %max3A_1448 = vector.broadcast %max3A_1447 : i32 to vector<16xi32>
      %max3A_1449 = arith.maxsi %add3A_1446, %max3A_1448 : vector<16xi32>
      %min3A_1450 = arith.constant 63 : i32
      %min3A_1451 = vector.broadcast %min3A_1450 : i32 to vector<16xi32>
      %min3A_1452 = arith.minsi %max3A_1449, %min3A_1451 : vector<16xi32>
      %mul3A_1453 = arith.constant 64 : i32
      %mul3A_1454 = vector.broadcast %mul3A_1453 : i32 to vector<16xi32>
      %mul3A_1455 = arith.muli %min3A_1443, %mul3A_1454 : vector<16xi32>
      %add3A_1456 = arith.addi %mul3A_1455, %min3A_1452 : vector<16xi32>
      %add3A_1457 = arith.constant 3072 : i32
      %add3A_1458 = arith.addi %add3A_1457, %add3A_1237 : i32
      %shift_right_arithmetic3A_1459 = arith.constant 7 : i32
      %shift_right_arithmetic3A_1460 = vector.broadcast %shift_right_arithmetic3A_1459 : i32 to vector<16xi32>
      %shift_right_arithmetic3A_1461 = arith.shrsi %add3A_1456, %shift_right_arithmetic3A_1460 : vector<16xi32>
      %shift_left3A_1462 = arith.constant 10 : i32
      %shift_left3A_1463 = vector.broadcast %shift_left3A_1462 : i32 to vector<16xi32>
      %shift_left3A_1464 = arith.shli %shift_right_arithmetic3A_1461, %shift_left3A_1463 : vector<16xi32>
      %add3A_1465 = arith.addi %add3A_1298, %shift_left3A_1464 : vector<16xi32>
      %and3A_1466 = arith.constant 127 : i32
      %and3A_1467 = vector.broadcast %and3A_1466 : i32 to vector<16xi32>
      %and3A_1468 = arith.andi %add3A_1456, %and3A_1467 : vector<16xi32>
      %add3A_1469 = arith.addi %add3A_1465, %and3A_1468 : vector<16xi32>
      %swap3A_1470 = arith.index_cast %add3A_1458 : i32 to index
      %swap3A_1471 = tpu.vector_load %arg10[%swap3A_1470] {strides = array<i32>} : memref<4096xi32, #tpu.memory_space<vmem>>, vector<16xi32>,
      %swap3A_1472 = vector.shape_cast %swap3A_1471 : vector<16xi32> to vector<16xi32>
      %swap3A_1473 = vector.shape_cast %add3A_1469 : vector<16xi32> to vector<16xi32>
      tpu.vector_store %arg10[%swap3A_1470], %swap3A_1473 {strides = array<i32>} : memref<4096xi32, #tpu.memory_space<vmem>>, vector<16xi32>,
      %mul3A_1474 = arith.mulf %mul3A_1302, %get3A_1246 : vector<16xf32>
      %swap3A_1475 = arith.index_cast %add3A_1458 : i32 to index
      %swap3A_1476 = tpu.vector_load %arg11[%swap3A_1475] {strides = array<i32>} : memref<4096xf32, #tpu.memory_space<vmem>>, vector<16xf32>,
      %swap3A_1477 = vector.shape_cast %swap3A_1476 : vector<16xf32> to vector<16xf32>
      %swap3A_1478 = vector.shape_cast %mul3A_1474 : vector<16xf32> to vector<16xf32>
      tpu.vector_store %arg11[%swap3A_1475], %swap3A_1478 {strides = array<i32>} : memref<4096xf32, #tpu.memory_space<vmem>>, vector<16xf32>,
      %add3A_1479 = arith.constant 96 : i32
      %add3A_1480 = arith.addi %mul3A_28, %add3A_1479 : i32
      %get3A_1481 = arith.index_cast %add3A_1480 : i32 to index
      %get3A_1482 = tpu.vector_load %arg7[%get3A_1481] {strides = array<i32>} : memref<1024xf32, #tpu.memory_space<vmem>>, vector<16xf32>,
      %get3A_1483 = vector.shape_cast %get3A_1482 : vector<16xf32> to vector<16xf32>
      %get3A_1484 = arith.index_cast %add3A_1480 : i32 to index
      %get3A_1485 = tpu.vector_load %arg8[%get3A_1484] {strides = array<i32>} : memref<1024xf32, #tpu.memory_space<vmem>>, vector<16xf32>,
      %get3A_1486 = vector.shape_cast %get3A_1485 : vector<16xf32> to vector<16xf32>
      %get3A_1487 = arith.index_cast %add3A_1480 : i32 to index
      %get3A_1488 = tpu.vector_load %arg9[%get3A_1487] {strides = array<i32>} : memref<1024xf32, #tpu.memory_space<vmem>>, vector<16xf32>,
      %get3A_1489 = vector.shape_cast %get3A_1488 : vector<16xf32> to vector<16xf32>
      %add3A_1490 = arith.constant 1.000000e+00 : f32
      %add3A_1491 = vector.broadcast %add3A_1490 : f32 to vector<16xf32>
      %add3A_1492 = arith.addf %get3A_1483, %add3A_1491 : vector<16xf32>
      %mul3A_1493 = arith.constant 3.150000e+01 : f32
      %mul3A_1494 = vector.broadcast %mul3A_1493 : f32 to vector<16xf32>
      %mul3A_1495 = arith.mulf %add3A_1492, %mul3A_1494 : vector<16xf32>
      %add3A_1496 = arith.constant 1.000000e+00 : f32
      %add3A_1497 = vector.broadcast %add3A_1496 : f32 to vector<16xf32>
      %add3A_1498 = arith.addf %get3A_1486, %add3A_1497 : vector<16xf32>
      %mul3A_1499 = arith.constant 3.150000e+01 : f32
      %mul3A_1500 = vector.broadcast %mul3A_1499 : f32 to vector<16xf32>
      %mul3A_1501 = arith.mulf %add3A_1498, %mul3A_1500 : vector<16xf32>
      %convert_element_type3A_1502 = arith.fptosi %mul3A_1495 : vector<16xf32> to vector<16xi32>
      %convert_element_type3A_1503 = arith.fptosi %mul3A_1501 : vector<16xf32> to vector<16xi32>
      %convert_element_type3A_1504 = arith.sitofp %convert_element_type3A_1502 : vector<16xi32> to vector<16xf32>
      %convert_element_type3A_1505 = arith.sitofp %convert_element_type3A_1503 : vector<16xi32> to vector<16xf32>
      %add3A_1506 = arith.constant 1.000000e+00 : f32
      %add3A_1507 = vector.broadcast %add3A_1506 : f32 to vector<16xf32>
      %add3A_1508 = arith.addf %convert_element_type3A_1504, %add3A_1507 : vector<16xf32>
      %sub3A_1509 = arith.subf %add3A_1508, %mul3A_1495 : vector<16xf32>
      %sub3A_1510 = arith.subf %mul3A_1495, %convert_element_type3A_1504 : vector<16xf32>
      %add3A_1511 = arith.constant 1.000000e+00 : f32
      %add3A_1512 = vector.broadcast %add3A_1511 : f32 to vector<16xf32>
      %add3A_1513 = arith.addf %convert_element_type3A_1505, %add3A_1512 : vector<16xf32>
      %sub3A_1514 = arith.subf %add3A_1513, %mul3A_1501 : vector<16xf32>
      %sub3A_1515 = arith.subf %mul3A_1501, %convert_element_type3A_1505 : vector<16xf32>
      %add3A_1516 = arith.addi %mul3A_2, %add3A_1480 : i32
      %add3A_1517 = vector.broadcast %add3A_1516 : i32 to vector<16xi32>
      %add3A_1518 = arith.addi %add3A_1517, %iota3A : vector<16xi32>
      %shift_right_arithmetic3A_1519 = arith.constant 12 : i32
      %shift_right_arithmetic3A_1520 = vector.broadcast %shift_right_arithmetic3A_1519 : i32 to vector<16xi32>
      %shift_right_arithmetic3A_1521 = arith.shrsi %add3A_1518, %shift_right_arithmetic3A_1520 : vector<16xi32>
      %and3A_1522 = arith.constant 4095 : i32
      %and3A_1523 = vector.broadcast %and3A_1522 : i32 to vector<16xi32>
      %and3A_1524 = arith.andi %add3A_1518, %and3A_1523 : vector<16xi32>
      %shift_left3A_1525 = arith.constant 24 : i32
      %shift_left3A_1526 = vector.broadcast %shift_left3A_1525 : i32 to vector<16xi32>
      %shift_left3A_1527 = arith.shli %shift_right_arithmetic3A_1521, %shift_left3A_1526 : vector<16xi32>
      %shift_right_arithmetic3A_1528 = arith.constant 3 : i32
      %shift_right_arithmetic3A_1529 = vector.broadcast %shift_right_arithmetic3A_1528 : i32 to vector<16xi32>
      %shift_right_arithmetic3A_1530 = arith.shrsi %and3A_1524, %shift_right_arithmetic3A_1529 : vector<16xi32>
      %shift_left3A_1531 = arith.constant 15 : i32
      %shift_left3A_1532 = vector.broadcast %shift_left3A_1531 : i32 to vector<16xi32>
      %shift_left3A_1533 = arith.shli %shift_right_arithmetic3A_1530, %shift_left3A_1532 : vector<16xi32>
      %add3A_1534 = arith.addi %shift_left3A_1527, %shift_left3A_1533 : vector<16xi32>
      %and3A_1535 = arith.constant 7 : i32
      %and3A_1536 = vector.broadcast %and3A_1535 : i32 to vector<16xi32>
      %and3A_1537 = arith.andi %and3A_1524, %and3A_1536 : vector<16xi32>
      %shift_left3A_1538 = arith.constant 7 : i32
      %shift_left3A_1539 = vector.broadcast %shift_left3A_1538 : i32 to vector<16xi32>
      %shift_left3A_1540 = arith.shli %and3A_1537, %shift_left3A_1539 : vector<16xi32>
      %add3A_1541 = arith.addi %add3A_1534, %shift_left3A_1540 : vector<16xi32>
      %mul3A_1542 = arith.mulf %sub3A_1514, %sub3A_1509 : vector<16xf32>
      %mul3A_1543 = arith.mulf %sub3A_1514, %sub3A_1510 : vector<16xf32>
      %mul3A_1544 = arith.mulf %sub3A_1515, %sub3A_1509 : vector<16xf32>
      %mul3A_1545 = arith.mulf %sub3A_1515, %sub3A_1510 : vector<16xf32>
      %add3A_1546 = arith.constant 0 : i32
      %add3A_1547 = vector.broadcast %add3A_1546 : i32 to vector<16xi32>
      %add3A_1548 = arith.addi %convert_element_type3A_1503, %add3A_1547 : vector<16xi32>
      %max3A_1549 = arith.constant 0 : i32
      %max3A_1550 = vector.broadcast %max3A_1549 : i32 to vector<16xi32>
      %max3A_1551 = arith.maxsi %add3A_1548, %max3A_1550 : vector<16xi32>
      %min3A_1552 = arith.constant 63 : i32
      %min3A_1553 = vector.broadcast %min3A_1552 : i32 to vector<16xi32>
      %min3A_1554 = arith.minsi %max3A_1551, %min3A_1553 : vector<16xi32>
      %add3A_1555 = arith.constant 0 : i32
      %add3A_1556 = vector.broadcast %add3A_1555 : i32 to vector<16xi32>
      %add3A_1557 = arith.addi %convert_element_type3A_1502, %add3A_1556 : vector<16xi32>
      %max3A_1558 = arith.constant 0 : i32
      %max3A_1559 = vector.broadcast %max3A_1558 : i32 to vector<16xi32>
      %max3A_1560 = arith.maxsi %add3A_1557, %max3A_1559 : vector<16xi32>
      %min3A_1561 = arith.constant 63 : i32
      %min3A_1562 = vector.broadcast %min3A_1561 : i32 to vector<16xi32>
      %min3A_1563 = arith.minsi %max3A_1560, %min3A_1562 : vector<16xi32>
      %mul3A_1564 = arith.constant 64 : i32
      %mul3A_1565 = vector.broadcast %mul3A_1564 : i32 to vector<16xi32>
      %mul3A_1566 = arith.muli %min3A_1554, %mul3A_1565 : vector<16xi32>
      %add3A_1567 = arith.addi %mul3A_1566, %min3A_1563 : vector<16xi32>
      %add3A_1568 = arith.constant 0 : i32
      %add3A_1569 = arith.addi %add3A_1568, %add3A_1480 : i32
      %shift_right_arithmetic3A_1570 = arith.constant 7 : i32
      %shift_right_arithmetic3A_1571 = vector.broadcast %shift_right_arithmetic3A_1570 : i32 to vector<16xi32>
      %shift_right_arithmetic3A_1572 = arith.shrsi %add3A_1567, %shift_right_arithmetic3A_1571 : vector<16xi32>
      %shift_left3A_1573 = arith.constant 10 : i32
      %shift_left3A_1574 = vector.broadcast %shift_left3A_1573 : i32 to vector<16xi32>
      %shift_left3A_1575 = arith.shli %shift_right_arithmetic3A_1572, %shift_left3A_1574 : vector<16xi32>
      %add3A_1576 = arith.addi %add3A_1541, %shift_left3A_1575 : vector<16xi32>
      %and3A_1577 = arith.constant 127 : i32
      %and3A_1578 = vector.broadcast %and3A_1577 : i32 to vector<16xi32>
      %and3A_1579 = arith.andi %add3A_1567, %and3A_1578 : vector<16xi32>
      %add3A_1580 = arith.addi %add3A_1576, %and3A_1579 : vector<16xi32>
      %swap3A_1581 = arith.index_cast %add3A_1569 : i32 to index
      %swap3A_1582 = tpu.vector_load %arg10[%swap3A_1581] {strides = array<i32>} : memref<4096xi32, #tpu.memory_space<vmem>>, vector<16xi32>,
      %swap3A_1583 = vector.shape_cast %swap3A_1582 : vector<16xi32> to vector<16xi32>
      %swap3A_1584 = vector.shape_cast %add3A_1580 : vector<16xi32> to vector<16xi32>
      tpu.vector_store %arg10[%swap3A_1581], %swap3A_1584 {strides = array<i32>} : memref<4096xi32, #tpu.memory_space<vmem>>, vector<16xi32>,
      %mul3A_1585 = arith.mulf %mul3A_1542, %get3A_1489 : vector<16xf32>
      %swap3A_1586 = arith.index_cast %add3A_1569 : i32 to index
      %swap3A_1587 = tpu.vector_load %arg11[%swap3A_1586] {strides = array<i32>} : memref<4096xf32, #tpu.memory_space<vmem>>, vector<16xf32>,
      %swap3A_1588 = vector.shape_cast %swap3A_1587 : vector<16xf32> to vector<16xf32>
      %swap3A_1589 = vector.shape_cast %mul3A_1585 : vector<16xf32> to vector<16xf32>
      tpu.vector_store %arg11[%swap3A_1586], %swap3A_1589 {strides = array<i32>} : memref<4096xf32, #tpu.memory_space<vmem>>, vector<16xf32>,
      %add3A_1590 = arith.constant 0 : i32
      %add3A_1591 = vector.broadcast %add3A_1590 : i32 to vector<16xi32>
      %add3A_1592 = arith.addi %convert_element_type3A_1503, %add3A_1591 : vector<16xi32>
      %max3A_1593 = arith.constant 0 : i32
      %max3A_1594 = vector.broadcast %max3A_1593 : i32 to vector<16xi32>
      %max3A_1595 = arith.maxsi %add3A_1592, %max3A_1594 : vector<16xi32>
      %min3A_1596 = arith.constant 63 : i32
      %min3A_1597 = vector.broadcast %min3A_1596 : i32 to vector<16xi32>
      %min3A_1598 = arith.minsi %max3A_1595, %min3A_1597 : vector<16xi32>
      %add3A_1599 = arith.constant 1 : i32
      %add3A_1600 = vector.broadcast %add3A_1599 : i32 to vector<16xi32>
      %add3A_1601 = arith.addi %convert_element_type3A_1502, %add3A_1600 : vector<16xi32>
      %max3A_1602 = arith.constant 0 : i32
      %max3A_1603 = vector.broadcast %max3A_1602 : i32 to vector<16xi32>
      %max3A_1604 = arith.maxsi %add3A_1601, %max3A_1603 : vector<16xi32>
      %min3A_1605 = arith.constant 63 : i32
      %min3A_1606 = vector.broadcast %min3A_1605 : i32 to vector<16xi32>
      %min3A_1607 = arith.minsi %max3A_1604, %min3A_1606 : vector<16xi32>
      %mul3A_1608 = arith.constant 64 : i32
      %mul3A_1609 = vector.broadcast %mul3A_1608 : i32 to vector<16xi32>
      %mul3A_1610 = arith.muli %min3A_1598, %mul3A_1609 : vector<16xi32>
      %add3A_1611 = arith.addi %mul3A_1610, %min3A_1607 : vector<16xi32>
      %add3A_1612 = arith.constant 1024 : i32
      %add3A_1613 = arith.addi %add3A_1612, %add3A_1480 : i32
      %shift_right_arithmetic3A_1614 = arith.constant 7 : i32
      %shift_right_arithmetic3A_1615 = vector.broadcast %shift_right_arithmetic3A_1614 : i32 to vector<16xi32>
      %shift_right_arithmetic3A_1616 = arith.shrsi %add3A_1611, %shift_right_arithmetic3A_1615 : vector<16xi32>
      %shift_left3A_1617 = arith.constant 10 : i32
      %shift_left3A_1618 = vector.broadcast %shift_left3A_1617 : i32 to vector<16xi32>
      %shift_left3A_1619 = arith.shli %shift_right_arithmetic3A_1616, %shift_left3A_1618 : vector<16xi32>
      %add3A_1620 = arith.addi %add3A_1541, %shift_left3A_1619 : vector<16xi32>
      %and3A_1621 = arith.constant 127 : i32
      %and3A_1622 = vector.broadcast %and3A_1621 : i32 to vector<16xi32>
      %and3A_1623 = arith.andi %add3A_1611, %and3A_1622 : vector<16xi32>
      %add3A_1624 = arith.addi %add3A_1620, %and3A_1623 : vector<16xi32>
      %swap3A_1625 = arith.index_cast %add3A_1613 : i32 to index
      %swap3A_1626 = tpu.vector_load %arg10[%swap3A_1625] {strides = array<i32>} : memref<4096xi32, #tpu.memory_space<vmem>>, vector<16xi32>,
      %swap3A_1627 = vector.shape_cast %swap3A_1626 : vector<16xi32> to vector<16xi32>
      %swap3A_1628 = vector.shape_cast %add3A_1624 : vector<16xi32> to vector<16xi32>
      tpu.vector_store %arg10[%swap3A_1625], %swap3A_1628 {strides = array<i32>} : memref<4096xi32, #tpu.memory_space<vmem>>, vector<16xi32>,
      %mul3A_1629 = arith.mulf %mul3A_1543, %get3A_1489 : vector<16xf32>
      %swap3A_1630 = arith.index_cast %add3A_1613 : i32 to index
      %swap3A_1631 = tpu.vector_load %arg11[%swap3A_1630] {strides = array<i32>} : memref<4096xf32, #tpu.memory_space<vmem>>, vector<16xf32>,
      %swap3A_1632 = vector.shape_cast %swap3A_1631 : vector<16xf32> to vector<16xf32>
      %swap3A_1633 = vector.shape_cast %mul3A_1629 : vector<16xf32> to vector<16xf32>
      tpu.vector_store %arg11[%swap3A_1630], %swap3A_1633 {strides = array<i32>} : memref<4096xf32, #tpu.memory_space<vmem>>, vector<16xf32>,
      %add3A_1634 = arith.constant 1 : i32
      %add3A_1635 = vector.broadcast %add3A_1634 : i32 to vector<16xi32>
      %add3A_1636 = arith.addi %convert_element_type3A_1503, %add3A_1635 : vector<16xi32>
      %max3A_1637 = arith.constant 0 : i32
      %max3A_1638 = vector.broadcast %max3A_1637 : i32 to vector<16xi32>
      %max3A_1639 = arith.maxsi %add3A_1636, %max3A_1638 : vector<16xi32>
      %min3A_1640 = arith.constant 63 : i32
      %min3A_1641 = vector.broadcast %min3A_1640 : i32 to vector<16xi32>
      %min3A_1642 = arith.minsi %max3A_1639, %min3A_1641 : vector<16xi32>
      %add3A_1643 = arith.constant 0 : i32
      %add3A_1644 = vector.broadcast %add3A_1643 : i32 to vector<16xi32>
      %add3A_1645 = arith.addi %convert_element_type3A_1502, %add3A_1644 : vector<16xi32>
      %max3A_1646 = arith.constant 0 : i32
      %max3A_1647 = vector.broadcast %max3A_1646 : i32 to vector<16xi32>
      %max3A_1648 = arith.maxsi %add3A_1645, %max3A_1647 : vector<16xi32>
      %min3A_1649 = arith.constant 63 : i32
      %min3A_1650 = vector.broadcast %min3A_1649 : i32 to vector<16xi32>
      %min3A_1651 = arith.minsi %max3A_1648, %min3A_1650 : vector<16xi32>
      %mul3A_1652 = arith.constant 64 : i32
      %mul3A_1653 = vector.broadcast %mul3A_1652 : i32 to vector<16xi32>
      %mul3A_1654 = arith.muli %min3A_1642, %mul3A_1653 : vector<16xi32>
      %add3A_1655 = arith.addi %mul3A_1654, %min3A_1651 : vector<16xi32>
      %add3A_1656 = arith.constant 2048 : i32
      %add3A_1657 = arith.addi %add3A_1656, %add3A_1480 : i32
      %shift_right_arithmetic3A_1658 = arith.constant 7 : i32
      %shift_right_arithmetic3A_1659 = vector.broadcast %shift_right_arithmetic3A_1658 : i32 to vector<16xi32>
      %shift_right_arithmetic3A_1660 = arith.shrsi %add3A_1655, %shift_right_arithmetic3A_1659 : vector<16xi32>
      %shift_left3A_1661 = arith.constant 10 : i32
      %shift_left3A_1662 = vector.broadcast %shift_left3A_1661 : i32 to vector<16xi32>
      %shift_left3A_1663 = arith.shli %shift_right_arithmetic3A_1660, %shift_left3A_1662 : vector<16xi32>
      %add3A_1664 = arith.addi %add3A_1541, %shift_left3A_1663 : vector<16xi32>
      %and3A_1665 = arith.constant 127 : i32
      %and3A_1666 = vector.broadcast %and3A_1665 : i32 to vector<16xi32>
      %and3A_1667 = arith.andi %add3A_1655, %and3A_1666 : vector<16xi32>
      %add3A_1668 = arith.addi %add3A_1664, %and3A_1667 : vector<16xi32>
      %swap3A_1669 = arith.index_cast %add3A_1657 : i32 to index
      %swap3A_1670 = tpu.vector_load %arg10[%swap3A_1669] {strides = array<i32>} : memref<4096xi32, #tpu.memory_space<vmem>>, vector<16xi32>,
      %swap3A_1671 = vector.shape_cast %swap3A_1670 : vector<16xi32> to vector<16xi32>
      %swap3A_1672 = vector.shape_cast %add3A_1668 : vector<16xi32> to vector<16xi32>
      tpu.vector_store %arg10[%swap3A_1669], %swap3A_1672 {strides = array<i32>} : memref<4096xi32, #tpu.memory_space<vmem>>, vector<16xi32>,
      %mul3A_1673 = arith.mulf %mul3A_1544, %get3A_1489 : vector<16xf32>
      %swap3A_1674 = arith.index_cast %add3A_1657 : i32 to index
      %swap3A_1675 = tpu.vector_load %arg11[%swap3A_1674] {strides = array<i32>} : memref<4096xf32, #tpu.memory_space<vmem>>, vector<16xf32>,
      %swap3A_1676 = vector.shape_cast %swap3A_1675 : vector<16xf32> to vector<16xf32>
      %swap3A_1677 = vector.shape_cast %mul3A_1673 : vector<16xf32> to vector<16xf32>
      tpu.vector_store %arg11[%swap3A_1674], %swap3A_1677 {strides = array<i32>} : memref<4096xf32, #tpu.memory_space<vmem>>, vector<16xf32>,
      %add3A_1678 = arith.constant 1 : i32
      %add3A_1679 = vector.broadcast %add3A_1678 : i32 to vector<16xi32>
      %add3A_1680 = arith.addi %convert_element_type3A_1503, %add3A_1679 : vector<16xi32>
      %max3A_1681 = arith.constant 0 : i32
      %max3A_1682 = vector.broadcast %max3A_1681 : i32 to vector<16xi32>
      %max3A_1683 = arith.maxsi %add3A_1680, %max3A_1682 : vector<16xi32>
      %min3A_1684 = arith.constant 63 : i32
      %min3A_1685 = vector.broadcast %min3A_1684 : i32 to vector<16xi32>
      %min3A_1686 = arith.minsi %max3A_1683, %min3A_1685 : vector<16xi32>
      %add3A_1687 = arith.constant 1 : i32
      %add3A_1688 = vector.broadcast %add3A_1687 : i32 to vector<16xi32>
      %add3A_1689 = arith.addi %convert_element_type3A_1502, %add3A_1688 : vector<16xi32>
      %max3A_1690 = arith.constant 0 : i32
      %max3A_1691 = vector.broadcast %max3A_1690 : i32 to vector<16xi32>
      %max3A_1692 = arith.maxsi %add3A_1689, %max3A_1691 : vector<16xi32>
      %min3A_1693 = arith.constant 63 : i32
      %min3A_1694 = vector.broadcast %min3A_1693 : i32 to vector<16xi32>
      %min3A_1695 = arith.minsi %max3A_1692, %min3A_1694 : vector<16xi32>
      %mul3A_1696 = arith.constant 64 : i32
      %mul3A_1697 = vector.broadcast %mul3A_1696 : i32 to vector<16xi32>
      %mul3A_1698 = arith.muli %min3A_1686, %mul3A_1697 : vector<16xi32>
      %add3A_1699 = arith.addi %mul3A_1698, %min3A_1695 : vector<16xi32>
      %add3A_1700 = arith.constant 3072 : i32
      %add3A_1701 = arith.addi %add3A_1700, %add3A_1480 : i32
      %shift_right_arithmetic3A_1702 = arith.constant 7 : i32
      %shift_right_arithmetic3A_1703 = vector.broadcast %shift_right_arithmetic3A_1702 : i32 to vector<16xi32>
      %shift_right_arithmetic3A_1704 = arith.shrsi %add3A_1699, %shift_right_arithmetic3A_1703 : vector<16xi32>
      %shift_left3A_1705 = arith.constant 10 : i32
      %shift_left3A_1706 = vector.broadcast %shift_left3A_1705 : i32 to vector<16xi32>
      %shift_left3A_1707 = arith.shli %shift_right_arithmetic3A_1704, %shift_left3A_1706 : vector<16xi32>
      %add3A_1708 = arith.addi %add3A_1541, %shift_left3A_1707 : vector<16xi32>
      %and3A_1709 = arith.constant 127 : i32
      %and3A_1710 = vector.broadcast %and3A_1709 : i32 to vector<16xi32>
      %and3A_1711 = arith.andi %add3A_1699, %and3A_1710 : vector<16xi32>
      %add3A_1712 = arith.addi %add3A_1708, %and3A_1711 : vector<16xi32>
      %swap3A_1713 = arith.index_cast %add3A_1701 : i32 to index
      %swap3A_1714 = tpu.vector_load %arg10[%swap3A_1713] {strides = array<i32>} : memref<4096xi32, #tpu.memory_space<vmem>>, vector<16xi32>,
      %swap3A_1715 = vector.shape_cast %swap3A_1714 : vector<16xi32> to vector<16xi32>
      %swap3A_1716 = vector.shape_cast %add3A_1712 : vector<16xi32> to vector<16xi32>
      tpu.vector_store %arg10[%swap3A_1713], %swap3A_1716 {strides = array<i32>} : memref<4096xi32, #tpu.memory_space<vmem>>, vector<16xi32>,
      %mul3A_1717 = arith.mulf %mul3A_1545, %get3A_1489 : vector<16xf32>
      %swap3A_1718 = arith.index_cast %add3A_1701 : i32 to index
      %swap3A_1719 = tpu.vector_load %arg11[%swap3A_1718] {strides = array<i32>} : memref<4096xf32, #tpu.memory_space<vmem>>, vector<16xf32>,
      %swap3A_1720 = vector.shape_cast %swap3A_1719 : vector<16xf32> to vector<16xf32>
      %swap3A_1721 = vector.shape_cast %mul3A_1717 : vector<16xf32> to vector<16xf32>
      tpu.vector_store %arg11[%swap3A_1718], %swap3A_1721 {strides = array<i32>} : memref<4096xf32, #tpu.memory_space<vmem>>, vector<16xf32>,
      %add3A_1722 = arith.constant 112 : i32
      %add3A_1723 = arith.addi %mul3A_28, %add3A_1722 : i32
      %get3A_1724 = arith.index_cast %add3A_1723 : i32 to index
      %get3A_1725 = tpu.vector_load %arg7[%get3A_1724] {strides = array<i32>} : memref<1024xf32, #tpu.memory_space<vmem>>, vector<16xf32>,
      %get3A_1726 = vector.shape_cast %get3A_1725 : vector<16xf32> to vector<16xf32>
      %get3A_1727 = arith.index_cast %add3A_1723 : i32 to index
      %get3A_1728 = tpu.vector_load %arg8[%get3A_1727] {strides = array<i32>} : memref<1024xf32, #tpu.memory_space<vmem>>, vector<16xf32>,
      %get3A_1729 = vector.shape_cast %get3A_1728 : vector<16xf32> to vector<16xf32>
      %get3A_1730 = arith.index_cast %add3A_1723 : i32 to index
      %get3A_1731 = tpu.vector_load %arg9[%get3A_1730] {strides = array<i32>} : memref<1024xf32, #tpu.memory_space<vmem>>, vector<16xf32>,
      %get3A_1732 = vector.shape_cast %get3A_1731 : vector<16xf32> to vector<16xf32>
      %add3A_1733 = arith.constant 1.000000e+00 : f32
      %add3A_1734 = vector.broadcast %add3A_1733 : f32 to vector<16xf32>
      %add3A_1735 = arith.addf %get3A_1726, %add3A_1734 : vector<16xf32>
      %mul3A_1736 = arith.constant 3.150000e+01 : f32
      %mul3A_1737 = vector.broadcast %mul3A_1736 : f32 to vector<16xf32>
      %mul3A_1738 = arith.mulf %add3A_1735, %mul3A_1737 : vector<16xf32>
      %add3A_1739 = arith.constant 1.000000e+00 : f32
      %add3A_1740 = vector.broadcast %add3A_1739 : f32 to vector<16xf32>
      %add3A_1741 = arith.addf %get3A_1729, %add3A_1740 : vector<16xf32>
      %mul3A_1742 = arith.constant 3.150000e+01 : f32
      %mul3A_1743 = vector.broadcast %mul3A_1742 : f32 to vector<16xf32>
      %mul3A_1744 = arith.mulf %add3A_1741, %mul3A_1743 : vector<16xf32>
      %convert_element_type3A_1745 = arith.fptosi %mul3A_1738 : vector<16xf32> to vector<16xi32>
      %convert_element_type3A_1746 = arith.fptosi %mul3A_1744 : vector<16xf32> to vector<16xi32>
      %convert_element_type3A_1747 = arith.sitofp %convert_element_type3A_1745 : vector<16xi32> to vector<16xf32>
      %convert_element_type3A_1748 = arith.sitofp %convert_element_type3A_1746 : vector<16xi32> to vector<16xf32>
      %add3A_1749 = arith.constant 1.000000e+00 : f32
      %add3A_1750 = vector.broadcast %add3A_1749 : f32 to vector<16xf32>
      %add3A_1751 = arith.addf %convert_element_type3A_1747, %add3A_1750 : vector<16xf32>
      %sub3A_1752 = arith.subf %add3A_1751, %mul3A_1738 : vector<16xf32>
      %sub3A_1753 = arith.subf %mul3A_1738, %convert_element_type3A_1747 : vector<16xf32>
      %add3A_1754 = arith.constant 1.000000e+00 : f32
      %add3A_1755 = vector.broadcast %add3A_1754 : f32 to vector<16xf32>
      %add3A_1756 = arith.addf %convert_element_type3A_1748, %add3A_1755 : vector<16xf32>
      %sub3A_1757 = arith.subf %add3A_1756, %mul3A_1744 : vector<16xf32>
      %sub3A_1758 = arith.subf %mul3A_1744, %convert_element_type3A_1748 : vector<16xf32>
      %add3A_1759 = arith.addi %mul3A_2, %add3A_1723 : i32
      %add3A_1760 = vector.broadcast %add3A_1759 : i32 to vector<16xi32>
      %add3A_1761 = arith.addi %add3A_1760, %iota3A : vector<16xi32>
      %shift_right_arithmetic3A_1762 = arith.constant 12 : i32
      %shift_right_arithmetic3A_1763 = vector.broadcast %shift_right_arithmetic3A_1762 : i32 to vector<16xi32>
      %shift_right_arithmetic3A_1764 = arith.shrsi %add3A_1761, %shift_right_arithmetic3A_1763 : vector<16xi32>
      %and3A_1765 = arith.constant 4095 : i32
      %and3A_1766 = vector.broadcast %and3A_1765 : i32 to vector<16xi32>
      %and3A_1767 = arith.andi %add3A_1761, %and3A_1766 : vector<16xi32>
      %shift_left3A_1768 = arith.constant 24 : i32
      %shift_left3A_1769 = vector.broadcast %shift_left3A_1768 : i32 to vector<16xi32>
      %shift_left3A_1770 = arith.shli %shift_right_arithmetic3A_1764, %shift_left3A_1769 : vector<16xi32>
      %shift_right_arithmetic3A_1771 = arith.constant 3 : i32
      %shift_right_arithmetic3A_1772 = vector.broadcast %shift_right_arithmetic3A_1771 : i32 to vector<16xi32>
      %shift_right_arithmetic3A_1773 = arith.shrsi %and3A_1767, %shift_right_arithmetic3A_1772 : vector<16xi32>
      %shift_left3A_1774 = arith.constant 15 : i32
      %shift_left3A_1775 = vector.broadcast %shift_left3A_1774 : i32 to vector<16xi32>
      %shift_left3A_1776 = arith.shli %shift_right_arithmetic3A_1773, %shift_left3A_1775 : vector<16xi32>
      %add3A_1777 = arith.addi %shift_left3A_1770, %shift_left3A_1776 : vector<16xi32>
      %and3A_1778 = arith.constant 7 : i32
      %and3A_1779 = vector.broadcast %and3A_1778 : i32 to vector<16xi32>
      %and3A_1780 = arith.andi %and3A_1767, %and3A_1779 : vector<16xi32>
      %shift_left3A_1781 = arith.constant 7 : i32
      %shift_left3A_1782 = vector.broadcast %shift_left3A_1781 : i32 to vector<16xi32>
      %shift_left3A_1783 = arith.shli %and3A_1780, %shift_left3A_1782 : vector<16xi32>
      %add3A_1784 = arith.addi %add3A_1777, %shift_left3A_1783 : vector<16xi32>
      %mul3A_1785 = arith.mulf %sub3A_1757, %sub3A_1752 : vector<16xf32>
      %mul3A_1786 = arith.mulf %sub3A_1757, %sub3A_1753 : vector<16xf32>
      %mul3A_1787 = arith.mulf %sub3A_1758, %sub3A_1752 : vector<16xf32>
      %mul3A_1788 = arith.mulf %sub3A_1758, %sub3A_1753 : vector<16xf32>
      %add3A_1789 = arith.constant 0 : i32
      %add3A_1790 = vector.broadcast %add3A_1789 : i32 to vector<16xi32>
      %add3A_1791 = arith.addi %convert_element_type3A_1746, %add3A_1790 : vector<16xi32>
      %max3A_1792 = arith.constant 0 : i32
      %max3A_1793 = vector.broadcast %max3A_1792 : i32 to vector<16xi32>
      %max3A_1794 = arith.maxsi %add3A_1791, %max3A_1793 : vector<16xi32>
      %min3A_1795 = arith.constant 63 : i32
      %min3A_1796 = vector.broadcast %min3A_1795 : i32 to vector<16xi32>
      %min3A_1797 = arith.minsi %max3A_1794, %min3A_1796 : vector<16xi32>
      %add3A_1798 = arith.constant 0 : i32
      %add3A_1799 = vector.broadcast %add3A_1798 : i32 to vector<16xi32>
      %add3A_1800 = arith.addi %convert_element_type3A_1745, %add3A_1799 : vector<16xi32>
      %max3A_1801 = arith.constant 0 : i32
      %max3A_1802 = vector.broadcast %max3A_1801 : i32 to vector<16xi32>
      %max3A_1803 = arith.maxsi %add3A_1800, %max3A_1802 : vector<16xi32>
      %min3A_1804 = arith.constant 63 : i32
      %min3A_1805 = vector.broadcast %min3A_1804 : i32 to vector<16xi32>
      %min3A_1806 = arith.minsi %max3A_1803, %min3A_1805 : vector<16xi32>
      %mul3A_1807 = arith.constant 64 : i32
      %mul3A_1808 = vector.broadcast %mul3A_1807 : i32 to vector<16xi32>
      %mul3A_1809 = arith.muli %min3A_1797, %mul3A_1808 : vector<16xi32>
      %add3A_1810 = arith.addi %mul3A_1809, %min3A_1806 : vector<16xi32>
      %add3A_1811 = arith.constant 0 : i32
      %add3A_1812 = arith.addi %add3A_1811, %add3A_1723 : i32
      %shift_right_arithmetic3A_1813 = arith.constant 7 : i32
      %shift_right_arithmetic3A_1814 = vector.broadcast %shift_right_arithmetic3A_1813 : i32 to vector<16xi32>
      %shift_right_arithmetic3A_1815 = arith.shrsi %add3A_1810, %shift_right_arithmetic3A_1814 : vector<16xi32>
      %shift_left3A_1816 = arith.constant 10 : i32
      %shift_left3A_1817 = vector.broadcast %shift_left3A_1816 : i32 to vector<16xi32>
      %shift_left3A_1818 = arith.shli %shift_right_arithmetic3A_1815, %shift_left3A_1817 : vector<16xi32>
      %add3A_1819 = arith.addi %add3A_1784, %shift_left3A_1818 : vector<16xi32>
      %and3A_1820 = arith.constant 127 : i32
      %and3A_1821 = vector.broadcast %and3A_1820 : i32 to vector<16xi32>
      %and3A_1822 = arith.andi %add3A_1810, %and3A_1821 : vector<16xi32>
      %add3A_1823 = arith.addi %add3A_1819, %and3A_1822 : vector<16xi32>
      %swap3A_1824 = arith.index_cast %add3A_1812 : i32 to index
      %swap3A_1825 = tpu.vector_load %arg10[%swap3A_1824] {strides = array<i32>} : memref<4096xi32, #tpu.memory_space<vmem>>, vector<16xi32>,
      %swap3A_1826 = vector.shape_cast %swap3A_1825 : vector<16xi32> to vector<16xi32>
      %swap3A_1827 = vector.shape_cast %add3A_1823 : vector<16xi32> to vector<16xi32>
      tpu.vector_store %arg10[%swap3A_1824], %swap3A_1827 {strides = array<i32>} : memref<4096xi32, #tpu.memory_space<vmem>>, vector<16xi32>,
      %mul3A_1828 = arith.mulf %mul3A_1785, %get3A_1732 : vector<16xf32>
      %swap3A_1829 = arith.index_cast %add3A_1812 : i32 to index
      %swap3A_1830 = tpu.vector_load %arg11[%swap3A_1829] {strides = array<i32>} : memref<4096xf32, #tpu.memory_space<vmem>>, vector<16xf32>,
      %swap3A_1831 = vector.shape_cast %swap3A_1830 : vector<16xf32> to vector<16xf32>
      %swap3A_1832 = vector.shape_cast %mul3A_1828 : vector<16xf32> to vector<16xf32>
      tpu.vector_store %arg11[%swap3A_1829], %swap3A_1832 {strides = array<i32>} : memref<4096xf32, #tpu.memory_space<vmem>>, vector<16xf32>,
      %add3A_1833 = arith.constant 0 : i32
      %add3A_1834 = vector.broadcast %add3A_1833 : i32 to vector<16xi32>
      %add3A_1835 = arith.addi %convert_element_type3A_1746, %add3A_1834 : vector<16xi32>
      %max3A_1836 = arith.constant 0 : i32
      %max3A_1837 = vector.broadcast %max3A_1836 : i32 to vector<16xi32>
      %max3A_1838 = arith.maxsi %add3A_1835, %max3A_1837 : vector<16xi32>
      %min3A_1839 = arith.constant 63 : i32
      %min3A_1840 = vector.broadcast %min3A_1839 : i32 to vector<16xi32>
      %min3A_1841 = arith.minsi %max3A_1838, %min3A_1840 : vector<16xi32>
      %add3A_1842 = arith.constant 1 : i32
      %add3A_1843 = vector.broadcast %add3A_1842 : i32 to vector<16xi32>
      %add3A_1844 = arith.addi %convert_element_type3A_1745, %add3A_1843 : vector<16xi32>
      %max3A_1845 = arith.constant 0 : i32
      %max3A_1846 = vector.broadcast %max3A_1845 : i32 to vector<16xi32>
      %max3A_1847 = arith.maxsi %add3A_1844, %max3A_1846 : vector<16xi32>
      %min3A_1848 = arith.constant 63 : i32
      %min3A_1849 = vector.broadcast %min3A_1848 : i32 to vector<16xi32>
      %min3A_1850 = arith.minsi %max3A_1847, %min3A_1849 : vector<16xi32>
      %mul3A_1851 = arith.constant 64 : i32
      %mul3A_1852 = vector.broadcast %mul3A_1851 : i32 to vector<16xi32>
      %mul3A_1853 = arith.muli %min3A_1841, %mul3A_1852 : vector<16xi32>
      %add3A_1854 = arith.addi %mul3A_1853, %min3A_1850 : vector<16xi32>
      %add3A_1855 = arith.constant 1024 : i32
      %add3A_1856 = arith.addi %add3A_1855, %add3A_1723 : i32
      %shift_right_arithmetic3A_1857 = arith.constant 7 : i32
      %shift_right_arithmetic3A_1858 = vector.broadcast %shift_right_arithmetic3A_1857 : i32 to vector<16xi32>
      %shift_right_arithmetic3A_1859 = arith.shrsi %add3A_1854, %shift_right_arithmetic3A_1858 : vector<16xi32>
      %shift_left3A_1860 = arith.constant 10 : i32
      %shift_left3A_1861 = vector.broadcast %shift_left3A_1860 : i32 to vector<16xi32>
      %shift_left3A_1862 = arith.shli %shift_right_arithmetic3A_1859, %shift_left3A_1861 : vector<16xi32>
      %add3A_1863 = arith.addi %add3A_1784, %shift_left3A_1862 : vector<16xi32>
      %and3A_1864 = arith.constant 127 : i32
      %and3A_1865 = vector.broadcast %and3A_1864 : i32 to vector<16xi32>
      %and3A_1866 = arith.andi %add3A_1854, %and3A_1865 : vector<16xi32>
      %add3A_1867 = arith.addi %add3A_1863, %and3A_1866 : vector<16xi32>
      %swap3A_1868 = arith.index_cast %add3A_1856 : i32 to index
      %swap3A_1869 = tpu.vector_load %arg10[%swap3A_1868] {strides = array<i32>} : memref<4096xi32, #tpu.memory_space<vmem>>, vector<16xi32>,
      %swap3A_1870 = vector.shape_cast %swap3A_1869 : vector<16xi32> to vector<16xi32>
      %swap3A_1871 = vector.shape_cast %add3A_1867 : vector<16xi32> to vector<16xi32>
      tpu.vector_store %arg10[%swap3A_1868], %swap3A_1871 {strides = array<i32>} : memref<4096xi32, #tpu.memory_space<vmem>>, vector<16xi32>,
      %mul3A_1872 = arith.mulf %mul3A_1786, %get3A_1732 : vector<16xf32>
      %swap3A_1873 = arith.index_cast %add3A_1856 : i32 to index
      %swap3A_1874 = tpu.vector_load %arg11[%swap3A_1873] {strides = array<i32>} : memref<4096xf32, #tpu.memory_space<vmem>>, vector<16xf32>,
      %swap3A_1875 = vector.shape_cast %swap3A_1874 : vector<16xf32> to vector<16xf32>
      %swap3A_1876 = vector.shape_cast %mul3A_1872 : vector<16xf32> to vector<16xf32>
      tpu.vector_store %arg11[%swap3A_1873], %swap3A_1876 {strides = array<i32>} : memref<4096xf32, #tpu.memory_space<vmem>>, vector<16xf32>,
      %add3A_1877 = arith.constant 1 : i32
      %add3A_1878 = vector.broadcast %add3A_1877 : i32 to vector<16xi32>
      %add3A_1879 = arith.addi %convert_element_type3A_1746, %add3A_1878 : vector<16xi32>
      %max3A_1880 = arith.constant 0 : i32
      %max3A_1881 = vector.broadcast %max3A_1880 : i32 to vector<16xi32>
      %max3A_1882 = arith.maxsi %add3A_1879, %max3A_1881 : vector<16xi32>
      %min3A_1883 = arith.constant 63 : i32
      %min3A_1884 = vector.broadcast %min3A_1883 : i32 to vector<16xi32>
      %min3A_1885 = arith.minsi %max3A_1882, %min3A_1884 : vector<16xi32>
      %add3A_1886 = arith.constant 0 : i32
      %add3A_1887 = vector.broadcast %add3A_1886 : i32 to vector<16xi32>
      %add3A_1888 = arith.addi %convert_element_type3A_1745, %add3A_1887 : vector<16xi32>
      %max3A_1889 = arith.constant 0 : i32
      %max3A_1890 = vector.broadcast %max3A_1889 : i32 to vector<16xi32>
      %max3A_1891 = arith.maxsi %add3A_1888, %max3A_1890 : vector<16xi32>
      %min3A_1892 = arith.constant 63 : i32
      %min3A_1893 = vector.broadcast %min3A_1892 : i32 to vector<16xi32>
      %min3A_1894 = arith.minsi %max3A_1891, %min3A_1893 : vector<16xi32>
      %mul3A_1895 = arith.constant 64 : i32
      %mul3A_1896 = vector.broadcast %mul3A_1895 : i32 to vector<16xi32>
      %mul3A_1897 = arith.muli %min3A_1885, %mul3A_1896 : vector<16xi32>
      %add3A_1898 = arith.addi %mul3A_1897, %min3A_1894 : vector<16xi32>
      %add3A_1899 = arith.constant 2048 : i32
      %add3A_1900 = arith.addi %add3A_1899, %add3A_1723 : i32
      %shift_right_arithmetic3A_1901 = arith.constant 7 : i32
      %shift_right_arithmetic3A_1902 = vector.broadcast %shift_right_arithmetic3A_1901 : i32 to vector<16xi32>
      %shift_right_arithmetic3A_1903 = arith.shrsi %add3A_1898, %shift_right_arithmetic3A_1902 : vector<16xi32>
      %shift_left3A_1904 = arith.constant 10 : i32
      %shift_left3A_1905 = vector.broadcast %shift_left3A_1904 : i32 to vector<16xi32>
      %shift_left3A_1906 = arith.shli %shift_right_arithmetic3A_1903, %shift_left3A_1905 : vector<16xi32>
      %add3A_1907 = arith.addi %add3A_1784, %shift_left3A_1906 : vector<16xi32>
      %and3A_1908 = arith.constant 127 : i32
      %and3A_1909 = vector.broadcast %and3A_1908 : i32 to vector<16xi32>
      %and3A_1910 = arith.andi %add3A_1898, %and3A_1909 : vector<16xi32>
      %add3A_1911 = arith.addi %add3A_1907, %and3A_1910 : vector<16xi32>
      %swap3A_1912 = arith.index_cast %add3A_1900 : i32 to index
      %swap3A_1913 = tpu.vector_load %arg10[%swap3A_1912] {strides = array<i32>} : memref<4096xi32, #tpu.memory_space<vmem>>, vector<16xi32>,
      %swap3A_1914 = vector.shape_cast %swap3A_1913 : vector<16xi32> to vector<16xi32>
      %swap3A_1915 = vector.shape_cast %add3A_1911 : vector<16xi32> to vector<16xi32>
      tpu.vector_store %arg10[%swap3A_1912], %swap3A_1915 {strides = array<i32>} : memref<4096xi32, #tpu.memory_space<vmem>>, vector<16xi32>,
      %mul3A_1916 = arith.mulf %mul3A_1787, %get3A_1732 : vector<16xf32>
      %swap3A_1917 = arith.index_cast %add3A_1900 : i32 to index
      %swap3A_1918 = tpu.vector_load %arg11[%swap3A_1917] {strides = array<i32>} : memref<4096xf32, #tpu.memory_space<vmem>>, vector<16xf32>,
      %swap3A_1919 = vector.shape_cast %swap3A_1918 : vector<16xf32> to vector<16xf32>
      %swap3A_1920 = vector.shape_cast %mul3A_1916 : vector<16xf32> to vector<16xf32>
      tpu.vector_store %arg11[%swap3A_1917], %swap3A_1920 {strides = array<i32>} : memref<4096xf32, #tpu.memory_space<vmem>>, vector<16xf32>,
      %add3A_1921 = arith.constant 1 : i32
      %add3A_1922 = vector.broadcast %add3A_1921 : i32 to vector<16xi32>
      %add3A_1923 = arith.addi %convert_element_type3A_1746, %add3A_1922 : vector<16xi32>
      %max3A_1924 = arith.constant 0 : i32
      %max3A_1925 = vector.broadcast %max3A_1924 : i32 to vector<16xi32>
      %max3A_1926 = arith.maxsi %add3A_1923, %max3A_1925 : vector<16xi32>
      %min3A_1927 = arith.constant 63 : i32
      %min3A_1928 = vector.broadcast %min3A_1927 : i32 to vector<16xi32>
      %min3A_1929 = arith.minsi %max3A_1926, %min3A_1928 : vector<16xi32>
      %add3A_1930 = arith.constant 1 : i32
      %add3A_1931 = vector.broadcast %add3A_1930 : i32 to vector<16xi32>
      %add3A_1932 = arith.addi %convert_element_type3A_1745, %add3A_1931 : vector<16xi32>
      %max3A_1933 = arith.constant 0 : i32
      %max3A_1934 = vector.broadcast %max3A_1933 : i32 to vector<16xi32>
      %max3A_1935 = arith.maxsi %add3A_1932, %max3A_1934 : vector<16xi32>
      %min3A_1936 = arith.constant 63 : i32
      %min3A_1937 = vector.broadcast %min3A_1936 : i32 to vector<16xi32>
      %min3A_1938 = arith.minsi %max3A_1935, %min3A_1937 : vector<16xi32>
      %mul3A_1939 = arith.constant 64 : i32
      %mul3A_1940 = vector.broadcast %mul3A_1939 : i32 to vector<16xi32>
      %mul3A_1941 = arith.muli %min3A_1929, %mul3A_1940 : vector<16xi32>
      %add3A_1942 = arith.addi %mul3A_1941, %min3A_1938 : vector<16xi32>
      %add3A_1943 = arith.constant 3072 : i32
      %add3A_1944 = arith.addi %add3A_1943, %add3A_1723 : i32
      %shift_right_arithmetic3A_1945 = arith.constant 7 : i32
      %shift_right_arithmetic3A_1946 = vector.broadcast %shift_right_arithmetic3A_1945 : i32 to vector<16xi32>
      %shift_right_arithmetic3A_1947 = arith.shrsi %add3A_1942, %shift_right_arithmetic3A_1946 : vector<16xi32>
      %shift_left3A_1948 = arith.constant 10 : i32
      %shift_left3A_1949 = vector.broadcast %shift_left3A_1948 : i32 to vector<16xi32>
      %shift_left3A_1950 = arith.shli %shift_right_arithmetic3A_1947, %shift_left3A_1949 : vector<16xi32>
      %add3A_1951 = arith.addi %add3A_1784, %shift_left3A_1950 : vector<16xi32>
      %and3A_1952 = arith.constant 127 : i32
      %and3A_1953 = vector.broadcast %and3A_1952 : i32 to vector<16xi32>
      %and3A_1954 = arith.andi %add3A_1942, %and3A_1953 : vector<16xi32>
      %add3A_1955 = arith.addi %add3A_1951, %and3A_1954 : vector<16xi32>
      %swap3A_1956 = arith.index_cast %add3A_1944 : i32 to index
      %swap3A_1957 = tpu.vector_load %arg10[%swap3A_1956] {strides = array<i32>} : memref<4096xi32, #tpu.memory_space<vmem>>, vector<16xi32>,
      %swap3A_1958 = vector.shape_cast %swap3A_1957 : vector<16xi32> to vector<16xi32>
      %swap3A_1959 = vector.shape_cast %add3A_1955 : vector<16xi32> to vector<16xi32>
      tpu.vector_store %arg10[%swap3A_1956], %swap3A_1959 {strides = array<i32>} : memref<4096xi32, #tpu.memory_space<vmem>>, vector<16xi32>,
      %mul3A_1960 = arith.mulf %mul3A_1788, %get3A_1732 : vector<16xf32>
      %swap3A_1961 = arith.index_cast %add3A_1944 : i32 to index
      %swap3A_1962 = tpu.vector_load %arg11[%swap3A_1961] {strides = array<i32>} : memref<4096xf32, #tpu.memory_space<vmem>>, vector<16xf32>,
      %swap3A_1963 = vector.shape_cast %swap3A_1962 : vector<16xf32> to vector<16xf32>
      %swap3A_1964 = vector.shape_cast %mul3A_1960 : vector<16xf32> to vector<16xf32>
      tpu.vector_store %arg11[%swap3A_1961], %swap3A_1964 {strides = array<i32>} : memref<4096xf32, #tpu.memory_space<vmem>>, vector<16xf32>,
      %add3A_1965 = arith.constant 0 : i32
      %add3A_1966 = arith.addi %add3A_1965, %mul3A_28 : i32
      %dma_start3A = tpu.memref_slice %arg12[%add3A_1966] : memref<4096xf32, #tpu.memory_space<vmem>> -> memref<128xf32, #tpu.memory_space<vmem>>
      %dma_start3A_1967 = tpu.memref_slice %arg10[%add3A_1966] : memref<4096xi32, #tpu.memory_space<vmem>> -> memref<128xi32, #tpu.memory_space<vmem>>
      %dma_start3A_1968 = arith.constant 0 : i32
      %dma_start3A_1969 = tpu.memref_slice %arg2[%dma_start3A_1968] : memref<134217728xf32, #tpu.memory_space<hbm>> -> memref<134217728xf32, #tpu.memory_space<hbm>>
      tpu.enqueue_indirect_dma source(%dma_start3A_1969 : memref<134217728xf32, #tpu.memory_space<hbm>>) target(%dma_start3A : memref<128xf32, #tpu.memory_space<vmem>>) offsets(%dma_start3A_1967 : memref<128xi32, #tpu.memory_space<vmem>>) semaphore(%arg14 : memref<!tpu.dma_semaphore, #tpu.memory_space<semaphore_mem>>)
      %add3A_1970 = arith.constant 1024 : i32
      %add3A_1971 = arith.addi %add3A_1970, %mul3A_28 : i32
      %dma_start3A_1972 = tpu.memref_slice %arg12[%add3A_1971] : memref<4096xf32, #tpu.memory_space<vmem>> -> memref<128xf32, #tpu.memory_space<vmem>>
      %dma_start3A_1973 = tpu.memref_slice %arg10[%add3A_1971] : memref<4096xi32, #tpu.memory_space<vmem>> -> memref<128xi32, #tpu.memory_space<vmem>>
      %dma_start3A_1974 = arith.constant 0 : i32
      %dma_start3A_1975 = tpu.memref_slice %arg2[%dma_start3A_1974] : memref<134217728xf32, #tpu.memory_space<hbm>> -> memref<134217728xf32, #tpu.memory_space<hbm>>
      tpu.enqueue_indirect_dma source(%dma_start3A_1975 : memref<134217728xf32, #tpu.memory_space<hbm>>) target(%dma_start3A_1972 : memref<128xf32, #tpu.memory_space<vmem>>) offsets(%dma_start3A_1973 : memref<128xi32, #tpu.memory_space<vmem>>) semaphore(%arg14 : memref<!tpu.dma_semaphore, #tpu.memory_space<semaphore_mem>>)
      %add3A_1976 = arith.constant 2048 : i32
      %add3A_1977 = arith.addi %add3A_1976, %mul3A_28 : i32
      %dma_start3A_1978 = tpu.memref_slice %arg12[%add3A_1977] : memref<4096xf32, #tpu.memory_space<vmem>> -> memref<128xf32, #tpu.memory_space<vmem>>
      %dma_start3A_1979 = tpu.memref_slice %arg10[%add3A_1977] : memref<4096xi32, #tpu.memory_space<vmem>> -> memref<128xi32, #tpu.memory_space<vmem>>
      %dma_start3A_1980 = arith.constant 0 : i32
      %dma_start3A_1981 = tpu.memref_slice %arg2[%dma_start3A_1980] : memref<134217728xf32, #tpu.memory_space<hbm>> -> memref<134217728xf32, #tpu.memory_space<hbm>>
      tpu.enqueue_indirect_dma source(%dma_start3A_1981 : memref<134217728xf32, #tpu.memory_space<hbm>>) target(%dma_start3A_1978 : memref<128xf32, #tpu.memory_space<vmem>>) offsets(%dma_start3A_1979 : memref<128xi32, #tpu.memory_space<vmem>>) semaphore(%arg14 : memref<!tpu.dma_semaphore, #tpu.memory_space<semaphore_mem>>)
      %add3A_1982 = arith.constant 3072 : i32
      %add3A_1983 = arith.addi %add3A_1982, %mul3A_28 : i32
      %dma_start3A_1984 = tpu.memref_slice %arg12[%add3A_1983] : memref<4096xf32, #tpu.memory_space<vmem>> -> memref<128xf32, #tpu.memory_space<vmem>>
      %dma_start3A_1985 = tpu.memref_slice %arg10[%add3A_1983] : memref<4096xi32, #tpu.memory_space<vmem>> -> memref<128xi32, #tpu.memory_space<vmem>>
      %dma_start3A_1986 = arith.constant 0 : i32
      %dma_start3A_1987 = tpu.memref_slice %arg2[%dma_start3A_1986] : memref<134217728xf32, #tpu.memory_space<hbm>> -> memref<134217728xf32, #tpu.memory_space<hbm>>
      tpu.enqueue_indirect_dma source(%dma_start3A_1987 : memref<134217728xf32, #tpu.memory_space<hbm>>) target(%dma_start3A_1984 : memref<128xf32, #tpu.memory_space<vmem>>) offsets(%dma_start3A_1985 : memref<128xi32, #tpu.memory_space<vmem>>) semaphore(%arg14 : memref<!tpu.dma_semaphore, #tpu.memory_space<semaphore_mem>>)
      %scan3A_1988 = arith.constant 0 : i32
      scf.yield %scan3A_1988 : i32
    }
    %scan3A_8 = arith.constant 8 : i32
    %dma_wait3A = arith.constant 0 : i32
    %dma_wait3A_9 = tpu.memref_slice %arg2[%dma_wait3A] : memref<134217728xf32, #tpu.memory_space<hbm>> -> memref<4096xf32, #tpu.memory_space<hbm>>
    %dma_wait3A_10 = arith.constant 0 : i32
    %dma_wait3A_11 = tpu.memref_slice %arg2[%dma_wait3A_10] : memref<134217728xf32, #tpu.memory_space<hbm>> -> memref<4096xf32, #tpu.memory_space<hbm>>
    tpu.wait_dma2 semaphore(%arg14 : memref<!tpu.dma_semaphore, #tpu.memory_space<semaphore_mem>>) src(%dma_wait3A_11 : memref<4096xf32, #tpu.memory_space<hbm>>) dst(%arg12 : memref<4096xf32, #tpu.memory_space<vmem>>)
    %broadcast_in_dim3A = arith.constant 0.000000e+00 : f32
    %broadcast_in_dim3A_12 = vector.broadcast %broadcast_in_dim3A : f32 to vector<16xf32>
    %scan3A_13 = arith.constant 0 : i32
    %scan3A_14 = arith.constant 64 : i32
    %scan3A_15 = arith.addi %scan3A_13, %scan3A_14 : i32
    %scan3A_16 = arith.constant 2 : i32
    %scan3A_17 = scf.for %scan3A_25 = %scan3A_13 to %scan3A_15 step %scan3A_16 iter_args(%scan3A_26 = %broadcast_in_dim3A_12) -> (vector<16xf32>)  : i32 {
      %mul3A_27 = arith.constant 16 : i32
      %mul3A_28 = arith.muli %scan3A_25, %mul3A_27 : i32
      %get3A = arith.index_cast %mul3A_28 : i32 to index
      %get3A_29 = tpu.vector_load %arg9[%get3A] {strides = array<i32>} : memref<1024xf32, #tpu.memory_space<vmem>>, vector<16xf32>,
      %get3A_30 = vector.shape_cast %get3A_29 : vector<16xf32> to vector<16xf32>
      %add3A_31 = arith.constant 0 : i32
      %add3A_32 = arith.addi %add3A_31, %mul3A_28 : i32
      %get3A_33 = arith.index_cast %add3A_32 : i32 to index
      %get3A_34 = tpu.vector_load %arg12[%get3A_33] {strides = array<i32>} : memref<4096xf32, #tpu.memory_space<vmem>>, vector<16xf32>,
      %get3A_35 = vector.shape_cast %get3A_34 : vector<16xf32> to vector<16xf32>
      %mul3A_36 = arith.mulf %get3A_35, %get3A_30 : vector<16xf32>
      %get3A_37 = arith.index_cast %add3A_32 : i32 to index
      %get3A_38 = tpu.vector_load %arg11[%get3A_37] {strides = array<i32>} : memref<4096xf32, #tpu.memory_space<vmem>>, vector<16xf32>,
      %get3A_39 = vector.shape_cast %get3A_38 : vector<16xf32> to vector<16xf32>
      %sub3A = arith.subf %mul3A_36, %get3A_39 : vector<16xf32>
      %abs3A = math.absf %sub3A : vector<16xf32>
      %add3A_40 = arith.addf %scan3A_26, %abs3A : vector<16xf32>
      %add3A_41 = arith.constant 1024 : i32
      %add3A_42 = arith.addi %add3A_41, %mul3A_28 : i32
      %get3A_43 = arith.index_cast %add3A_42 : i32 to index
      %get3A_44 = tpu.vector_load %arg12[%get3A_43] {strides = array<i32>} : memref<4096xf32, #tpu.memory_space<vmem>>, vector<16xf32>,
      %get3A_45 = vector.shape_cast %get3A_44 : vector<16xf32> to vector<16xf32>
      %mul3A_46 = arith.mulf %get3A_45, %get3A_30 : vector<16xf32>
      %get3A_47 = arith.index_cast %add3A_42 : i32 to index
      %get3A_48 = tpu.vector_load %arg11[%get3A_47] {strides = array<i32>} : memref<4096xf32, #tpu.memory_space<vmem>>, vector<16xf32>,
      %get3A_49 = vector.shape_cast %get3A_48 : vector<16xf32> to vector<16xf32>
      %sub3A_50 = arith.subf %mul3A_46, %get3A_49 : vector<16xf32>
      %abs3A_51 = math.absf %sub3A_50 : vector<16xf32>
      %add3A_52 = arith.addf %add3A_40, %abs3A_51 : vector<16xf32>
      %add3A_53 = arith.constant 2048 : i32
      %add3A_54 = arith.addi %add3A_53, %mul3A_28 : i32
      %get3A_55 = arith.index_cast %add3A_54 : i32 to index
      %get3A_56 = tpu.vector_load %arg12[%get3A_55] {strides = array<i32>} : memref<4096xf32, #tpu.memory_space<vmem>>, vector<16xf32>,
      %get3A_57 = vector.shape_cast %get3A_56 : vector<16xf32> to vector<16xf32>
      %mul3A_58 = arith.mulf %get3A_57, %get3A_30 : vector<16xf32>
      %get3A_59 = arith.index_cast %add3A_54 : i32 to index
      %get3A_60 = tpu.vector_load %arg11[%get3A_59] {strides = array<i32>} : memref<4096xf32, #tpu.memory_space<vmem>>, vector<16xf32>,
      %get3A_61 = vector.shape_cast %get3A_60 : vector<16xf32> to vector<16xf32>
      %sub3A_62 = arith.subf %mul3A_58, %get3A_61 : vector<16xf32>
      %abs3A_63 = math.absf %sub3A_62 : vector<16xf32>
      %add3A_64 = arith.addf %add3A_52, %abs3A_63 : vector<16xf32>
      %add3A_65 = arith.constant 3072 : i32
      %add3A_66 = arith.addi %add3A_65, %mul3A_28 : i32
      %get3A_67 = arith.index_cast %add3A_66 : i32 to index
      %get3A_68 = tpu.vector_load %arg12[%get3A_67] {strides = array<i32>} : memref<4096xf32, #tpu.memory_space<vmem>>, vector<16xf32>,
      %get3A_69 = vector.shape_cast %get3A_68 : vector<16xf32> to vector<16xf32>
      %mul3A_70 = arith.mulf %get3A_69, %get3A_30 : vector<16xf32>
      %get3A_71 = arith.index_cast %add3A_66 : i32 to index
      %get3A_72 = tpu.vector_load %arg11[%get3A_71] {strides = array<i32>} : memref<4096xf32, #tpu.memory_space<vmem>>, vector<16xf32>,
      %get3A_73 = vector.shape_cast %get3A_72 : vector<16xf32> to vector<16xf32>
      %sub3A_74 = arith.subf %mul3A_70, %get3A_73 : vector<16xf32>
      %abs3A_75 = math.absf %sub3A_74 : vector<16xf32>
      %add3A_76 = arith.addf %add3A_64, %abs3A_75 : vector<16xf32>
      %scan3A_77 = arith.constant 1 : i32
      %scan3A_78 = arith.addi %scan3A_25, %scan3A_77 : i32
      %mul3A_79 = arith.constant 16 : i32
      %mul3A_80 = arith.muli %scan3A_78, %mul3A_79 : i32
      %get3A_81 = arith.index_cast %mul3A_80 : i32 to index
      %get3A_82 = tpu.vector_load %arg9[%get3A_81] {strides = array<i32>} : memref<1024xf32, #tpu.memory_space<vmem>>, vector<16xf32>,
      %get3A_83 = vector.shape_cast %get3A_82 : vector<16xf32> to vector<16xf32>
      %add3A_84 = arith.constant 0 : i32
      %add3A_85 = arith.addi %add3A_84, %mul3A_80 : i32
      %get3A_86 = arith.index_cast %add3A_85 : i32 to index
      %get3A_87 = tpu.vector_load %arg12[%get3A_86] {strides = array<i32>} : memref<4096xf32, #tpu.memory_space<vmem>>, vector<16xf32>,
      %get3A_88 = vector.shape_cast %get3A_87 : vector<16xf32> to vector<16xf32>
      %mul3A_89 = arith.mulf %get3A_88, %get3A_83 : vector<16xf32>
      %get3A_90 = arith.index_cast %add3A_85 : i32 to index
      %get3A_91 = tpu.vector_load %arg11[%get3A_90] {strides = array<i32>} : memref<4096xf32, #tpu.memory_space<vmem>>, vector<16xf32>,
      %get3A_92 = vector.shape_cast %get3A_91 : vector<16xf32> to vector<16xf32>
      %sub3A_93 = arith.subf %mul3A_89, %get3A_92 : vector<16xf32>
      %abs3A_94 = math.absf %sub3A_93 : vector<16xf32>
      %add3A_95 = arith.addf %add3A_76, %abs3A_94 : vector<16xf32>
      %add3A_96 = arith.constant 1024 : i32
      %add3A_97 = arith.addi %add3A_96, %mul3A_80 : i32
      %get3A_98 = arith.index_cast %add3A_97 : i32 to index
      %get3A_99 = tpu.vector_load %arg12[%get3A_98] {strides = array<i32>} : memref<4096xf32, #tpu.memory_space<vmem>>, vector<16xf32>,
      %get3A_100 = vector.shape_cast %get3A_99 : vector<16xf32> to vector<16xf32>
      %mul3A_101 = arith.mulf %get3A_100, %get3A_83 : vector<16xf32>
      %get3A_102 = arith.index_cast %add3A_97 : i32 to index
      %get3A_103 = tpu.vector_load %arg11[%get3A_102] {strides = array<i32>} : memref<4096xf32, #tpu.memory_space<vmem>>, vector<16xf32>,
      %get3A_104 = vector.shape_cast %get3A_103 : vector<16xf32> to vector<16xf32>
      %sub3A_105 = arith.subf %mul3A_101, %get3A_104 : vector<16xf32>
      %abs3A_106 = math.absf %sub3A_105 : vector<16xf32>
      %add3A_107 = arith.addf %add3A_95, %abs3A_106 : vector<16xf32>
      %add3A_108 = arith.constant 2048 : i32
      %add3A_109 = arith.addi %add3A_108, %mul3A_80 : i32
      %get3A_110 = arith.index_cast %add3A_109 : i32 to index
      %get3A_111 = tpu.vector_load %arg12[%get3A_110] {strides = array<i32>} : memref<4096xf32, #tpu.memory_space<vmem>>, vector<16xf32>,
      %get3A_112 = vector.shape_cast %get3A_111 : vector<16xf32> to vector<16xf32>
      %mul3A_113 = arith.mulf %get3A_112, %get3A_83 : vector<16xf32>
      %get3A_114 = arith.index_cast %add3A_109 : i32 to index
      %get3A_115 = tpu.vector_load %arg11[%get3A_114] {strides = array<i32>} : memref<4096xf32, #tpu.memory_space<vmem>>, vector<16xf32>,
      %get3A_116 = vector.shape_cast %get3A_115 : vector<16xf32> to vector<16xf32>
      %sub3A_117 = arith.subf %mul3A_113, %get3A_116 : vector<16xf32>
      %abs3A_118 = math.absf %sub3A_117 : vector<16xf32>
      %add3A_119 = arith.addf %add3A_107, %abs3A_118 : vector<16xf32>
      %add3A_120 = arith.constant 3072 : i32
      %add3A_121 = arith.addi %add3A_120, %mul3A_80 : i32
      %get3A_122 = arith.index_cast %add3A_121 : i32 to index
      %get3A_123 = tpu.vector_load %arg12[%get3A_122] {strides = array<i32>} : memref<4096xf32, #tpu.memory_space<vmem>>, vector<16xf32>,
      %get3A_124 = vector.shape_cast %get3A_123 : vector<16xf32> to vector<16xf32>
      %mul3A_125 = arith.mulf %get3A_124, %get3A_83 : vector<16xf32>
      %get3A_126 = arith.index_cast %add3A_121 : i32 to index
      %get3A_127 = tpu.vector_load %arg11[%get3A_126] {strides = array<i32>} : memref<4096xf32, #tpu.memory_space<vmem>>, vector<16xf32>,
      %get3A_128 = vector.shape_cast %get3A_127 : vector<16xf32> to vector<16xf32>
      %sub3A_129 = arith.subf %mul3A_125, %get3A_128 : vector<16xf32>
      %abs3A_130 = math.absf %sub3A_129 : vector<16xf32>
      %add3A_131 = arith.addf %add3A_119, %abs3A_130 : vector<16xf32>
      scf.yield %add3A_131 : vector<16xf32>
    }
    %scan3A_18 = arith.constant 64 : i32
    %mul3A_19 = arith.constant 7.62939453E-6 : f32
    %mul3A_20 = vector.broadcast %mul3A_19 : f32 to vector<16xf32>
    %mul3A_21 = arith.mulf %scan3A_17, %mul3A_20 : vector<16xf32>
    %swap3A = arith.constant 0 : index
    %swap3A_22 = tpu.vector_load %arg13[%swap3A] {strides = array<i32>} : memref<16xf32, #tpu.memory_space<vmem>>, vector<16xf32>,
    %swap3A_23 = vector.shape_cast %swap3A_22 : vector<16xf32> to vector<16xf32>
    %swap3A_24 = vector.shape_cast %mul3A_21 : vector<16xf32> to vector<16xf32>
    tpu.vector_store %arg13[%swap3A], %swap3A_24 {strides = array<i32>} : memref<16xf32, #tpu.memory_space<vmem>>, vector<16xf32>,
    "tpu.region"() ({
      %run_scoped3A = tpu.sem_alloc : memref<!tpu.dma_semaphore, #tpu.memory_space<semaphore_mem>>
      %dma_start3A = arith.constant 0 : i32
      %dma_start3A_25 = tpu.memref_slice %arg6[%add3A, %dma_start3A] : memref<32x16xf32, #tpu.memory_space<hbm>> -> memref<1x16xf32, #tpu.memory_space<hbm>>
      %dma_start3A_26 = tpu.memref_squeeze %dma_start3A_25 : memref<1x16xf32, #tpu.memory_space<hbm>> -> memref<16xf32, #tpu.memory_space<hbm>>
      %dma_start3A_27 = arith.constant 0 : i32
      %dma_start3A_28 = tpu.memref_slice %arg6[%add3A, %dma_start3A_27] : memref<32x16xf32, #tpu.memory_space<hbm>> -> memref<1x16xf32, #tpu.memory_space<hbm>>
      %dma_start3A_29 = tpu.memref_squeeze %dma_start3A_28 : memref<1x16xf32, #tpu.memory_space<hbm>> -> memref<16xf32, #tpu.memory_space<hbm>>
      tpu.enqueue_dma source(%arg13 : memref<16xf32, #tpu.memory_space<vmem>>) target(%dma_start3A_29 : memref<16xf32, #tpu.memory_space<hbm>>) target_semaphore(%run_scoped3A : memref<!tpu.dma_semaphore, #tpu.memory_space<semaphore_mem>>)
      %dma_wait3A_30 = arith.constant 0 : i32
      %dma_wait3A_31 = tpu.memref_slice %arg6[%add3A, %dma_wait3A_30] : memref<32x16xf32, #tpu.memory_space<hbm>> -> memref<1x16xf32, #tpu.memory_space<hbm>>
      %dma_wait3A_32 = tpu.memref_squeeze %dma_wait3A_31 : memref<1x16xf32, #tpu.memory_space<hbm>> -> memref<16xf32, #tpu.memory_space<hbm>>
      %dma_wait3A_33 = arith.constant 0 : i32
      %dma_wait3A_34 = tpu.memref_slice %arg6[%add3A, %dma_wait3A_33] : memref<32x16xf32, #tpu.memory_space<hbm>> -> memref<1x16xf32, #tpu.memory_space<hbm>>
      %dma_wait3A_35 = tpu.memref_squeeze %dma_wait3A_34 : memref<1x16xf32, #tpu.memory_space<hbm>> -> memref<16xf32, #tpu.memory_space<hbm>>
      tpu.wait_dma2 semaphore(%run_scoped3A : memref<!tpu.dma_semaphore, #tpu.memory_space<semaphore_mem>>) src(%arg13 : memref<16xf32, #tpu.memory_space<vmem>>) dst(%dma_wait3A_35 : memref<16xf32, #tpu.memory_space<hbm>>)
      tpu.yield
    }) : () -> ()
    return
  }
}

</mosaic_0001>

<sc_bundles>
// kernel: kernel.3.cloned.1.call-start
scs
__scs_entry_jumppad:
0x0: {  	(pc) =	sbr.rel $0x88, $3  }
0x1: {  	(tag) =	ssettag $0x0;
	lr =	simm.s32 $0x1  }
0x2: {  	[smem:$0x3F9E] =	sst lr;
	_ =	strace $0xD0000000  }
0x3: {  	_ = 	snop  }
0x4: {  	_ = 	snop  }
0x5: {  	_ = 	snop  }
0x6: {  	_ = 	snop  }
0x7: {  	_ = 	snop  }
__scs_overlays_trampoline_lowered:
0x8: {  	[smem:$0x3FAD] =	sst s0  }
0x9: {  	[smem:$0x3FAE] =	sst s1  }
0xa: {  	[smem:$0x3FAF] =	sst s2  }
0xb: {  	[smem:$0x3FB0] =	sst s3  }
0xc: {  	[smem:$0x3FB1] =	sst s4  }
0xd: {  	[smem:$0x3FB2] =	sst s5  }
0xe: {  	[smem:$0x3FB3] =	sst s6  }
0xf: {  	[smem:$0x3FB4] =	sst s7  }
0x10: {  	[smem:$0x3FB5] =	sst s8  }
0x11: {  	[smem:$0x3FB6] =	sst s9;
	s0 =	simm.s32 @!p0 $0x0  }
0x12: {  	s1 =	sld [smem:$0x3F9C];
	s0 =	simm.s32 @p0 $0x1  }
0x13: {  	[smem:$0x3FB7] =	sst s0;
	s0 =	simm.s32 @!p1 $0x0  }
0x14: {  	s2 =	sld [smem:$0x3F9B];
	s0 =	simm.s32 @p1 $0x1  }
0x15: {  	[smem:$0x3FB8] =	sst s0;
	s0 =	simm.s32 @!p2 $0x0  }
0x16: {  	s3 =	sld [smem:$0x3FDB];
	s0 =	simm.s32 @p2 $0x1  }
0x17: {  	s4 =	simm.s32 $0x1BF5;
	[smem:$0x3FBA] =	sst s0  }
0x18: {  	s0 =	sld [smem:$0x3F9D];
	_ =	swait.ge [sflag:s4], $0x0  }
0x19: {  	s7 =	sld [smem:$0x3F9E]  }
0x1a: {  	s8 =	sadd.s32 $0xFFFFE003, lr  }
0x1b: {  	s9 =	sadd.s32 $0xFFFFFEF7, lr;
	s5 =	simm.s32 $0xFFFFFFFF;
	p2 =	slt.u32 s8, $0xFFFFF086  }
0x1c: {  	p1 =	slt.u32 s9, $0xF7A;
	s5 =	simm.s32 @!p2 $0x0  }
0x1d: {  	s5 =	simm.s32 @p1 $0x1;
	p0 =	seq.s32 s7, s2  }
0x1e: {  	s7 =	smul.u32 @!p0 $0xF7A, s2;
	p2 =	seq.s32 @!p0 s5, $0x0  }
0x1f: {  	s9 =	smul.u32 $0xF7A, s1;
	s8 =	simm.s32 @!p0 $0x1BF5;
	p2 =	por !p2, p0  }
0x20: {  	[sflag:s8] =	ssyncset.s32 @!p0 $0xFFFFF086;
	s6 =	sadd.s32 @!p0 s3, s7;
	s7 =	simm.s32 @!p0 $0x108  }
0x21: {  	s3 =	sadd.s32 s3, s9;
	s6 =	sadd.s32 @!p0 $0x88, s6;
	s7 =	simm.s32 @p2 $0x1082  }
0x22: {  	[simem:s7], [sflag:s8] =	dma.local @!p0 [hbm:s6], $0xF7A  }
0x23: {  	s9 =	sor.u32 $0xD0000000, s2;
	s6 =	simm.s32 $0x108;
	_ =	swait.ge @!p0 [sflag:s8], $0x0  }
0x24: {  	s3 =	sadd.s32 $0x88, s3;
	s6 =	simm.s32 @!p1 $0x1082;
	[sflag:s4] =	ssyncset.s32 $0xFFFFF086  }
0x25: {  	[simem:s6], [sflag:s4] =	dma.local [hbm:s3], $0xF7A  }
0x26: {  	[smem:$0x3F9E] =	sst s1;
	(tag) =	ssettag s2;
	_ =	strace s9  }
0x27: {  	s1 =	sld [smem:$0x3FAE]  }
0x28: {  	s2 =	sld [smem:$0x3FAF]  }
0x29: {  	s4 =	sld [smem:$0x3FB1]  }
0x2a: {  	p0 =	seq.s32 s5, $0x0;
	s5 =	sld [smem:$0x3FB2]  }
0x2b: {  	s6 =	sld [smem:$0x3FB3]  }
0x2c: {  	s7 =	sld [smem:$0x3FB4]  }
0x2d: {  	s3 =	simm.s32 $0x108;
	s8 =	sld [smem:$0x3FB5]  }
0x2e: {  	s3 =	simm.s32 @!p0 $0x1082;
	s9 =	sld [smem:$0x3FB6]  }
0x2f: {  	lr =	sadd.s32 s0, s3;
	s0 =	sld [smem:$0x3FAD]  }
0x30: {  	s3 =	sld [smem:$0x3FB0]  }
0x31: {  	[smem:$0x3FB9] =	sst s10  }
0x32: {  	s10 =	sld [smem:$0x3FB7];
	_ =	sdelay $0x3  }
0x33: {  	p0 =	seq.s32 s10, $0x1;
	s10 =	sld [smem:$0x3FB9];
	_ =	sdelay $0x3  }
0x34: {  	[smem:$0x3FB9] =	sst s10  }
0x35: {  	s10 =	sld [smem:$0x3FB8];
	_ =	sdelay $0x3  }
0x36: {  	p1 =	seq.s32 s10, $0x1;
	s10 =	sld [smem:$0x3FB9];
	_ =	sdelay $0x3  }
0x37: {  	[smem:$0x3FB9] =	sst s10  }
0x38: {  	s10 =	sld [smem:$0x3FBA]  }
0x39: {  	_ = 	snop;
	(pc) =	sbr.ind lr, $3  }
0x3a: {  	_ = 	snop  }
0x3b: {  	_ = 	snop  }
0x3c: {  	p2 =	seq.s32 s10, $0x1;
	s10 =	sld [smem:$0x3FB9]  }
0x3d: {  	_ =	shalt  }
0x3e: {  	_ =	shalt  }
0x3f: {  	_ =	shalt  }
0x40: {  	_ =	shalt  }
0x41: {  	_ =	shalt  }
0x42: {  	_ =	shalt  }
0x43: {  	_ =	shalt  }
0x44: {  	_ =	shalt  }
0x45: {  	_ =	shalt  }
0x46: {  	_ =	shalt  }
0x47: {  	_ =	shalt  }
0x48: {  	_ =	shalt  }
0x49: {  	_ =	shalt  }
0x4a: {  	_ =	shalt  }
0x4b: {  	_ =	shalt  }
0x4c: {  	_ =	shalt  }
0x4d: {  	_ =	shalt  }
0x4e: {  	_ =	shalt  }
0x4f: {  	_ =	shalt  }
0x50: {  	_ =	shalt  }
0x51: {  	_ =	shalt  }
0x52: {  	_ =	shalt  }
0x53: {  	_ =	shalt  }
0x54: {  	_ =	shalt  }
0x55: {  	_ =	shalt  }
0x56: {  	_ =	shalt  }
0x57: {  	_ =	shalt  }
0x58: {  	_ =	shalt  }
0x59: {  	_ =	shalt  }
0x5a: {  	_ =	shalt  }
0x5b: {  	_ =	shalt  }
0x5c: {  	_ =	shalt  }
0x5d: {  	_ =	shalt  }
0x5e: {  	_ =	shalt  }
0x5f: {  	_ =	shalt  }
0x60: {  	_ =	shalt  }
0x61: {  	_ =	shalt  }
0x62: {  	_ =	shalt  }
0x63: {  	_ =	shalt  }
0x64: {  	_ =	shalt  }
0x65: {  	_ =	shalt  }
0x66: {  	_ =	shalt  }
0x67: {  	_ =	shalt  }
0x68: {  	_ =	shalt  }
0x69: {  	_ =	shalt  }
0x6a: {  	_ =	shalt  }
0x6b: {  	_ =	shalt  }
0x6c: {  	_ =	shalt  }
0x6d: {  	_ =	shalt  }
0x6e: {  	_ =	shalt  }
0x6f: {  	_ =	shalt  }
0x70: {  	_ =	shalt  }
0x71: {  	_ =	shalt  }
0x72: {  	_ =	shalt  }
0x73: {  	_ =	shalt  }
0x74: {  	_ =	shalt  }
0x75: {  	_ =	shalt  }
0x76: {  	_ =	shalt  }
0x77: {  	_ =	shalt  }
0x78: {  	_ =	shalt  }
0x79: {  	_ =	shalt  }
0x7a: {  	_ =	shalt  }
0x7b: {  	_ =	shalt  }
0x7c: {  	_ =	shalt  }
0x7d: {  	_ =	shalt  }
0x7e: {  	_ =	shalt  }
0x7f: {  	_ =	shalt  }
0x80: {  	_ =	shalt  }
0x81: {  	_ =	shalt  }
0x82: {  	_ =	shalt  }
0x83: {  	_ =	shalt  }
0x84: {  	_ =	shalt  }
0x85: {  	_ =	shalt  }
0x86: {  	_ =	shalt  }
0x87: {  	_ =	shalt  }
.Lfunc_end0:
.L_simem_size_0:
called_computation_lowered:
.L_overlay_start_0:
0x88: {  	s2 =	sld [smem:$0x3FD9]  }
0x89: {  	s3 =	sld [smem:$0x3FFE];
	_ =	sdelay $0x1  }
0x8a: {  	s1 =	srdreg.scid  }
0x8b: {  	s0 =	sand.u32 $0x1, s1  }
0x8c: {  	s17 =	sshll.u32 s0, $0xA;
	s2 =	sadd.s32 s3, s2  }
0x8d: {  	s2 =	sadd.s32 s2, s17  }
0x8e: {  	[smem:$0x3FC5] =	sst s2  }
0x8f: {  	_ = 	snop  }
0x90: {  	s2 =	sld [smem:$0x3FC9];
	(tm) =	ssettm $0x1  }
0x91: {  	s18 =	sld [smem:$0x3FFB];
	_ =	sdelay $0x3  }
0x92: {  	_ =	strace s18  }
0x93: {  	s3 =	sld [smem:$0x3FFC];
	_ =	sdelay $0x3  }
0x94: {  	_ =	strace s3  }
0x95: {  	s3 =	sld [smem:$0x3FFD];
	_ =	sdelay $0x3  }
0x96: {  	_ =	strace s3  }
0x97: {  	_ =	strace $0x8FFFFFFF  }
0x98: {  	s19 =	sld [smem:$0x3FDB];
	_ =	sdelay $0x1  }
0x99: {  	s4 =	simm.s32 $_scs_section_size  }
0x9a: {  	s5 =	simm.s32 $_size__tile_overlayer_lowered;
	s6 =	simm.s32 $_tile_overlayer_lowered  }
0x9b: {  	s22 =	simm.s32 $0x1BFF;
	s21 =	sshll.u32 s6, $0x1;
	s3 =	sadd.s32 s4, s19  }
0x9c: {  	s7 =	simm.s32 $0x0;
	s20 =	sshll.u32 s5, $0x1;
	s5 =	sadd.s32 s21, s3  }
0x9d: {  	[timem:s7], [sflag:s22] =	dma.local [hbm:s5], s20  }
0x9e: {  	_ =	swait.ge [sflag:s22], s20  }
0x9f: {  	s4 =	ssub.s32 $0x0, s20;
	[sflag:s22] =	ssyncset.done $0x0  }
0xa0: {  	[sflag:s22] =	ssyncadd.s32 s4;
	_ =	sdelay $0x1  }
0xa1: {  	s23 =	simm.s32 $0x1B8B  }
0xa2: {  	_ =	swait.ge [sflag:s23], $0x1  }
0xa3: {  	[sflag:s23] =	ssyncset.done $0x0  }
0xa4: {  	s25 =	simm.s32 $0x1B8E;
	s24 =	sld [smem:$0x3FFE];
	[sflag:s23] =	ssyncadd.s32 $0xFFFFFFFF  }
0xa5: {  	s26 =	simm.s32 $execute0_lowered;
	[smem:$0x3FD2] =	sst s25  }
0xa6: {  	s5 =	sshll.u32 s26, $0x1;
	_ =	strace $0x80000046;
	[dreg:$0x1] =	wrdreg $0xFFFFFFFF  }
0xa7: {  	s28 =	simm.s32 $_size_execute0_lowered;
	s3 =	sadd.s32 s3, s5;
	[dreg:$0x0] =	wrdreg $0x0  }
0xa8: {  	s5 =	sshll.u32 s28, $0x1;
	[dreg:$0x2] =	wrdreg s3  }
0xa9: {  	[dreg:$0x3] =	wrdreg s5  }
0xaa: {  	[dreg:$0x4] =	wrdreg $0xC0  }
0xab: {  	_ =	task [dreg:s7], $0x5FFFF  }
0xac: {  	[dreg:$0x1] =	wrdreg $0xFFFFFFFF  }
0xad: {  	[dreg:$0x0] =	wrdreg $0x60  }
0xae: {  	[dreg:$0x2] =	wrdreg s2  }
0xaf: {  	[dreg:$0x3] =	wrdreg s24  }
0xb0: {  	[dreg:$0x4] =	wrdreg $0x9  }
0xb1: {  	_ =	task.clear_ibuf [dreg:s7], $0x5FFFF;
	_ =	strace $0x90000046  }
0xb2: {  	s29 =	simm.s32 $0x9;
	_ =	strace $0x80000048  }
0xb3: {  	_ =	swait.ge [sflag:s29], $0x1  }
0xb4: {  	[sflag:s29] =	ssyncadd.s32 $0xFFFFFFFF  }
0xb5: {  	_ =	strace $0x90000048  }
0xb6: {  	_ =	sfence  }
0xb7: {  	s30 =	sld [smem:$0x0];
	_ =	sdelay $0x2  }
0xb8: {  	s31 =	sshll.u32 s1, $0xD;
	s1 =	sshrl.u32 s1, $0x2  }
0xb9: {  	s3 =	sand.u32 $0x4000, s31;
	s1 =	sadd.s32 s1, s30  }
0xba: {  	s0 =	sor.u32 s3, s0;
	s1 =	sshll.u32 s1, $0x11  }
0xbb: {  	s0 =	sor.u32 s1, s0  }
0xbc: {  	s0 =	sadd.s32 $0x8F2B, s0  }
0xbd: {  	[sflag:s0] =	ssyncadd.remote.s32 $0x1  }
0xbe: {  	_ =	sfence.sel $0xFFFF  }
0xbf: {  	[dreg:$0x0] =	wrdreg $0xFFFFFFFF;
	(pc) =	sbr.abs _section_cstart, $3  }
0xc0: {  	[dreg:$0x1] =	wrdreg $0xFFFFFFFF  }
0xc1: {  	_ =	task.clear_ibuf [dreg:s7], $0x2FFFF;
	_ =	strace $0x9FFFFFFF  }
0xc2: {  	(tm) =	ssettm $0x7FFFFFFF  }
0xc3: {  	_ =	shalt  }
tec
execute0_lowered:
.L_overlay_start_1:
0x0: {  	(tag) =	ssettag $0x1  }
0x1: {  	s1 =	rddreg [dreg:$0x0]  }
0x2: {  	s4 =	rddreg [dreg:$0x1]  }
0x3: {  	s0 =	rddreg [dreg:$0x2]  }
0x4: {  	s3 =	simm.s32 $0x0;
	s5 =	srdreg.scid;
	s2 =	stileid.u32  }
0x5: {  	s12 =	simm.s32 $0x800;
	s13 =	simm.s32 $0x80;
	s14 =	simm.s32 $0x1  }
0x6: {  	s15 =	simm.s32 $0x3C00;
	s16 =	simm.s32 $0x0;
	[smem:$0x7FF] =	sst s3  }
0x7: {  	s8 =	sand.u32 $0x1, s5;
	s30 =	sshll.u32 s2, $0x1;
	s31 =	sshll.u32 s2, $0xB  }
0x8: {  	_ =	strace $0x80000047;
	s5 =	sor.u32 s8, s30;
	s6 =	ssub.s32 $0x2, s8  }
0x9: {  	s11 =	sshll.u32 s8, $0xA;
	s7 =	sshll.u32 s5, $0x7;
	s5 =	sshll.u32 s5, $0x4  }
0xa: {  	s9 =	sshrl.u32 s6, $0x1;
	s7 =	sadd.s32 s7, s4;
	s10 =	sadd.s32 s5, s4  }
0xb: {  	v0 =	vlaneseq.u32;
	s9 =	ssub.s32 s6, s9;
	s4 =	sadd.s32 $0x200, s7;
	s5 =	sadd.s32 $0x1200, s7  }
0xc: {  	v1 =	vand.u32 $0x7, v0;
	s6 =	sadd.s32 $0x2200, s7;
	s7 =	sadd.s32 $0x3200, s10;
	s8 =	smax.u32 s9, $0x1  }
0xd: {  	v0 =	vmul.u32 $0x1000, v0;
	v1 =	vmul.u32 $0x80, v1;
	s9 =	sor.u32 s11, s31;
	s10 =	simm.s32 $0x2;
	s11 =	simm.s32 $0x400  }
.LBB2_1:
0xe: {  	[tilespmem:s3], [sflag:$0x2] =	stream.linear.gather [hbm4b:s4+s3], $0x400, $0x38;
	[tilespmem:$0x3C80] =	vst v63  }
0xf: {  	_ =	swait.ge [sflag:s10], $0x400  }
0x10: {  	[sflag:s10] =	ssyncset.done $0x0  }
0x11: {  	[sflag:s10] =	ssyncadd.s32 $0xFFFFFC00  }
0x12: {  	[tilespmem:s11], [sflag:$0x2] =	stream.linear.gather [hbm4b:s5+s3], $0x400, $0x38;
	[tilespmem:$0x3C80] =	vst v63  }
0x13: {  	_ =	swait.ge [sflag:s10], $0x400  }
0x14: {  	[sflag:s10] =	ssyncset.done $0x0  }
0x15: {  	[sflag:s10] =	ssyncadd.s32 $0xFFFFFC00  }
0x16: {  	[tilespmem:s12], [sflag:$0x2] =	stream.linear.gather [hbm4b:s6+s3], $0x400, $0x38;
	[tilespmem:$0x3C80] =	vst v63  }
0x17: {  	_ =	swait.ge [sflag:s10], $0x400  }
0x18: {  	[sflag:s10] =	ssyncset.done $0x0  }
0x19: {  	s17 =	smov.u32 s9;
	s18 =	simm.s32 $0x0;
	[sflag:s10] =	ssyncadd.s32 $0xFFFFFC00  }
.LBB2_2:
0x1a: {  	s19 =	sshra.s32 s18, $0x2  }
0x1b: {  	v2 =	vld [tilespmem:s19+$0x0]  }
0x1c: {  	v3 =	vld [tilespmem:s19+$0x400]  }
0x1d: {  	v11 =	vld [tilespmem:s19+$0x10]  }
0x1e: {  	v14 =	vld [tilespmem:s19+$0x410];
	_ =	sdelay $0x3  }
0x1f: {  	v2 =	vadd.f32 $1.000000000e+00, v2;
	v3 =	vadd.f32 $1.000000000e+00, v3  }
0x20: {  	v9 =	vmov s17;
	v46 =	vadd.f32 $1.000000000e+00, v11;
	v48 =	vadd.f32 $1.000000000e+00, v14  }
0x21: {  	s20 =	sadd.s32 $0x10, s17;
	v9 =	vshll.u32 v9, $0xC;
	v22 =	vld [tilespmem:s19+$0x420];
	v2 =	vmul.f32 $3.150000000e+01, v2;
	v3 =	vmul.f32 $3.150000000e+01, v3  }
0x22: {  	s30 =	sadd.s32 $0x20, s17;
	v56 =	vmov s20;
	v49 =	vmul.f32 $3.150000000e+01, v46;
	v11 =	vmul.f32 $3.150000000e+01, v48  }
0x23: {  	v37 =	vmov s30;
	v4 =	vtrunc.f32 v2;
	v5 =	vtrunc.f32 v3  }
0x24: {  	v40 =	vor.u32 v0, v9;
	v52 =	vtrunc.f32 v49;
	v53 =	vtrunc.f32 v11  }
0x25: {  	v9 =	vand.u32 $0x7F000000, v9;
	v4 =	vcvt.f32.s32 v4;
	v5 =	vcvt.f32.s32 v5  }
0x26: {  	v30 =	vadd.f32 $1.000000000e+00, v22;
	v17 =	vcvt.f32.s32 v52;
	v18 =	vcvt.f32.s32 v53  }
0x27: {  	v6 =	vcvt.s32.f32 v4;
	v7 =	vcvt.s32.f32 v5;
	vm0 =	vgt.s32 v5, $0x0  }
0x28: {  	vm9 =	vgt.s32 v4, $0x0;
	v45 =	vadd.s32 $0x1, v5;
	v19 =	vcvt.s32.f32 v17  }
0x29: {  	v54 =	vcvt.s32.f32 v18;
	vm12 =	vgt.s32 v18, $0x0;
	vm13 =	vgt.s32 v17, $0x0  }
0x2a: {  	v28 =	vadd.s32 $0x1, v17;
	v29 =	vadd.s32 $0x1, v18;
	v42 =	vnsel vm0, $0x0, v5  }
0x2b: {  	v12 =	vnsel vm9, $0x0, v4;
	vm11 =	vgt.s32 v45, $0x0;
	v62 =	vnsel vm12, $0x0, v18  }
0x2c: {  	v27 =	vnsel vm13, $0x0, v17;
	vm14 =	vgt.s32 v28, $0x0;
	vm15 =	vgt.s32 v29, $0x0  }
0x2d: {  	v18 =	vmul.f32 $3.150000000e+01, v30;
	v8 =	vadd.f32 $1.000000000e+00, v6;
	v10 =	vadd.f32 $1.000000000e+00, v7  }
0x2e: {  	v12 =	vmin.u32 v12, $0x3F;
	v55 =	vadd.f32 $1.000000000e+00, v19;
	v20 =	vadd.f32 $1.000000000e+00, v54  }
0x2f: {  	v14 =	vsub.f32 v49, v19;
	v25 =	vmin.u32 v62, $0x3F;
	v17 =	vnsel vm15, $0x0, v29  }
0x30: {  	v21 =	vshll.u32 v25, $0x6;
	v17 =	vmin.u32 v17, $0x3F;
	v8 =	vsub.f32 v8, v2  }
0x31: {  	v2 =	vsub.f32 v2, v6;
	v10 =	vsub.f32 v10, v3;
	v6 =	vand.u32 $0xF88000, v40  }
0x32: {  	v3 =	vsub.f32 v3, v7;
	v58 =	vsub.f32 v20, v11;
	v21 =	vand.u32 $0x40, v21  }
0x33: {  	v32 =	vshll.u32 v17, $0x9;
	v33 =	vshll.u32 v17, $0x6;
	v6 =	vor.u32 v6, v9  }
0x34: {  	v15 =	vld [tilespmem:s19+$0x800];
	v9 =	vmin.u32 v42, $0x3F;
	v6 =	vor.u32 v1, v6;
	v41 =	vmul.f32 v10, v8  }
0x35: {  	v10 =	vmul.f32 v10, v2;
	v13 =	vshll.u32 v9, $0x6;
	v9 =	vshll.u32 v9, $0x9  }
0x36: {  	v16 =	vmul.f32 v8, v3;
	v44 =	vmul.f32 v3, v2;
	v3 =	vadd.s32 $0x1, v4  }
0x37: {  	v4 =	vnsel vm11, $0x0, v45;
	v9 =	vand.u32 $0x7C00, v9;
	v13 =	vand.u32 $0x40, v13  }
0x38: {  	v12 =	vor.u32 v6, v12;
	vm10 =	vgt.s32 v3, $0x0;
	v4 =	vmin.u32 v4, $0x3F  }
0x39: {  	v43 =	vor.u32 v9, v13;
	v47 =	vnsel vm10, $0x0, v3;
	v3 =	vmul.f32 v41, v15  }
0x3a: {  	v51 =	vshll.u32 v4, $0x6;
	v4 =	vshll.u32 v4, $0x9;
	v8 =	vmul.f32 v10, v15  }
0x3b: {  	v10 =	vsub.f32 v11, v54;
	v2 =	vor.u32 v43, v12;
	v50 =	vmin.u32 v47, $0x3F  }
0x3c: {  	v26 =	vld [tilespmem:s19+$0x20];
	v4 =	vand.u32 $0x7C00, v4;
	v5 =	vor.u32 v6, v50;
	v6 =	vand.u32 $0x40, v51  }
0x3d: {  	v63 =	vmul.f32 v10, v14;
	v9 =	vor.u32 v43, v5;
	v4 =	vor.u32 v4, v6  }
0x3e: {  	v6 =	vmul.f32 v16, v15;
	v16 =	vshll.u32 v56, $0xC;
	v7 =	vor.u32 v4, v12  }
0x3f: {  	v5 =	vor.u32 v4, v5;
	v4 =	vmul.f32 v44, v15;
	v57 =	vor.u32 v0, v16  }
0x40: {  	v12 =	vsub.f32 v55, v49;
	v16 =	vand.u32 $0x7F000000, v16;
	v13 =	vand.u32 $0xF98000, v57  }
0x41: {  	v15 =	vmul.f32 v58, v14;
	v14 =	vadd.f32 $1.000000000e+00, v26;
	v59 =	vor.u32 v13, v16  }
0x42: {  	v61 =	vld [tilespmem:s19+$0x810];
	v60 =	vmul.f32 v58, v12;
	v12 =	vmul.f32 v12, v10;
	v10 =	vshll.u32 v25, $0x9  }
0x43: {  	v16 =	vmin.u32 v27, $0x3F;
	v31 =	vmul.f32 $3.150000000e+01, v14;
	v14 =	vand.u32 $0x7C00, v32  }
0x44: {  	v25 =	vtrunc.f32 v18;
	v27 =	vshll.u32 v37, $0xC;
	v13 =	vor.u32 v1, v59  }
0x45: {  	v10 =	vand.u32 $0x7C00, v10;
	v25 =	vcvt.f32.s32 v25;
	v40 =	vor.u32 v0, v27  }
0x46: {  	v27 =	vand.u32 $0x7F000000, v27;
	v21 =	vor.u32 v10, v21;
	v23 =	vor.u32 v13, v16  }
0x47: {  	v16 =	vnsel vm14, $0x0, v28;
	v11 =	vmul.f32 v60, v61;
	v34 =	vtrunc.f32 v31  }
0x48: {  	v20 =	vand.u32 $0xFA8000, v40;
	v10 =	vor.u32 v21, v23;
	v16 =	vmin.u32 v16, $0x3F  }
0x49: {  	v24 =	vcvt.f32.s32 v34;
	v26 =	vcvt.s32.f32 v25;
	v20 =	vor.u32 v20, v27  }
0x4a: {  	vm4 =	vgt.s32 v25, $0x0;
	v48 =	vadd.s32 $0x1, v25;
	v13 =	vor.u32 v13, v16  }
0x4b: {  	v16 =	vand.u32 $0x40, v33;
	v20 =	vor.u32 v1, v20;
	v44 =	vnsel vm4, $0x0, v25  }
0x4c: {  	vm7 =	vgt.s32 v48, $0x0;
	v35 =	vor.u32 v14, v16;
	v16 =	vmul.f32 v15, v61  }
0x4d: {  	v17 =	vor.u32 v21, v13;
	v36 =	vcvt.s32.f32 v24;
	v14 =	vmul.f32 v12, v61  }
0x4e: {  	v12 =	vmul.f32 v63, v61;
	v39 =	vadd.f32 $1.000000000e+00, v26;
	vm5 =	vgt.s32 v24, $0x0  }
0x4f: {  	v47 =	vadd.s32 $0x1, v24;
	v15 =	vor.u32 v35, v23;
	v13 =	vor.u32 v35, v13  }
0x50: {  	s31 =	sadd.s32 $0x30, s17;
	v29 =	vnsel vm5, $0x0, v24;
	vm6 =	vgt.s32 v47, $0x0;
	v24 =	vnsel vm7, $0x0, v48  }
0x51: {  	v35 =	vmov s31;
	v38 =	vadd.f32 $1.000000000e+00, v36;
	v22 =	vsub.f32 v31, v36  }
0x52: {  	v19 =	vsub.f32 v39, v18;
	v18 =	vsub.f32 v18, v26;
	v29 =	vmin.u32 v29, $0x3F  }
0x53: {  	v45 =	vld [tilespmem:s19+$0x30];
	v23 =	vnsel vm6, $0x0, v47;
	v51 =	vmin.u32 v24, $0x3F;
	v59 =	vshll.u32 v35, $0xC  }
0x54: {  	v41 =	vld [tilespmem:s19+$0x820];
	v29 =	vor.u32 v20, v29;
	v23 =	vmin.u32 v23, $0x3F;
	v52 =	vshll.u32 v51, $0x6  }
0x55: {  	v60 =	vor.u32 v0, v59;
	v21 =	vsub.f32 v38, v31;
	v43 =	vmul.f32 v19, v22  }
0x56: {  	v32 =	vmul.f32 v18, v22;
	v20 =	vor.u32 v20, v23;
	v23 =	vshll.u32 v51, $0x9  }
0x57: {  	v31 =	vld [tilespmem:s19+$0x430];
	v22 =	vand.u32 $0x40, v52;
	v23 =	vand.u32 $0x7C00, v23;
	v42 =	vmul.f32 v19, v21  }
0x58: {  	v38 =	vld [tilespmem:s19+$0x440];
	v28 =	vmul.f32 v21, v18;
	v19 =	vmin.u32 v44, $0x3F;
	v21 =	vadd.f32 $1.000000000e+00, v45  }
0x59: {  	v25 =	vmul.f32 v43, v41;
	v22 =	vor.u32 v23, v22;
	v30 =	vshll.u32 v19, $0x6  }
0x5a: {  	v19 =	vshll.u32 v19, $0x9;
	v24 =	vor.u32 v22, v29;
	v22 =	vor.u32 v22, v20  }
0x5b: {  	v44 =	vld [tilespmem:s19+$0x40];
	v19 =	vand.u32 $0x7C00, v19;
	v30 =	vand.u32 $0x40, v30;
	v18 =	vmul.f32 v42, v41  }
0x5c: {  	v50 =	vmul.f32 $3.150000000e+01, v21;
	v23 =	vmul.f32 v28, v41;
	v46 =	vor.u32 v19, v30  }
0x5d: {  	v49 =	vadd.f32 $1.000000000e+00, v31;
	v30 =	vand.u32 $0xFB8000, v60;
	v38 =	vadd.f32 $1.000000000e+00, v38  }
0x5e: {  	v21 =	vor.u32 v46, v20;
	v53 =	vtrunc.f32 v50;
	v20 =	vmul.f32 v32, v41  }
0x5f: {  	s21 =	sadd.s32 $0x40, s17;
	v32 =	vand.u32 $0x7F000000, v59;
	v31 =	vmul.f32 $3.150000000e+01, v49;
	v33 =	vcvt.f32.s32 v53  }
0x60: {  	v30 =	vor.u32 v30, v32;
	v32 =	vadd.f32 $1.000000000e+00, v44;
	v44 =	vmov s21  }
0x61: {  	v19 =	vor.u32 v46, v29;
	v30 =	vor.u32 v1, v30;
	v59 =	vshll.u32 v44, $0xC  }
0x62: {  	v54 =	vtrunc.f32 v31;
	v55 =	vcvt.s32.f32 v33;
	vm9 =	vgt.s32 v33, $0x0  }
0x63: {  	v45 =	vadd.s32 $0x1, v33;
	v40 =	vmul.f32 $3.150000000e+01, v32;
	v60 =	vor.u32 v0, v59  }
0x64: {  	v34 =	vcvt.f32.s32 v54;
	v36 =	vnsel vm9, $0x0, v33;
	vm10 =	vgt.s32 v45, $0x0  }
0x65: {  	v57 =	vadd.f32 $1.000000000e+00, v55;
	v27 =	vsub.f32 v50, v55;
	v36 =	vmin.u32 v36, $0x3F  }
0x66: {  	v47 =	vnsel vm10, $0x0, v45;
	v53 =	vtrunc.f32 v40;
	v56 =	vcvt.s32.f32 v34  }
0x67: {  	vm8 =	vgt.s32 v34, $0x0;
	v36 =	vor.u32 v30, v36;
	v46 =	vadd.s32 $0x1, v34  }
0x68: {  	v49 =	vmin.u32 v47, $0x3F;
	v41 =	vcvt.f32.s32 v53;
	v29 =	vsub.f32 v57, v50  }
0x69: {  	v62 =	vnsel vm8, $0x0, v34;
	vm11 =	vgt.s32 v46, $0x0;
	v50 =	vmul.f32 $3.150000000e+01, v38  }
0x6a: {  	v51 =	vor.u32 v30, v49;
	v38 =	vand.u32 $0x7F000000, v59;
	v58 =	vadd.f32 $1.000000000e+00, v56  }
0x6b: {  	v28 =	vsub.f32 v31, v56;
	v43 =	vmin.u32 v62, $0x3F;
	v48 =	vnsel vm11, $0x0, v46  }
0x6c: {  	vm13 =	vgt.s32 v41, $0x0;
	v37 =	vshll.u32 v43, $0x6;
	v54 =	vtrunc.f32 v50  }
0x6d: {  	v26 =	vsub.f32 v58, v31;
	v37 =	vand.u32 $0x40, v37;
	v31 =	vmin.u32 v48, $0x3F  }
0x6e: {  	v42 =	vcvt.f32.s32 v54;
	v52 =	vshll.u32 v31, $0x6;
	v31 =	vshll.u32 v31, $0x9  }
0x6f: {  	v39 =	vld [tilespmem:s19+$0x830];
	v61 =	vmul.f32 v26, v29;
	v63 =	vmul.f32 v26, v27;
	v26 =	vshll.u32 v43, $0x9  }
0x70: {  	v29 =	vmul.f32 v29, v28;
	v28 =	vmul.f32 v28, v27;
	v31 =	vand.u32 $0x7C00, v31  }
0x71: {  	v30 =	vand.u32 $0x40, v52;
	v43 =	vcvt.s32.f32 v41;
	v56 =	vcvt.s32.f32 v42  }
0x72: {  	vm12 =	vgt.s32 v42, $0x0;
	v26 =	vand.u32 $0x7C00, v26;
	v55 =	vor.u32 v31, v30  }
0x73: {  	v45 =	vld [tilespmem:s19+$0x450];
	v52 =	vnsel vm12, $0x0, v42;
	v42 =	vadd.s32 $0x1, v42;
	v37 =	vor.u32 v26, v37  }
0x74: {  	v27 =	vmul.f32 v61, v39;
	v32 =	vmul.f32 v63, v39;
	v31 =	vor.u32 v55, v36  }
0x75: {  	v30 =	vmul.f32 v29, v39;
	v57 =	vadd.f32 $1.000000000e+00, v43;
	v29 =	vor.u32 v55, v51  }
0x76: {  	v58 =	vadd.f32 $1.000000000e+00, v56;
	v28 =	vmul.f32 v28, v39;
	v39 =	vand.u32 $0xFC8000, v60  }
0x77: {  	v34 =	vsub.f32 v50, v56;
	v54 =	vmin.u32 v52, $0x3F;
	v55 =	vnsel vm13, $0x0, v41  }
0x78: {  	v41 =	vadd.s32 $0x1, v41;
	v56 =	vadd.f32 $1.000000000e+00, v45;
	vm15 =	vgt.s32 v42, $0x0  }
0x79: {  	v26 =	vor.u32 v37, v36;
	v33 =	vor.u32 v37, v51;
	v61 =	vor.u32 v39, v38  }
0x7a: {  	v46 =	vshll.u32 v54, $0x6;
	v35 =	vmin.u32 v55, $0x3F;
	v36 =	vsub.f32 v57, v40  }
0x7b: {  	v53 =	vld [tilespmem:s19+$0x50];
	vm14 =	vgt.s32 v41, $0x0;
	v37 =	vsub.f32 v58, v50;
	v40 =	vsub.f32 v40, v43  }
0x7c: {  	v38 =	vor.u32 v1, v61;
	v46 =	vand.u32 $0x40, v46;
	v41 =	vnsel vm14, $0x0, v41  }
0x7d: {  	v39 =	vld [tilespmem:s19+$0x840];
	v43 =	vmul.f32 $3.150000000e+01, v56;
	v58 =	vnsel vm15, $0x0, v42;
	v47 =	vor.u32 v38, v35  }
0x7e: {  	v41 =	vmin.u32 v41, $0x3F;
	v62 =	vmul.f32 v37, v36;
	v37 =	vmul.f32 v37, v40  }
0x7f: {  	v63 =	vmul.f32 v36, v34;
	v40 =	vmul.f32 v34, v40;
	v34 =	vshll.u32 v54, $0x9  }
0x80: {  	v55 =	vld [tilespmem:s19+$0x60];
	v36 =	vadd.f32 $1.000000000e+00, v53;
	v41 =	vor.u32 v38, v41;
	v38 =	vmin.u32 v58, $0x3F  }
0x81: {  	v60 =	vtrunc.f32 v43;
	v34 =	vand.u32 $0x7C00, v34;
	v48 =	vshll.u32 v38, $0x6  }
0x82: {  	v38 =	vshll.u32 v38, $0x9;
	v46 =	vor.u32 v34, v46;
	v34 =	vmul.f32 v62, v39  }
0x83: {  	s22 =	sadd.s32 $0x50, s17;
	v57 =	vmul.f32 $3.150000000e+01, v36;
	v38 =	vand.u32 $0x7C00, v38;
	v48 =	vand.u32 $0x40, v48  }
0x84: {  	s23 =	sadd.s32 $0x60, s17;
	[tilespmem:s19+$0xC00] =	vst v2;
	v37 =	vmul.f32 v37, v39;
	v2 =	vmul.f32 v63, v39;
	v63 =	vmov s22  }
0x85: {  	[tilespmem:s19+$0x2000] =	vst v8;
	v8 =	vmul.f32 v40, v39;
	v39 =	vadd.f32 $1.000000000e+00, v55;
	v55 =	vmov s23  }
0x86: {  	v35 =	vor.u32 v46, v47;
	v36 =	vor.u32 v46, v41;
	v46 =	vcvt.f32.s32 v60  }
0x87: {  	[tilespmem:s19+$0x2820] =	vst v20;
	v48 =	vor.u32 v38, v48;
	v20 =	vshll.u32 v55, $0xC;
	v59 =	vtrunc.f32 v57  }
0x88: {  	[tilespmem:s19+$0x1C00] =	vst v3;
	v38 =	vor.u32 v48, v47;
	v3 =	vor.u32 v48, v41;
	v42 =	vcvt.f32.s32 v59  }
0x89: {  	v48 =	vshll.u32 v63, $0xC;
	v44 =	vmul.f32 $3.150000000e+01, v39;
	v50 =	vcvt.s32.f32 v46  }
0x8a: {  	[tilespmem:s19+$0x1000] =	vst v9;
	v41 =	vor.u32 v0, v48;
	v40 =	vand.u32 $0x7F000000, v48;
	v49 =	vcvt.s32.f32 v42  }
0x8b: {  	[tilespmem:s19+$0x1400] =	vst v7;
	vm4 =	vgt.s32 v46, $0x0;
	v41 =	vand.u32 $0xFD8000, v41;
	v62 =	vadd.f32 $1.000000000e+00, v50  }
0x8c: {  	[tilespmem:s19+$0x2400] =	vst v6;
	v54 =	vnsel vm4, $0x0, v46;
	v50 =	vsub.f32 v43, v50;
	v61 =	vadd.f32 $1.000000000e+00, v49  }
0x8d: {  	[tilespmem:s19+$0x1800] =	vst v5;
	v51 =	vor.u32 v41, v40;
	v49 =	vsub.f32 v57, v49;
	v9 =	vsub.f32 v62, v43  }
0x8e: {  	[tilespmem:s19+$0x2800] =	vst v4;
	v58 =	vld [tilespmem:s19+$0x460];
	vm5 =	vgt.s32 v42, $0x0;
	v5 =	vor.u32 v1, v51;
	v43 =	vadd.s32 $0x1, v46  }
0x8f: {  	[tilespmem:s19+$0xC10] =	vst v10;
	vm7 =	vgt.s32 v43, $0x0;
	v47 =	vsub.f32 v61, v57;
	v53 =	vmul.f32 v9, v49  }
0x90: {  	[tilespmem:s19+$0x1C10] =	vst v11;
	v62 =	vld [tilespmem:s19+$0x850];
	v57 =	vnsel vm5, $0x0, v42;
	v42 =	vadd.s32 $0x1, v42;
	v6 =	vmul.f32 v50, v49  }
0x91: {  	[tilespmem:s19+$0x1010] =	vst v17;
	vm6 =	vgt.s32 v42, $0x0;
	v63 =	vmin.u32 v57, $0x3F;
	v52 =	vmul.f32 v9, v47  }
0x92: {  	[tilespmem:s19+$0x2010] =	vst v16;
	v56 =	vmul.f32 v47, v50;
	v9 =	vmin.u32 v54, $0x3F;
	v61 =	vnsel vm6, $0x0, v42  }
0x93: {  	[tilespmem:s19+$0x1410] =	vst v15;
	v41 =	vor.u32 v5, v63;
	v42 =	vadd.f32 $1.000000000e+00, v58;
	v47 =	vtrunc.f32 v44  }
0x94: {  	[tilespmem:s19+$0x2410] =	vst v14;
	v59 =	vshll.u32 v9, $0x6;
	v9 =	vshll.u32 v9, $0x9;
	v17 =	vcvt.f32.s32 v47  }
0x95: {  	[tilespmem:s19+$0x1810] =	vst v13;
	v4 =	vmul.f32 v53, v62;
	v6 =	vmul.f32 v6, v62;
	v9 =	vand.u32 $0x7C00, v9  }
0x96: {  	[tilespmem:s19+$0x2810] =	vst v12;
	v11 =	vand.u32 $0x40, v59;
	v15 =	vmul.f32 $3.150000000e+01, v42;
	v46 =	vmul.f32 v52, v62  }
0x97: {  	[tilespmem:s19+$0x2020] =	vst v25;
	v10 =	vmul.f32 v56, v62;
	v56 =	vor.u32 v0, v20;
	v20 =	vand.u32 $0x7F000000, v20  }
0x98: {  	[tilespmem:s19+$0x1420] =	vst v24;
	v60 =	vor.u32 v9, v11;
	v9 =	vmin.u32 v61, $0x3F;
	v50 =	vcvt.s32.f32 v17  }
0x99: {  	[tilespmem:s19+$0x1820] =	vst v22;
	vm9 =	vgt.s32 v17, $0x0;
	v5 =	vor.u32 v5, v9;
	v45 =	vor.u32 v60, v41  }
0x9a: {  	s24 =	sadd.s32 $0x70, s17;
	[tilespmem:s19+$0x2830] =	vst v28;
	v9 =	vnsel vm7, $0x0, v43;
	v48 =	vtrunc.f32 v15;
	v28 =	vnsel vm9, $0x0, v17  }
0x9b: {  	[tilespmem:s19+$0x1C20] =	vst v18;
	v17 =	vadd.s32 $0x1, v17;
	v43 =	vmov s24;
	v9 =	vmin.u32 v9, $0x3F  }
0x9c: {  	[tilespmem:s19+$0x2420] =	vst v23;
	v18 =	vcvt.f32.s32 v48;
	v7 =	vor.u32 v60, v5;
	v52 =	vadd.f32 $1.000000000e+00, v50  }
0x9d: {  	[tilespmem:s19+$0xC20] =	vst v19;
	v61 =	vld [tilespmem:s19+$0x470];
	vm10 =	vgt.s32 v17, $0x0;
	v49 =	vshll.u32 v9, $0x6;
	v9 =	vshll.u32 v9, $0x9  }
0x9e: {  	[tilespmem:s19+$0x1020] =	vst v21;
	v13 =	vsub.f32 v44, v50;
	v17 =	vnsel vm10, $0x0, v17;
	v9 =	vand.u32 $0x7C00, v9  }
0x9f: {  	[tilespmem:s19+$0x1430] =	vst v31;
	v19 =	vand.u32 $0x40, v49;
	v51 =	vcvt.s32.f32 v18;
	v54 =	vsub.f32 v52, v44  }
0xa0: {  	[tilespmem:s19+$0x1830] =	vst v29;
	v60 =	vld [tilespmem:s19+$0x70];
	vm8 =	vgt.s32 v18, $0x0;
	v17 =	vmin.u32 v17, $0x3F;
	v9 =	vor.u32 v9, v19  }
0xa1: {  	[tilespmem:s19+$0xC30] =	vst v26;
	v19 =	vand.u32 $0xFE8000, v56;
	v57 =	vnsel vm8, $0x0, v18;
	v18 =	vadd.s32 $0x1, v18  }
0xa2: {  	[tilespmem:s19+$0x1C30] =	vst v27;
	v24 =	vadd.f32 $1.000000000e+00, v61;
	v14 =	vor.u32 v9, v41;
	v5 =	vor.u32 v9, v5  }
0xa3: {  	[tilespmem:s19+$0x1030] =	vst v33;
	v53 =	vadd.f32 $1.000000000e+00, v51;
	v19 =	vor.u32 v19, v20;
	v21 =	vmin.u32 v57, $0x3F  }
0xa4: {  	[tilespmem:s19+$0x2030] =	vst v32;
	vm11 =	vgt.s32 v18, $0x0;
	v59 =	vshll.u32 v21, $0x6;
	v21 =	vshll.u32 v21, $0x9  }
0xa5: {  	[tilespmem:s19+$0x2430] =	vst v30;
	v19 =	vor.u32 v1, v19;
	v23 =	vadd.f32 $1.000000000e+00, v60;
	v18 =	vnsel vm11, $0x0, v18  }
0xa6: {  	[tilespmem:s19+$0xC40] =	vst v35;
	v24 =	vmul.f32 $3.150000000e+01, v24;
	v9 =	vsub.f32 v53, v15;
	v15 =	vsub.f32 v15, v51  }
0xa7: {  	[tilespmem:s19+$0x1C40] =	vst v34;
	v21 =	vand.u32 $0x7C00, v21;
	v22 =	vand.u32 $0x40, v59;
	v18 =	vmin.u32 v18, $0x3F  }
0xa8: {  	[tilespmem:s19+$0x2440] =	vst v2;
	v2 =	vor.u32 v19, v17;
	v62 =	vor.u32 v21, v22;
	v22 =	vmin.u32 v28, $0x3F  }
0xa9: {  	[tilespmem:s19+$0x1040] =	vst v36;
	v63 =	vld [tilespmem:s19+$0x860];
	v23 =	vmul.f32 $3.150000000e+01, v23;
	v30 =	vshll.u32 v18, $0x6;
	v33 =	vtrunc.f32 v24  }
0xaa: {  	[tilespmem:s19+$0x1840] =	vst v3;
	v3 =	vshll.u32 v18, $0x9;
	v58 =	vmul.f32 v9, v54;
	v9 =	vmul.f32 v9, v13  }
0xab: {  	[tilespmem:s19+$0x2040] =	vst v37;
	v11 =	vmul.f32 v54, v15;
	v13 =	vmul.f32 v15, v13;
	v22 =	vor.u32 v19, v22  }
0xac: {  	[tilespmem:s19+$0x2840] =	vst v8;
	v3 =	vand.u32 $0x7C00, v3;
	v34 =	vand.u32 $0x40, v30;
	v35 =	vcvt.f32.s32 v33  }
0xad: {  	[tilespmem:s19+$0x1440] =	vst v38;
	v36 =	vor.u32 v62, v2;
	v29 =	vor.u32 v62, v22;
	v31 =	vtrunc.f32 v23  }
0xae: {  	[tilespmem:s19+$0x2050] =	vst v4;
	v3 =	vor.u32 v3, v34;
	v20 =	vmul.f32 v58, v63;
	v32 =	vcvt.f32.s32 v31  }
0xaf: {  	[tilespmem:s19+$0x2850] =	vst v6;
	v9 =	vmul.f32 v9, v63;
	v38 =	vor.u32 v3, v22;
	v39 =	vcvt.s32.f32 v35  }
0xb0: {  	[tilespmem:s19+$0x1C50] =	vst v46;
	v40 =	vmul.f32 v11, v63;
	v2 =	vor.u32 v3, v2;
	v41 =	vmul.f32 v13, v63  }
0xb1: {  	[tilespmem:s19+$0x2450] =	vst v10;
	v13 =	vshll.u32 v43, $0xC;
	vm12 =	vgt.s32 v35, $0x0;
	v54 =	vadd.s32 $0x1, v35  }
0xb2: {  	[tilespmem:s19+$0xC50] =	vst v45;
	v45 =	vor.u32 v0, v13;
	v46 =	vand.u32 $0x7F000000, v13;
	v47 =	vnsel vm12, $0x0, v35  }
0xb3: {  	[tilespmem:s19+$0x1050] =	vst v7;
	vm15 =	vgt.s32 v54, $0x0;
	v37 =	vcvt.s32.f32 v32;
	v42 =	vadd.f32 $1.000000000e+00, v39  }
0xb4: {  	[tilespmem:s19+$0x1450] =	vst v14;
	v11 =	vand.u32 $0xFF8000, v45;
	v48 =	vsub.f32 v24, v39;
	v49 =	vmin.u32 v47, $0x3F  }
0xb5: {  	[tilespmem:s19+$0x1860] =	vst v2;
	vm13 =	vgt.s32 v32, $0x0;
	v50 =	vadd.s32 $0x1, v32;
	v2 =	vnsel vm15, $0x0, v54  }
0xb6: {  	[tilespmem:s19+$0x1850] =	vst v5;
	v5 =	vor.u32 v11, v46;
	v13 =	vshll.u32 v49, $0x6;
	v11 =	vshll.u32 v49, $0x9  }
0xb7: {  	[tilespmem:s19+$0x1060] =	vst v36;
	v52 =	vnsel vm13, $0x0, v32;
	vm14 =	vgt.s32 v50, $0x0;
	v3 =	vadd.f32 $1.000000000e+00, v37  }
0xb8: {  	[tilespmem:s19+$0xC60] =	vst v29;
	v2 =	vmin.u32 v2, $0x3F;
	v8 =	vsub.f32 v23, v37;
	v44 =	vsub.f32 v42, v24  }
0xb9: {  	[tilespmem:s19+$0x1460] =	vst v38;
	v11 =	vand.u32 $0x7C00, v11;
	v13 =	vand.u32 $0x40, v13;
	v53 =	vnsel vm14, $0x0, v50  }
0xba: {  	[tilespmem:s19+$0x1C60] =	vst v20;
	v5 =	vor.u32 v1, v5;
	v59 =	vshll.u32 v2, $0x6;
	v2 =	vshll.u32 v2, $0x9  }
0xbb: {  	v51 =	vld [tilespmem:s19+$0x870];
	[tilespmem:s19+$0x2060] =	vst v9;
	v11 =	vor.u32 v11, v13;
	v13 =	vmin.u32 v52, $0x3F;
	v9 =	vmin.u32 v53, $0x3F  }
0xbc: {  	[tilespmem:s19+$0x2460] =	vst v40;
	v2 =	vand.u32 $0x7C00, v2;
	v61 =	vand.u32 $0x40, v59;
	v13 =	vor.u32 v5, v13  }
0xbd: {  	[tilespmem:s19+$0x2860] =	vst v41;
	v3 =	vsub.f32 v3, v23;
	v5 =	vor.u32 v5, v9;
	v57 =	vor.u32 v11, v13  }
0xbe: {  	v56 =	vmul.f32 v44, v8;
	v2 =	vor.u32 v2, v61;
	v58 =	vor.u32 v11, v5;
	[tilespmem:s19+$0xC70] =	vst v57  }
0xbf: {  	v63 =	vor.u32 v2, v13;
	v55 =	vmul.f32 v44, v3;
	v3 =	vmul.f32 v3, v48;
	[tilespmem:s19+$0x1070] =	vst v58  }
0xc0: {  	v2 =	vor.u32 v2, v5;
	v60 =	vmul.f32 v56, v51;
	[tilespmem:s19+$0x1470] =	vst v63  }
0xc1: {  	v62 =	vmul.f32 v48, v8;
	[tilespmem:s19+$0x1870] =	vst v2;
	v3 =	vmul.f32 v3, v51  }
0xc2: {  	v7 =	vmul.f32 v55, v51;
	[tilespmem:s19+$0x2070] =	vst v60  }
0xc3: {  	[tilespmem:s19+$0x2470] =	vst v3;
	v3 =	vmul.f32 v62, v51  }
0xc4: {  	[tilespmem:s19+$0x1C70] =	vst v7  }
0xc5: {  	s25 =	sadd.s32 $0xC00, s19;
	s21 =	sadd.s32 $0x2C00, s19;
	[tilespmem:s19+$0x2870] =	vst v3  }
0xc6: {  	[tilespmem:s21], [sflag:$0x1] =	stream.indirect.gather [hbm4b:s1+s13], $0x1, s25, s13, $0xb8;
	[tilespmem:$0x3C80] =	vst v63  }
0xc7: {  	p0 =	sne.s32 s18, $0xE00;
	s26 =	sadd.s32 $0x1000, s19;
	s28 =	sadd.s32 $0x3000, s19  }
0xc8: {  	[tilespmem:s28], [sflag:$0x1] =	stream.indirect.gather [hbm4b:s1+s13], $0x1, s26, s13, $0xb8;
	[tilespmem:$0x3C80] =	vst v63  }
.Ltmp0:
0xc9: {  	_ = 	snop;
	(pc) =	sbr.rel @p0 .LBB2_2-.Ltmp0, $4  }
0xca: {  	s17 =	sadd.s32 $0x80, s17;
	s29 =	sadd.s32 $0x1400, s19;
	s30 =	sadd.s32 $0x3400, s19  }
0xcb: {  	[tilespmem:s30], [sflag:$0x1] =	stream.indirect.gather [hbm4b:s1+s13], $0x1, s29, s13, $0xb8;
	[tilespmem:$0x3C80] =	vst v63  }
0xcc: {  	s18 =	sadd.s32 $0x200, s18;
	s31 =	sadd.s32 $0x1800, s19;
	s19 =	sadd.s32 $0x3800, s19  }
0xcd: {  	[tilespmem:s19], [sflag:$0x1] =	stream.indirect.gather [hbm4b:s1+s13], $0x1, s31, s13, $0xb8;
	[tilespmem:$0x3C80] =	vst v63  }
0xce: {  	_ =	swait.ge [sflag:s14], $0x1000  }
0xcf: {  	[sflag:s14] =	ssyncset.done $0x0  }
0xd0: {  	s20 =	simm.s32 $0x2400;
	[sflag:s14] =	ssyncadd.s32 $0xFFFFF000  }
0xd1: {  	s17 =	simm.s32 $0x810;
	v3 =	vld [tilespmem:s20+$0x400]  }
0xd2: {  	s18 =	simm.s32 $0x3400;
	v4 =	vld [tilespmem:s17+$0xFFFFFFF0]  }
0xd3: {  	v2 =	vld [tilespmem:s18+$0xFFFFF800]  }
0xd4: {  	v5 =	vld [tilespmem:s20+$0xFFFFF800]  }
0xd5: {  	v6 =	vld [tilespmem:s18+$0xFFFFFC00]  }
0xd6: {  	v7 =	vld [tilespmem:s20+$0xFFFFFC00]  }
0xd7: {  	v8 =	vld [tilespmem:s18+$0x0]  }
0xd8: {  	v9 =	vld [tilespmem:s20+$0x0];
	v2 =	vmul.f32 v2, v4  }
0xd9: {  	v10 =	vld [tilespmem:s18+$0x400]  }
0xda: {  	v12 =	vld [tilespmem:s18+$0xFFFFF810];
	v6 =	vmul.f32 v6, v4;
	v5 =	vsub.f32 v2, v5  }
0xdb: {  	v11 =	vimm.f32 $0.0e+00;
	v2 =	vld [tilespmem:s17+$0x0]  }
0xdc: {  	v13 =	vld [tilespmem:s20+$0xFFFFF810];
	v6 =	vsub.f32 v6, v7;
	v7 =	vmul.f32 v8, v4;
	v5 =	vand.u32 $0x7FFFFFFF, v5  }
0xdd: {  	v14 =	vld [tilespmem:s18+$0xFFFFFC10];
	v5 =	vadd.f32 v5, v11  }
0xde: {  	v6 =	vand.u32 $0x7FFFFFFF, v6;
	v8 =	vsub.f32 v7, v9;
	v9 =	vmul.f32 v10, v4;
	v4 =	vld [tilespmem:s20+$0xFFFFFC10]  }
0xdf: {  	v7 =	vld [tilespmem:s18+$0x10];
	v5 =	vadd.f32 v6, v5  }
0xe0: {  	v9 =	vsub.f32 v9, v3;
	v3 =	vld [tilespmem:s20+$0x10];
	v6 =	vand.u32 $0x7FFFFFFF, v8;
	v10 =	vmul.f32 v12, v2  }
0xe1: {  	v8 =	vadd.f32 v6, v5;
	v5 =	vld [tilespmem:s18+$0x410]  }
0xe2: {  	s19 =	simm.s32 $0x0;
	v11 =	vand.u32 $0x7FFFFFFF, v9;
	v9 =	vsub.f32 v10, v13;
	v10 =	vmul.f32 v14, v2;
	v6 =	vld [tilespmem:s20+$0x410];
	s20 =	simm.s32 $0x2420  }
.LBB2_4:
0xe3: {  	v12 =	vld [tilespmem:s20+$0x400];
	v8 =	vadd.f32 v11, v8;
	s17 =	sadd.s32 $0x20, s17  }
0xe4: {  	s18 =	sadd.s32 $0x20, s18;
	v11 =	vld [tilespmem:s17+$0xFFFFFFF0];
	v9 =	vand.u32 $0x7FFFFFFF, v9;
	v4 =	vsub.f32 v10, v4;
	v7 =	vmul.f32 v7, v2  }
0xe5: {  	s19 =	sadd.s32 $0x2, s19;
	v10 =	vld [tilespmem:s18+$0xFFFFF800];
	v8 =	vadd.f32 v9, v8  }
0xe6: {  	p0 =	slt.u32 s19, $0x3E;
	v9 =	vld [tilespmem:s20+$0xFFFFF800];
	v4 =	vand.u32 $0x7FFFFFFF, v4;
	v3 =	vsub.f32 v7, v3;
	v2 =	vmul.f32 v5, v2  }
0xe7: {  	v5 =	vld [tilespmem:s18+$0xFFFFFC00];
	v4 =	vadd.f32 v4, v8  }
0xe8: {  	v7 =	vld [tilespmem:s20+$0xFFFFFC00];
	v3 =	vand.u32 $0x7FFFFFFF, v3;
	v2 =	vsub.f32 v2, v6  }
0xe9: {  	v6 =	vld [tilespmem:s18+$0x0];
	v3 =	vadd.f32 v3, v4  }
0xea: {  	v4 =	vmul.f32 v10, v11;
	v8 =	vld [tilespmem:s20+$0x0];
	v2 =	vand.u32 $0x7FFFFFFF, v2  }
0xeb: {  	v10 =	vld [tilespmem:s18+$0x400];
	v3 =	vadd.f32 v2, v3  }
0xec: {  	v4 =	vsub.f32 v4, v9;
	v5 =	vmul.f32 v5, v11;
	v2 =	vld [tilespmem:s17+$0x0]  }
0xed: {  	v9 =	vld [tilespmem:s18+$0xFFFFF810]  }
0xee: {  	v4 =	vand.u32 $0x7FFFFFFF, v4;
	v5 =	vsub.f32 v5, v7;
	v6 =	vmul.f32 v6, v11;
	v13 =	vld [tilespmem:s20+$0xFFFFF810]  }
0xef: {  	v3 =	vadd.f32 v4, v3;
	v14 =	vld [tilespmem:s18+$0xFFFFFC10]  }
.Ltmp1:
0xf0: {  	v5 =	vand.u32 $0x7FFFFFFF, v5;
	v6 =	vsub.f32 v6, v8;
	v8 =	vmul.f32 v10, v11;
	v4 =	vld [tilespmem:s20+$0xFFFFFC10];
	(pc) =	sbr.rel @p0 .LBB2_4-.Ltmp1, $4  }
0xf1: {  	v5 =	vadd.f32 v5, v3;
	v7 =	vld [tilespmem:s18+$0x10]  }
0xf2: {  	v6 =	vand.u32 $0x7FFFFFFF, v6;
	v10 =	vsub.f32 v8, v12;
	v9 =	vmul.f32 v9, v2;
	v3 =	vld [tilespmem:s20+$0x10]  }
0xf3: {  	v8 =	vadd.f32 v6, v5;
	v5 =	vld [tilespmem:s18+$0x410]  }
0xf4: {  	v11 =	vand.u32 $0x7FFFFFFF, v10;
	v9 =	vsub.f32 v9, v13;
	v10 =	vmul.f32 v14, v2;
	v6 =	vld [tilespmem:s20+$0x410];
	s20 =	sadd.s32 $0x20, s20  }
0xf5: {  	v8 =	vadd.f32 v11, v8  }
0xf6: {  	v9 =	vand.u32 $0x7FFFFFFF, v9;
	v4 =	vsub.f32 v10, v4;
	v7 =	vmul.f32 v7, v2  }
0xf7: {  	v8 =	vadd.f32 v9, v8  }
0xf8: {  	v4 =	vand.u32 $0x7FFFFFFF, v4;
	v3 =	vsub.f32 v7, v3;
	v2 =	vmul.f32 v5, v2  }
0xf9: {  	v4 =	vadd.f32 v4, v8  }
0xfa: {  	v3 =	vand.u32 $0x7FFFFFFF, v3;
	v2 =	vsub.f32 v2, v6  }
0xfb: {  	v3 =	vadd.f32 v3, v4  }
0xfc: {  	v2 =	vand.u32 $0x7FFFFFFF, v2  }
0xfd: {  	v2 =	vadd.f32 v2, v3;
	_ =	sdelay $0x1  }
0xfe: {  	s16 =	sadd.s32 $0x1, s16;
	v2 =	vmul.f32 $7.629394530e-06, v2  }
0xff: {  	p0 =	sne.s32 s16, s8  }
.Ltmp2:
0x100: {  	[tilespmem:$0x3C00] =	vst v2;
	(pc) =	sbr.rel @p0 .LBB2_1-.Ltmp2, $4  }
0x101: {  	[hbm4b:s7+s3] =	stream.linear.scatter [tilespmem:s15], [sflag:$0x2], $0x80, $0x38;
	[tilespmem:$0x3C80] =	vst v63  }
0x102: {  	_ =	swait.ge [sflag:s10], $0x80  }
0x103: {  	[sflag:s10] =	ssyncset.done $0x0  }
0x104: {  	[sflag:s10] =	ssyncadd.s32 $0xFFFFFF80  }
0x105: {  	_ =	sfence.sel $0x180000  }
0x106: {  	[bflag:$0x0] =	sbarrier.arrive $0xFFFF  }
0x107: {  	p0 =	sne.s32 s2, $0x0;
	_ =	strace $0x90000047  }
0x108: {  	s0 =	sadd.s32 @!p0 $0x100000, s0;
	[bflag:$0x2] =	sbarrier.arrive $0xFFFF  }
0x109: {  	[sflag:s0] =	ssyncadd.tile.s32 @!p0 $0x1;
	_ =	shalt  }
.Lfunc_end2:
_tile_overlayer_lowered:
.L_overlay_start_2:
0x10a: {  	(tag) =	ssettag $0x2  }
0x10b: {  	s0 =	rddreg [dreg:$0x0];
	s2 =	stileid.u32  }
0x10c: {  	s1 =	rddreg [dreg:$0x1];
	p0 =	sne.s32 s2, $0x0  }
0x10d: {  	s3 =	rddreg [dreg:$0x2];
	[bflag:$0x3] =	sbarrier.arrive $0xFFFF;
	s2 =	simm.s32 @!p0 $0x1C02  }
0x10e: {  	[timem:s3], [sflag:s2] =	dma.local @!p0 [hbm:s0], s1  }
0x10f: {  	s0 =	simm.s32 @!p0 $0x2  }
0x110: {  	_ =	swait.ge @!p0 [sflag:s0], s1  }
0x111: {  	s1 =	ssub.s32 @!p0 $0x0, s1;
	[sflag:s0] =	ssyncset.done @!p0 $0x0  }
0x112: {  	[sflag:s0] =	ssyncadd.s32 @!p0 s1  }
0x113: {  	[bflag:$0x3] =	sbarrier.arrive $0xFFFF  }
0x114: {  	_ =	shalt  }

</sc_bundles>
